<compile_context>
chip_gen: v7x
topology: tpu7x:2x2x1
jax: 0.10.2.dev20260603
libtpu: 0.0.44.dev20260713+nightly
codegen_flags: <defaults>
</compile_context>

<pallas_src>
import functools

import jax
import jax.numpy as jnp
from jax import lax
from jax.experimental import pallas as pl
from jax.experimental.pallas import tpu as pltpu
from jax.experimental.pallas import tpu_sc as plsc

N = 10000
E = 320000
D = 128
FH = D // 2
NG = 16
NC = 2
NS = 16
NW = NC * NS
ECH = 128
ER = E // ECH
NCD = 72
NCP = 152
NBUF = 4
NPT = N // NS
NRW = 632
NPAD = 10240
DPT = NPAD // NS

RB = 2000
NBLK = N // RB


@functools.lru_cache(maxsize=None)
def _sc_mesh():
  return plsc.VectorSubcoreMesh(
      core_axis_name="c", subcore_axis_name="s", num_cores=NC, num_subcores=NS)


@functools.lru_cache(maxsize=None)
def _deg_kernel():
  return pl.kernel(
      _deg_body,
      out_type=jax.ShapeDtypeStruct((NC, NPAD), jnp.float32),
      mesh=_sc_mesh(),
      scratch_types=[
          pltpu.VMEM((NCD + 8, ECH), jnp.int32),
          pltpu.VMEM((DPT,), jnp.float32),
          pltpu.VMEM((DPT,), jnp.float32),
          pltpu.VMEM_SHARED((NPAD,), jnp.float32)
      ],
  )


def _deg_call(dst3):
  return _deg_kernel()(dst3)


def _deg_body(dst_hbm, out_hbm, didx_v, ones_v, init_v, deg_sh):
  cid = lax.axis_index("c")
  sid = lax.axis_index("s")
  wid = sid * NC + cid
  pltpu.sync_copy(dst_hbm.at[pl.ds(wid * NCD, NCD)],
                  didx_v.at[pl.ds(0, NCD)])
  base = NW * NCD
  nch = NCD + jnp.where(wid < 24, 8, 0) + jnp.where(wid == 24, 4, 0)

  @pl.when(wid < 24)
  def _extra_idx():
    ofs = pl.multiple_of(base + wid * 8, 8)
    pltpu.sync_copy(dst_hbm.at[pl.ds(ofs, 8)], didx_v.at[pl.ds(NCD, 8)])

  @pl.when(wid == 24)
  def _last_idx():
    pltpu.sync_copy(dst_hbm.at[pl.ds(2496, 4)], didx_v.at[pl.ds(NCD, 4)])

  one = jnp.ones((16,), jnp.float32)
  seed = one * jnp.where(cid == 0, 1.0, 0.0).astype(jnp.float32)

  @pl.loop(0, DPT // 16)
  def _fill(i):
    ones_v[pl.ds(i * 16, 16)] = one
    init_v[pl.ds(i * 16, 16)] = seed

  pltpu.sync_copy(init_v, deg_sh.at[pl.ds(sid * DPT, DPT)])
  plsc.subcore_barrier()

  @pl.loop(0, nch)
  def _scatter(j):
    pltpu.sync_copy(ones_v.at[pl.ds(0, ECH)], deg_sh.at[didx_v.at[j]],
                    add=True)

  plsc.subcore_barrier()
  pltpu.sync_copy(deg_sh.at[pl.ds(sid * DPT, DPT)],
                  out_hbm.at[cid, pl.ds(sid * DPT, DPT)])


@functools.lru_cache(maxsize=None)
def _prop_kernel():
  return pl.kernel(
      _prop_body,
      out_type=jax.ShapeDtypeStruct((N, D), jnp.float32),
      mesh=_sc_mesh(),
      scratch_types=[
          pltpu.VMEM((NCP + 8, ECH), jnp.int32),
          pltpu.VMEM((NCP + 8, ECH), jnp.int32),
          [pltpu.VMEM((ECH, FH), jnp.float32) for _ in range(NBUF)],
          pltpu.VMEM_SHARED((N, FH), jnp.float32),
          [pltpu.SemaphoreType.DMA for _ in range(NBUF)],
      ],
      compiler_params=pltpu.CompilerParams(use_tc_tiling_on_sc=False),
  )


def _prop_call(table, src3, dst3):
  return _prop_kernel()(table, src3, dst3)


def _prop_body(table_hbm, src_hbm, dst_hbm, out_hbm, sidx_v, didx_v, rows,
               acc_sh, sems):
  cid = lax.axis_index("c")
  sid = lax.axis_index("s")
  pltpu.sync_copy(src_hbm.at[pl.ds(sid * NCP, NCP)],
                  sidx_v.at[pl.ds(0, NCP)])
  pltpu.sync_copy(dst_hbm.at[pl.ds(sid * NCP, NCP)],
                  didx_v.at[pl.ds(0, NCP)])
  base = NS * NCP
  nch = NCP + jnp.where(sid < 8, 8, 0) + jnp.where(sid == 8, 4, 0)

  @pl.when(sid < 8)
  def _extra_idx():
    ofs = pl.multiple_of(base + sid * 8, 8)
    pltpu.sync_copy(src_hbm.at[pl.ds(ofs, 8)], sidx_v.at[pl.ds(NCP, 8)])
    pltpu.sync_copy(dst_hbm.at[pl.ds(ofs, 8)], didx_v.at[pl.ds(NCP, 8)])

  @pl.when(sid == 8)
  def _last_idx():
    pltpu.sync_copy(src_hbm.at[pl.ds(2496, 4)], sidx_v.at[pl.ds(NCP, 4)])
    pltpu.sync_copy(dst_hbm.at[pl.ds(2496, 4)], didx_v.at[pl.ds(NCP, 4)])

  row0 = pl.multiple_of(sid * NPT - lax.rem(sid, 8), 8)
  pltpu.sync_copy(table_hbm.at[cid, pl.ds(row0, NRW)],
                  acc_sh.at[pl.ds(row0, NRW)])
  plsc.subcore_barrier()

  def gather(j, b):
    pltpu.async_copy(table_hbm.at[cid].at[sidx_v.at[j]], rows[b], sems[b])

  def wait(j, b):
    pltpu.make_async_copy(
        table_hbm.at[cid].at[sidx_v.at[j]], rows[b], sems[b]).wait()

  for b in range(NBUF):
    gather(b, b)

  @pl.loop(0, nch // NBUF)
  def _edges(jj):
    j0 = jj * NBUF
    for b in range(NBUF):
      j = j0 + b
      wait(j, b)
      pltpu.sync_copy(rows[b], acc_sh.at[didx_v.at[j]], add=True)
      jn = j + NBUF
      jn = jnp.where(jn < nch, jn, b)
      gather(jn, b)

  for b in range(NBUF):
    wait(b, b)

  plsc.subcore_barrier()
  pltpu.sync_copy(acc_sh.at[pl.ds(row0, NRW)],
                  out_hbm.at[pl.ds(row0, NRW), pl.ds(cid * FH, FH)])



def _prep_body(degp_ref, x_ref, dinv_ref, xs_ref):
  deg = degp_ref[:, 0:1] + degp_ref[:, 1:2]
  dinv = lax.rsqrt(deg)
  dinv_ref[...] = dinv
  xs = x_ref[...] * dinv
  xs_ref[0] = xs[:, :FH]
  xs_ref[1] = xs[:, FH:]


def _prep_call(degp_t, x):
  return pl.pallas_call(
      _prep_body,
      grid=(NBLK,),
      in_specs=[
          pl.BlockSpec((RB, 2), lambda i: (i, 0)),
          pl.BlockSpec((RB, D), lambda i: (i, 0)),
      ],
      out_specs=[
          pl.BlockSpec((RB, 1), lambda i: (i, 0)),
          pl.BlockSpec((NC, RB, FH), lambda i: (0, i, 0)),
      ],
      out_shape=[
          jax.ShapeDtypeStruct((N, 1), jnp.float32),
          jax.ShapeDtypeStruct((NC, N, FH), jnp.float32),
      ],
  )(degp_t, x)


def _mid_body(acc_ref, dinv_ref, w1_ref, b1_ref, hs_ref):
  p = acc_ref[...] * dinv_ref[...]
  h = jnp.dot(p, w1_ref[...], preferred_element_type=jnp.float32)
  h = jnp.maximum(h + b1_ref[...], 0.0)
  hs = h * dinv_ref[...]
  hs_ref[0] = hs[:, :FH]
  hs_ref[1] = hs[:, FH:]


def _mid_call(acc, dinv, w1, b1):
  return pl.pallas_call(
      _mid_body,
      grid=(NBLK,),
      in_specs=[
          pl.BlockSpec((RB, D), lambda i: (i, 0)),
          pl.BlockSpec((RB, 1), lambda i: (i, 0)),
          pl.BlockSpec((D, D), lambda i: (0, 0)),
          pl.BlockSpec((1, D), lambda i: (0, 0)),
      ],
      out_specs=pl.BlockSpec((NC, RB, FH), lambda i: (0, i, 0)),
      out_shape=jax.ShapeDtypeStruct((NC, N, FH), jnp.float32),
  )(acc, dinv, w1, b1)


def _final_body(acc_ref, dinv_ref, batch_ref, w2_ref, b2_ref,
                ddi_ref, wg1_ref, bg1_ref, wg2_ref, bg2_ref,
                wf1_ref, bf1_ref, wf2_ref, bf2_ref, wf3_ref, bf3_ref,
                pool_ref, out_ref):
  i = pl.program_id(0)
  p = acc_ref[...] * dinv_ref[...]
  h2 = jnp.dot(p, w2_ref[...], preferred_element_type=jnp.float32)
  h2 = jnp.maximum(h2 + b2_ref[...], 0.0)

  neg = jnp.float32(-jnp.inf)

  @pl.when(i == 0)
  def _init():
    pool_ref[...] = jnp.full((NG, 2 * D), neg, jnp.float32)
    out_ref[...] = jnp.zeros((NG, 33), jnp.float32)

  b = batch_ref[...]
  for g in range(NG):
    cand = jnp.max(jnp.where(b == g, h2, neg), axis=0, keepdims=True)
    pool_ref[pl.ds(g, 1), :] = jnp.maximum(pool_ref[pl.ds(g, 1), :], cand)

  @pl.when(i == NBLK - 1)
  def _mlp():
    pooled = pool_ref[...]
    g1 = jnp.dot(pooled, wg1_ref[...], preferred_element_type=jnp.float32)
    g1 = jnp.maximum(g1 + bg1_ref[...], 0.0)
    g2 = jnp.dot(g1, wg2_ref[...], preferred_element_type=jnp.float32)
    g2 = g2 + bg2_ref[...]
    d1 = jnp.dot(ddi_ref[...], wf1_ref[...],
                 preferred_element_type=jnp.float32)
    d1 = jnp.maximum(d1 + bf1_ref[...], 0.0)
    d2 = jnp.dot(d1, wf2_ref[...], preferred_element_type=jnp.float32)
    d2 = jnp.maximum(d2 + bf2_ref[...], 0.0)
    d3 = jnp.dot(d2, wf3_ref[...], preferred_element_type=jnp.float32)
    d3 = jnp.maximum(d3 + bf3_ref[...], 0.0)
    out_ref[:, 0:32] = g2
    out_ref[:, 32:33] = d3


def _final_call(acc, dinv, batch2, w2, b2, ddi, wg1, bg1, wg2, bg2,
                wf1, bf1, wf2, bf2, wf3, bf3):
  full = lambda shape: pl.BlockSpec(shape, lambda i: tuple(0 for _ in shape))
  _, out = pl.pallas_call(
      _final_body,
      grid=(NBLK,),
      in_specs=[
          pl.BlockSpec((RB, D), lambda i: (i, 0)),
          pl.BlockSpec((RB, 1), lambda i: (i, 0)),
          pl.BlockSpec((RB, 1), lambda i: (i, 0)),
          full((D, 2 * D)),
          full((1, 2 * D)),
          full((NG, D)),
          full((2 * D, 1028)),
          full((1, 1028)),
          full((1028, 32)),
          full((1, 32)),
          full((D, 64)),
          full((1, 64)),
          full((64, NG)),
          full((1, NG)),
          full((NG, 1)),
          full((1, 1)),
      ],
      out_specs=[
          pl.BlockSpec((NG, 2 * D), lambda i: (0, 0)),
          pl.BlockSpec((NG, 33), lambda i: (0, 0)),
      ],
      out_shape=[
          jax.ShapeDtypeStruct((NG, 2 * D), jnp.float32),
          jax.ShapeDtypeStruct((NG, 33), jnp.float32),
      ],
  )(acc, dinv, batch2, w2, b2, ddi, wg1, bg1, wg2, bg2,
    wf1, bf1, wf2, bf2, wf3, bf3)
  return out



def kernel(x, edge_index, batch, DDI_features, protein_mask,
           W1, b1, W2, b2, Wg1, bg1, Wg2, bg2,
           Wf1, bf1, Wf2, bf2, Wf3, bf3):
  src2 = edge_index[0].reshape(ER, ECH)
  dst2 = edge_index[1].reshape(ER, ECH)

  degp = _deg_call(dst2)
  degp_t = jnp.transpose(degp[:, :N])
  dinv, xs = _prep_call(degp_t, x)

  acc1 = _prop_call(xs, src2, dst2)
  hs = _mid_call(acc1, dinv, W1, b1.reshape(1, D))

  acc2 = _prop_call(hs, src2, dst2)
  out = _final_call(acc2, dinv, batch.reshape(N, 1), W2,
                    b2.reshape(1, 2 * D), DDI_features,
                    Wg1, bg1.reshape(1, 1028), Wg2, bg2.reshape(1, 32),
                    Wf1, bf1.reshape(1, 64), Wf2, bf2.reshape(1, NG),
                    Wf3, bf3.reshape(1, 1))
  return out

# --- scband reference (transcript-rebuilt; emitter-appended) ---
"""Pipeline reference for scband-simple-conv-gcn-18700287606915 (READ-ONLY COPY).

The authoritative reference and input builder live on the scoring server;
editing this copy changes nothing except your own understanding.
"""

import jax, jax.numpy as jnp
import numpy as np

N_NODES = 10000
N_EDGES = 320000
D_FEAT = 128
N_GRAPHS = 16
N_DRUGS = 96
GCN_OUT = 32


def setup_inputs(seed: int = 0) -> dict:
    key = jax.random.key(seed)
    ks = jax.random.split(key, 24)
    x = jax.random.normal(ks[0], (N_NODES, D_FEAT), dtype=jnp.float32)
    edge_index = jax.random.randint(ks[1], (2, N_EDGES), 0, N_NODES, dtype=jnp.int32)
    batch = jnp.sort(jax.random.randint(ks[2], (N_NODES,), 0, N_GRAPHS, dtype=jnp.int32))
    DDI_features = jax.random.normal(ks[3], (N_GRAPHS, N_DRUGS + GCN_OUT), dtype=jnp.float32)
    protein_mask = jnp.ones((N_NODES,), dtype=bool)
    def lin(k, fan_in, fan_out):
        s = 1.0 / np.sqrt(fan_in)
        return jax.random.uniform(k, (fan_in, fan_out), jnp.float32, -s, s)
    # GCNConv weights
    W1 = lin(ks[4], D_FEAT, D_FEAT); b1 = jnp.zeros((D_FEAT,), jnp.float32)
    W2 = lin(ks[5], D_FEAT, D_FEAT * 2); b2 = jnp.zeros((D_FEAT * 2,), jnp.float32)
    # graph-level MLP (fc_g1 sized to conv2 output 2*num_features=256 so the net is runnable; original code declares 4*num_features which is a shape bug)
    Wg1 = lin(ks[6], D_FEAT * 2, 1028); bg1 = jnp.zeros((1028,), jnp.float32)
    Wg2 = lin(ks[7], 1028, GCN_OUT); bg2 = jnp.zeros((GCN_OUT,), jnp.float32)
    # DDI branch
    Wf1 = lin(ks[8], N_DRUGS + GCN_OUT, 64); bf1 = jnp.zeros((64,), jnp.float32)
    Wf2 = lin(ks[9], 64, 16); bf2 = jnp.zeros((16,), jnp.float32)
    Wf3 = lin(ks[10], 16, 1); bf3 = jnp.zeros((1,), jnp.float32)
    return {"x": x, "edge_index": edge_index, "batch": batch,
            "DDI_features": DDI_features, "protein_mask": protein_mask,
            "W1": W1, "b1": b1, "W2": W2, "b2": b2,
            "Wg1": Wg1, "bg1": bg1, "Wg2": Wg2, "bg2": bg2,
            "Wf1": Wf1, "bf1": bf1, "Wf2": Wf2, "bf2": bf2,
            "Wf3": Wf3, "bf3": bf3}


def _gcn_conv(x, src, dst, W, b):
    n = x.shape[0]
    h = x @ W
    loop = jnp.arange(n, dtype=src.dtype)
    s = jnp.concatenate([src, loop])
    d = jnp.concatenate([dst, loop])
    deg = jnp.zeros((n,), h.dtype).at[d].add(1.0)
    dinv = jnp.where(deg > 0, jax.lax.rsqrt(jnp.maximum(deg, 1e-12)), 0.0)
    norm = dinv[s] * dinv[d]
    msg = h[s] * norm[:, None]
    out = jnp.zeros((n, h.shape[1]), h.dtype).at[d].add(msg)
    return out + b


def reference(x, edge_index, batch, DDI_features, protein_mask,
              W1, b1, W2, b2, Wg1, bg1, Wg2, bg2,
              Wf1, bf1, Wf2, bf2, Wf3, bf3):
    src, dst = edge_index[0], edge_index[1]
    h = jax.nn.relu(_gcn_conv(x, src, dst, W1, b1))
    h = jax.nn.relu(_gcn_conv(h, src, dst, W2, b2))
    pooled = jax.ops.segment_max(h, batch, num_segments=N_GRAPHS)
    g = jax.nn.relu(pooled @ Wg1 + bg1)
    g = g @ Wg2 + bg2  # dropout is identity in eval
    d = jax.nn.relu(DDI_features @ Wf1 + bf1)
    d = jax.nn.relu(d @ Wf2 + bf2)
    d = jax.nn.relu(d @ Wf3 + bf3)
    return jnp.concatenate([g, d], axis=1)

if __name__ == "__main__":
    import jax
    _d = setup_inputs()
    print(jax.jit(kernel)(*tuple(_d.values())))

</pallas_src>

<mosaic_0001>
#map = affine_map<(d0, d1) -> (0, 0, 0)>
#map1 = affine_map<(d0, d1) -> (0, 0)>
module attributes {stable_mosaic.version = 14 : i64} {
  func.func @_prop_body(%arg0: i32, %arg1: i32, %arg2: memref<2x10000x64xf32, #tpu.memory_space<hbm>>, %arg3: memref<2500x128xi32, #tpu.memory_space<hbm>>, %arg4: memref<2500x128xi32, #tpu.memory_space<hbm>>, %arg5: memref<10000x128xf32, #tpu.memory_space<hbm>>, %arg6: memref<160x128xi32, #tpu.memory_space<vmem>>, %arg7: memref<160x128xi32, #tpu.memory_space<vmem>>, %arg8: memref<128x64xf32, #tpu.memory_space<vmem>>, %arg9: memref<128x64xf32, #tpu.memory_space<vmem>>, %arg10: memref<128x64xf32, #tpu.memory_space<vmem>>, %arg11: memref<128x64xf32, #tpu.memory_space<vmem>>, %arg12: memref<10000x64xf32, #tpu.memory_space<vmem_shared>>, %arg13: memref<!tpu.dma_semaphore, #tpu.memory_space<semaphore_mem>>, %arg14: memref<!tpu.dma_semaphore, #tpu.memory_space<semaphore_mem>>, %arg15: memref<!tpu.dma_semaphore, #tpu.memory_space<semaphore_mem>>, %arg16: memref<!tpu.dma_semaphore, #tpu.memory_space<semaphore_mem>>) attributes {dimension_semantics = [#tpu.dimension_semantics<core_parallel>, #tpu.dimension_semantics<subcore_parallel>], iteration_bounds = array<i64: 2, 16>, scalar_prefetch = 0 : i64, scratch_operands = 11 : i64, tpu.core_type = #tpu.core_type<sc_vector_subcore>, window_params = [{transform_indices = #map}, {transform_indices = #map1}, {transform_indices = #map1}, {transform_indices = #map1}]} {
    %mul3A = arith.constant 152 : i32
    %mul3A_0 = arith.muli %arg1, %mul3A : i32
    "tpu.region"() ({
      %run_scoped3A = tpu.sem_alloc : memref<!tpu.dma_semaphore, #tpu.memory_space<semaphore_mem>>
      %dma_start3A_149 = arith.constant 0 : i32
      %dma_start3A_150 = arith.constant 0 : i32
      %dma_start3A_151 = tpu.memref_slice %arg6[%dma_start3A_149, %dma_start3A_150] : memref<160x128xi32, #tpu.memory_space<vmem>> -> memref<152x128xi32, #tpu.memory_space<vmem>>
      %dma_start3A_152 = arith.constant 0 : i32
      %dma_start3A_153 = tpu.memref_slice %arg3[%mul3A_0, %dma_start3A_152] : memref<2500x128xi32, #tpu.memory_space<hbm>> -> memref<152x128xi32, #tpu.memory_space<hbm>>
      %dma_start3A_154 = arith.constant 0 : i32
      %dma_start3A_155 = arith.constant 0 : i32
      %dma_start3A_156 = tpu.memref_slice %arg6[%dma_start3A_154, %dma_start3A_155] : memref<160x128xi32, #tpu.memory_space<vmem>> -> memref<152x128xi32, #tpu.memory_space<vmem>>
      %dma_start3A_157 = arith.constant 0 : i32
      %dma_start3A_158 = tpu.memref_slice %arg3[%mul3A_0, %dma_start3A_157] : memref<2500x128xi32, #tpu.memory_space<hbm>> -> memref<152x128xi32, #tpu.memory_space<hbm>>
      tpu.enqueue_dma source(%dma_start3A_158 : memref<152x128xi32, #tpu.memory_space<hbm>>) target(%dma_start3A_156 : memref<152x128xi32, #tpu.memory_space<vmem>>) target_semaphore(%run_scoped3A : memref<!tpu.dma_semaphore, #tpu.memory_space<semaphore_mem>>)
      %dma_wait3A_159 = arith.constant 0 : i32
      %dma_wait3A_160 = arith.constant 0 : i32
      %dma_wait3A_161 = tpu.memref_slice %arg6[%dma_wait3A_159, %dma_wait3A_160] : memref<160x128xi32, #tpu.memory_space<vmem>> -> memref<152x128xi32, #tpu.memory_space<vmem>>
      %dma_wait3A_162 = arith.constant 0 : i32
      %dma_wait3A_163 = tpu.memref_slice %arg3[%mul3A_0, %dma_wait3A_162] : memref<2500x128xi32, #tpu.memory_space<hbm>> -> memref<152x128xi32, #tpu.memory_space<hbm>>
      %dma_wait3A_164 = arith.constant 0 : i32
      %dma_wait3A_165 = arith.constant 0 : i32
      %dma_wait3A_166 = tpu.memref_slice %arg6[%dma_wait3A_164, %dma_wait3A_165] : memref<160x128xi32, #tpu.memory_space<vmem>> -> memref<152x128xi32, #tpu.memory_space<vmem>>
      %dma_wait3A_167 = arith.constant 0 : i32
      %dma_wait3A_168 = tpu.memref_slice %arg3[%mul3A_0, %dma_wait3A_167] : memref<2500x128xi32, #tpu.memory_space<hbm>> -> memref<152x128xi32, #tpu.memory_space<hbm>>
      tpu.wait_dma2 semaphore(%run_scoped3A : memref<!tpu.dma_semaphore, #tpu.memory_space<semaphore_mem>>) src(%dma_wait3A_168 : memref<152x128xi32, #tpu.memory_space<hbm>>) dst(%dma_wait3A_166 : memref<152x128xi32, #tpu.memory_space<vmem>>)
      tpu.yield
    }) : () -> ()
    %mul3A_1 = arith.constant 152 : i32
    %mul3A_2 = arith.muli %arg1, %mul3A_1 : i32
    "tpu.region"() ({
      %run_scoped3A = tpu.sem_alloc : memref<!tpu.dma_semaphore, #tpu.memory_space<semaphore_mem>>
      %dma_start3A_149 = arith.constant 0 : i32
      %dma_start3A_150 = arith.constant 0 : i32
      %dma_start3A_151 = tpu.memref_slice %arg7[%dma_start3A_149, %dma_start3A_150] : memref<160x128xi32, #tpu.memory_space<vmem>> -> memref<152x128xi32, #tpu.memory_space<vmem>>
      %dma_start3A_152 = arith.constant 0 : i32
      %dma_start3A_153 = tpu.memref_slice %arg4[%mul3A_2, %dma_start3A_152] : memref<2500x128xi32, #tpu.memory_space<hbm>> -> memref<152x128xi32, #tpu.memory_space<hbm>>
      %dma_start3A_154 = arith.constant 0 : i32
      %dma_start3A_155 = arith.constant 0 : i32
      %dma_start3A_156 = tpu.memref_slice %arg7[%dma_start3A_154, %dma_start3A_155] : memref<160x128xi32, #tpu.memory_space<vmem>> -> memref<152x128xi32, #tpu.memory_space<vmem>>
      %dma_start3A_157 = arith.constant 0 : i32
      %dma_start3A_158 = tpu.memref_slice %arg4[%mul3A_2, %dma_start3A_157] : memref<2500x128xi32, #tpu.memory_space<hbm>> -> memref<152x128xi32, #tpu.memory_space<hbm>>
      tpu.enqueue_dma source(%dma_start3A_158 : memref<152x128xi32, #tpu.memory_space<hbm>>) target(%dma_start3A_156 : memref<152x128xi32, #tpu.memory_space<vmem>>) target_semaphore(%run_scoped3A : memref<!tpu.dma_semaphore, #tpu.memory_space<semaphore_mem>>)
      %dma_wait3A_159 = arith.constant 0 : i32
      %dma_wait3A_160 = arith.constant 0 : i32
      %dma_wait3A_161 = tpu.memref_slice %arg7[%dma_wait3A_159, %dma_wait3A_160] : memref<160x128xi32, #tpu.memory_space<vmem>> -> memref<152x128xi32, #tpu.memory_space<vmem>>
      %dma_wait3A_162 = arith.constant 0 : i32
      %dma_wait3A_163 = tpu.memref_slice %arg4[%mul3A_2, %dma_wait3A_162] : memref<2500x128xi32, #tpu.memory_space<hbm>> -> memref<152x128xi32, #tpu.memory_space<hbm>>
      %dma_wait3A_164 = arith.constant 0 : i32
      %dma_wait3A_165 = arith.constant 0 : i32
      %dma_wait3A_166 = tpu.memref_slice %arg7[%dma_wait3A_164, %dma_wait3A_165] : memref<160x128xi32, #tpu.memory_space<vmem>> -> memref<152x128xi32, #tpu.memory_space<vmem>>
      %dma_wait3A_167 = arith.constant 0 : i32
      %dma_wait3A_168 = tpu.memref_slice %arg4[%mul3A_2, %dma_wait3A_167] : memref<2500x128xi32, #tpu.memory_space<hbm>> -> memref<152x128xi32, #tpu.memory_space<hbm>>
      tpu.wait_dma2 semaphore(%run_scoped3A : memref<!tpu.dma_semaphore, #tpu.memory_space<semaphore_mem>>) src(%dma_wait3A_168 : memref<152x128xi32, #tpu.memory_space<hbm>>) dst(%dma_wait3A_166 : memref<152x128xi32, #tpu.memory_space<vmem>>)
      tpu.yield
    }) : () -> ()
    %lt3A = arith.constant 8 : i32
    %lt3A_3 = arith.cmpi slt, %arg1, %lt3A : i32
    %jit3A = arith.constant 8 : i32
    %jit3A_4 = arith.constant 0 : i32
    %select_n3A = arith.select %lt3A_3, %jit3A, %jit3A_4 : i32
    %add3A = arith.constant 152 : i32
    %add3A_5 = arith.addi %add3A, %select_n3A : i32
    %eq3A = arith.constant 8 : i32
    %eq3A_6 = arith.cmpi eq, %arg1, %eq3A : i32
    %jit3A_7 = arith.constant 4 : i32
    %jit3A_8 = arith.constant 0 : i32
    %select_n3A_9 = arith.select %eq3A_6, %jit3A_7, %jit3A_8 : i32
    %add3A_10 = arith.addi %add3A_5, %select_n3A_9 : i32
    %lt3A_11 = arith.constant 8 : i32
    %lt3A_12 = arith.cmpi slt, %arg1, %lt3A_11 : i32
    %convert_element_type3A = arith.extui %lt3A_12 : i1 to i32
    %cond3A = arith.constant 0 : i32
    %cond3A_13 = arith.cmpi ne, %convert_element_type3A, %cond3A : i32
    scf.if %cond3A_13 {
      %mul3A_149 = arith.constant 8 : i32
      %mul3A_150 = arith.muli %arg1, %mul3A_149 : i32
      %add3A_151 = arith.constant 2432 : i32
      %add3A_152 = arith.addi %add3A_151, %mul3A_150 : i32
      %multiple_of3A_153 = tpu.assume_multiple %add3A_152, 8 : i32
      "tpu.region"() ({
        %run_scoped3A = tpu.sem_alloc : memref<!tpu.dma_semaphore, #tpu.memory_space<semaphore_mem>>
        %dma_start3A_154 = arith.constant 152 : i32
        %dma_start3A_155 = arith.constant 0 : i32
        %dma_start3A_156 = tpu.memref_slice %arg6[%dma_start3A_154, %dma_start3A_155] : memref<160x128xi32, #tpu.memory_space<vmem>> -> memref<8x128xi32, #tpu.memory_space<vmem>>
        %dma_start3A_157 = arith.constant 0 : i32
        %dma_start3A_158 = tpu.memref_slice %arg3[%multiple_of3A_153, %dma_start3A_157] : memref<2500x128xi32, #tpu.memory_space<hbm>> -> memref<8x128xi32, #tpu.memory_space<hbm>>
        %dma_start3A_159 = arith.constant 152 : i32
        %dma_start3A_160 = arith.constant 0 : i32
        %dma_start3A_161 = tpu.memref_slice %arg6[%dma_start3A_159, %dma_start3A_160] : memref<160x128xi32, #tpu.memory_space<vmem>> -> memref<8x128xi32, #tpu.memory_space<vmem>>
        %dma_start3A_162 = arith.constant 0 : i32
        %dma_start3A_163 = tpu.memref_slice %arg3[%multiple_of3A_153, %dma_start3A_162] : memref<2500x128xi32, #tpu.memory_space<hbm>> -> memref<8x128xi32, #tpu.memory_space<hbm>>
        tpu.enqueue_dma source(%dma_start3A_163 : memref<8x128xi32, #tpu.memory_space<hbm>>) target(%dma_start3A_161 : memref<8x128xi32, #tpu.memory_space<vmem>>) target_semaphore(%run_scoped3A : memref<!tpu.dma_semaphore, #tpu.memory_space<semaphore_mem>>)
        %dma_wait3A_164 = arith.constant 152 : i32
        %dma_wait3A_165 = arith.constant 0 : i32
        %dma_wait3A_166 = tpu.memref_slice %arg6[%dma_wait3A_164, %dma_wait3A_165] : memref<160x128xi32, #tpu.memory_space<vmem>> -> memref<8x128xi32, #tpu.memory_space<vmem>>
        %dma_wait3A_167 = arith.constant 0 : i32
        %dma_wait3A_168 = tpu.memref_slice %arg3[%multiple_of3A_153, %dma_wait3A_167] : memref<2500x128xi32, #tpu.memory_space<hbm>> -> memref<8x128xi32, #tpu.memory_space<hbm>>
        %dma_wait3A_169 = arith.constant 152 : i32
        %dma_wait3A_170 = arith.constant 0 : i32
        %dma_wait3A_171 = tpu.memref_slice %arg6[%dma_wait3A_169, %dma_wait3A_170] : memref<160x128xi32, #tpu.memory_space<vmem>> -> memref<8x128xi32, #tpu.memory_space<vmem>>
        %dma_wait3A_172 = arith.constant 0 : i32
        %dma_wait3A_173 = tpu.memref_slice %arg3[%multiple_of3A_153, %dma_wait3A_172] : memref<2500x128xi32, #tpu.memory_space<hbm>> -> memref<8x128xi32, #tpu.memory_space<hbm>>
        tpu.wait_dma2 semaphore(%run_scoped3A : memref<!tpu.dma_semaphore, #tpu.memory_space<semaphore_mem>>) src(%dma_wait3A_173 : memref<8x128xi32, #tpu.memory_space<hbm>>) dst(%dma_wait3A_171 : memref<8x128xi32, #tpu.memory_space<vmem>>)
        tpu.yield
      }) : () -> ()
      "tpu.region"() ({
        %run_scoped3A = tpu.sem_alloc : memref<!tpu.dma_semaphore, #tpu.memory_space<semaphore_mem>>
        %dma_start3A_154 = arith.constant 152 : i32
        %dma_start3A_155 = arith.constant 0 : i32
        %dma_start3A_156 = tpu.memref_slice %arg7[%dma_start3A_154, %dma_start3A_155] : memref<160x128xi32, #tpu.memory_space<vmem>> -> memref<8x128xi32, #tpu.memory_space<vmem>>
        %dma_start3A_157 = arith.constant 0 : i32
        %dma_start3A_158 = tpu.memref_slice %arg4[%multiple_of3A_153, %dma_start3A_157] : memref<2500x128xi32, #tpu.memory_space<hbm>> -> memref<8x128xi32, #tpu.memory_space<hbm>>
        %dma_start3A_159 = arith.constant 152 : i32
        %dma_start3A_160 = arith.constant 0 : i32
        %dma_start3A_161 = tpu.memref_slice %arg7[%dma_start3A_159, %dma_start3A_160] : memref<160x128xi32, #tpu.memory_space<vmem>> -> memref<8x128xi32, #tpu.memory_space<vmem>>
        %dma_start3A_162 = arith.constant 0 : i32
        %dma_start3A_163 = tpu.memref_slice %arg4[%multiple_of3A_153, %dma_start3A_162] : memref<2500x128xi32, #tpu.memory_space<hbm>> -> memref<8x128xi32, #tpu.memory_space<hbm>>
        tpu.enqueue_dma source(%dma_start3A_163 : memref<8x128xi32, #tpu.memory_space<hbm>>) target(%dma_start3A_161 : memref<8x128xi32, #tpu.memory_space<vmem>>) target_semaphore(%run_scoped3A : memref<!tpu.dma_semaphore, #tpu.memory_space<semaphore_mem>>)
        %dma_wait3A_164 = arith.constant 152 : i32
        %dma_wait3A_165 = arith.constant 0 : i32
        %dma_wait3A_166 = tpu.memref_slice %arg7[%dma_wait3A_164, %dma_wait3A_165] : memref<160x128xi32, #tpu.memory_space<vmem>> -> memref<8x128xi32, #tpu.memory_space<vmem>>
        %dma_wait3A_167 = arith.constant 0 : i32
        %dma_wait3A_168 = tpu.memref_slice %arg4[%multiple_of3A_153, %dma_wait3A_167] : memref<2500x128xi32, #tpu.memory_space<hbm>> -> memref<8x128xi32, #tpu.memory_space<hbm>>
        %dma_wait3A_169 = arith.constant 152 : i32
        %dma_wait3A_170 = arith.constant 0 : i32
        %dma_wait3A_171 = tpu.memref_slice %arg7[%dma_wait3A_169, %dma_wait3A_170] : memref<160x128xi32, #tpu.memory_space<vmem>> -> memref<8x128xi32, #tpu.memory_space<vmem>>
        %dma_wait3A_172 = arith.constant 0 : i32
        %dma_wait3A_173 = tpu.memref_slice %arg4[%multiple_of3A_153, %dma_wait3A_172] : memref<2500x128xi32, #tpu.memory_space<hbm>> -> memref<8x128xi32, #tpu.memory_space<hbm>>
        tpu.wait_dma2 semaphore(%run_scoped3A : memref<!tpu.dma_semaphore, #tpu.memory_space<semaphore_mem>>) src(%dma_wait3A_173 : memref<8x128xi32, #tpu.memory_space<hbm>>) dst(%dma_wait3A_171 : memref<8x128xi32, #tpu.memory_space<vmem>>)
        tpu.yield
      }) : () -> ()
    } else {
    }
    %eq3A_14 = arith.constant 8 : i32
    %eq3A_15 = arith.cmpi eq, %arg1, %eq3A_14 : i32
    %convert_element_type3A_16 = arith.extui %eq3A_15 : i1 to i32
    %cond3A_17 = arith.constant 0 : i32
    %cond3A_18 = arith.cmpi ne, %convert_element_type3A_16, %cond3A_17 : i32
    scf.if %cond3A_18 {
      "tpu.region"() ({
        %run_scoped3A = tpu.sem_alloc : memref<!tpu.dma_semaphore, #tpu.memory_space<semaphore_mem>>
        %dma_start3A_149 = arith.constant 152 : i32
        %dma_start3A_150 = arith.constant 0 : i32
        %dma_start3A_151 = tpu.memref_slice %arg6[%dma_start3A_149, %dma_start3A_150] : memref<160x128xi32, #tpu.memory_space<vmem>> -> memref<4x128xi32, #tpu.memory_space<vmem>>
        %dma_start3A_152 = arith.constant 2496 : i32
        %dma_start3A_153 = arith.constant 0 : i32
        %dma_start3A_154 = tpu.memref_slice %arg3[%dma_start3A_152, %dma_start3A_153] : memref<2500x128xi32, #tpu.memory_space<hbm>> -> memref<4x128xi32, #tpu.memory_space<hbm>>
        %dma_start3A_155 = arith.constant 152 : i32
        %dma_start3A_156 = arith.constant 0 : i32
        %dma_start3A_157 = tpu.memref_slice %arg6[%dma_start3A_155, %dma_start3A_156] : memref<160x128xi32, #tpu.memory_space<vmem>> -> memref<4x128xi32, #tpu.memory_space<vmem>>
        %dma_start3A_158 = arith.constant 2496 : i32
        %dma_start3A_159 = arith.constant 0 : i32
        %dma_start3A_160 = tpu.memref_slice %arg3[%dma_start3A_158, %dma_start3A_159] : memref<2500x128xi32, #tpu.memory_space<hbm>> -> memref<4x128xi32, #tpu.memory_space<hbm>>
        tpu.enqueue_dma source(%dma_start3A_160 : memref<4x128xi32, #tpu.memory_space<hbm>>) target(%dma_start3A_157 : memref<4x128xi32, #tpu.memory_space<vmem>>) target_semaphore(%run_scoped3A : memref<!tpu.dma_semaphore, #tpu.memory_space<semaphore_mem>>)
        %dma_wait3A_161 = arith.constant 152 : i32
        %dma_wait3A_162 = arith.constant 0 : i32
        %dma_wait3A_163 = tpu.memref_slice %arg6[%dma_wait3A_161, %dma_wait3A_162] : memref<160x128xi32, #tpu.memory_space<vmem>> -> memref<4x128xi32, #tpu.memory_space<vmem>>
        %dma_wait3A_164 = arith.constant 2496 : i32
        %dma_wait3A_165 = arith.constant 0 : i32
        %dma_wait3A_166 = tpu.memref_slice %arg3[%dma_wait3A_164, %dma_wait3A_165] : memref<2500x128xi32, #tpu.memory_space<hbm>> -> memref<4x128xi32, #tpu.memory_space<hbm>>
        %dma_wait3A_167 = arith.constant 152 : i32
        %dma_wait3A_168 = arith.constant 0 : i32
        %dma_wait3A_169 = tpu.memref_slice %arg6[%dma_wait3A_167, %dma_wait3A_168] : memref<160x128xi32, #tpu.memory_space<vmem>> -> memref<4x128xi32, #tpu.memory_space<vmem>>
        %dma_wait3A_170 = arith.constant 2496 : i32
        %dma_wait3A_171 = arith.constant 0 : i32
        %dma_wait3A_172 = tpu.memref_slice %arg3[%dma_wait3A_170, %dma_wait3A_171] : memref<2500x128xi32, #tpu.memory_space<hbm>> -> memref<4x128xi32, #tpu.memory_space<hbm>>
        tpu.wait_dma2 semaphore(%run_scoped3A : memref<!tpu.dma_semaphore, #tpu.memory_space<semaphore_mem>>) src(%dma_wait3A_172 : memref<4x128xi32, #tpu.memory_space<hbm>>) dst(%dma_wait3A_169 : memref<4x128xi32, #tpu.memory_space<vmem>>)
        tpu.yield
      }) : () -> ()
      "tpu.region"() ({
        %run_scoped3A = tpu.sem_alloc : memref<!tpu.dma_semaphore, #tpu.memory_space<semaphore_mem>>
        %dma_start3A_149 = arith.constant 152 : i32
        %dma_start3A_150 = arith.constant 0 : i32
        %dma_start3A_151 = tpu.memref_slice %arg7[%dma_start3A_149, %dma_start3A_150] : memref<160x128xi32, #tpu.memory_space<vmem>> -> memref<4x128xi32, #tpu.memory_space<vmem>>
        %dma_start3A_152 = arith.constant 2496 : i32
        %dma_start3A_153 = arith.constant 0 : i32
        %dma_start3A_154 = tpu.memref_slice %arg4[%dma_start3A_152, %dma_start3A_153] : memref<2500x128xi32, #tpu.memory_space<hbm>> -> memref<4x128xi32, #tpu.memory_space<hbm>>
        %dma_start3A_155 = arith.constant 152 : i32
        %dma_start3A_156 = arith.constant 0 : i32
        %dma_start3A_157 = tpu.memref_slice %arg7[%dma_start3A_155, %dma_start3A_156] : memref<160x128xi32, #tpu.memory_space<vmem>> -> memref<4x128xi32, #tpu.memory_space<vmem>>
        %dma_start3A_158 = arith.constant 2496 : i32
        %dma_start3A_159 = arith.constant 0 : i32
        %dma_start3A_160 = tpu.memref_slice %arg4[%dma_start3A_158, %dma_start3A_159] : memref<2500x128xi32, #tpu.memory_space<hbm>> -> memref<4x128xi32, #tpu.memory_space<hbm>>
        tpu.enqueue_dma source(%dma_start3A_160 : memref<4x128xi32, #tpu.memory_space<hbm>>) target(%dma_start3A_157 : memref<4x128xi32, #tpu.memory_space<vmem>>) target_semaphore(%run_scoped3A : memref<!tpu.dma_semaphore, #tpu.memory_space<semaphore_mem>>)
        %dma_wait3A_161 = arith.constant 152 : i32
        %dma_wait3A_162 = arith.constant 0 : i32
        %dma_wait3A_163 = tpu.memref_slice %arg7[%dma_wait3A_161, %dma_wait3A_162] : memref<160x128xi32, #tpu.memory_space<vmem>> -> memref<4x128xi32, #tpu.memory_space<vmem>>
        %dma_wait3A_164 = arith.constant 2496 : i32
        %dma_wait3A_165 = arith.constant 0 : i32
        %dma_wait3A_166 = tpu.memref_slice %arg4[%dma_wait3A_164, %dma_wait3A_165] : memref<2500x128xi32, #tpu.memory_space<hbm>> -> memref<4x128xi32, #tpu.memory_space<hbm>>
        %dma_wait3A_167 = arith.constant 152 : i32
        %dma_wait3A_168 = arith.constant 0 : i32
        %dma_wait3A_169 = tpu.memref_slice %arg7[%dma_wait3A_167, %dma_wait3A_168] : memref<160x128xi32, #tpu.memory_space<vmem>> -> memref<4x128xi32, #tpu.memory_space<vmem>>
        %dma_wait3A_170 = arith.constant 2496 : i32
        %dma_wait3A_171 = arith.constant 0 : i32
        %dma_wait3A_172 = tpu.memref_slice %arg4[%dma_wait3A_170, %dma_wait3A_171] : memref<2500x128xi32, #tpu.memory_space<hbm>> -> memref<4x128xi32, #tpu.memory_space<hbm>>
        tpu.wait_dma2 semaphore(%run_scoped3A : memref<!tpu.dma_semaphore, #tpu.memory_space<semaphore_mem>>) src(%dma_wait3A_172 : memref<4x128xi32, #tpu.memory_space<hbm>>) dst(%dma_wait3A_169 : memref<4x128xi32, #tpu.memory_space<vmem>>)
        tpu.yield
      }) : () -> ()
    } else {
    }
    %mul3A_19 = arith.constant 625 : i32
    %mul3A_20 = arith.muli %arg1, %mul3A_19 : i32
    %rem3A = arith.constant 8 : i32
    %rem3A_21 = arith.remsi %arg1, %rem3A : i32
    %sub3A = arith.subi %mul3A_20, %rem3A_21 : i32
    %multiple_of3A = tpu.assume_multiple %sub3A, 8 : i32
    "tpu.region"() ({
      %run_scoped3A = tpu.sem_alloc : memref<!tpu.dma_semaphore, #tpu.memory_space<semaphore_mem>>
      %dma_start3A_149 = arith.constant 0 : i32
      %dma_start3A_150 = tpu.memref_slice %arg12[%multiple_of3A, %dma_start3A_149] : memref<10000x64xf32, #tpu.memory_space<vmem_shared>> -> memref<632x64xf32, #tpu.memory_space<vmem_shared>>
      %dma_start3A_151 = arith.constant 0 : i32
      %dma_start3A_152 = tpu.memref_slice %arg2[%arg0, %multiple_of3A, %dma_start3A_151] : memref<2x10000x64xf32, #tpu.memory_space<hbm>> -> memref<1x632x64xf32, #tpu.memory_space<hbm>>
      %dma_start3A_153 = tpu.memref_squeeze %dma_start3A_152 : memref<1x632x64xf32, #tpu.memory_space<hbm>> -> memref<632x64xf32, #tpu.memory_space<hbm>>
      tpu.enqueue_dma source(%dma_start3A_153 : memref<632x64xf32, #tpu.memory_space<hbm>>) target(%dma_start3A_150 : memref<632x64xf32, #tpu.memory_space<vmem_shared>>) target_semaphore(%run_scoped3A : memref<!tpu.dma_semaphore, #tpu.memory_space<semaphore_mem>>)
      %dma_wait3A_154 = arith.constant 0 : i32
      %dma_wait3A_155 = tpu.memref_slice %arg12[%multiple_of3A, %dma_wait3A_154] : memref<10000x64xf32, #tpu.memory_space<vmem_shared>> -> memref<632x64xf32, #tpu.memory_space<vmem_shared>>
      %dma_wait3A_156 = arith.constant 0 : i32
      %dma_wait3A_157 = tpu.memref_slice %arg2[%arg0, %multiple_of3A, %dma_wait3A_156] : memref<2x10000x64xf32, #tpu.memory_space<hbm>> -> memref<1x632x64xf32, #tpu.memory_space<hbm>>
      %dma_wait3A_158 = tpu.memref_squeeze %dma_wait3A_157 : memref<1x632x64xf32, #tpu.memory_space<hbm>> -> memref<632x64xf32, #tpu.memory_space<hbm>>
      tpu.wait_dma2 semaphore(%run_scoped3A : memref<!tpu.dma_semaphore, #tpu.memory_space<semaphore_mem>>) src(%dma_wait3A_158 : memref<632x64xf32, #tpu.memory_space<hbm>>) dst(%dma_wait3A_155 : memref<632x64xf32, #tpu.memory_space<vmem_shared>>)
      tpu.yield
    }) : () -> ()
    %barrier3A = arith.constant 0 : index
    tpu.barrier barrier_id(%barrier3A)
    %dma_start3A = arith.constant 0 : i32
    %dma_start3A_22 = arith.constant 0 : i32
    %dma_start3A_23 = tpu.memref_slice %arg6[%dma_start3A, %dma_start3A_22] : memref<160x128xi32, #tpu.memory_space<vmem>> -> memref<1x128xi32, #tpu.memory_space<vmem>>
    %dma_start3A_24 = tpu.memref_squeeze %dma_start3A_23 : memref<1x128xi32, #tpu.memory_space<vmem>> -> memref<128xi32, #tpu.memory_space<vmem>>
    %dma_start3A_25 = arith.constant 0 : i32
    %dma_start3A_26 = arith.constant 0 : i32
    %dma_start3A_27 = tpu.memref_slice %arg2[%arg0, %dma_start3A_25, %dma_start3A_26] : memref<2x10000x64xf32, #tpu.memory_space<hbm>> -> memref<1x10000x64xf32, #tpu.memory_space<hbm>>
    %dma_start3A_28 = tpu.memref_squeeze %dma_start3A_27 : memref<1x10000x64xf32, #tpu.memory_space<hbm>> -> memref<10000x64xf32, #tpu.memory_space<hbm>>
    %dma_start3A_29 = arith.constant 0 : i32
    %dma_start3A_30 = arith.constant 0 : i32
    %dma_start3A_31 = tpu.memref_slice %dma_start3A_28[%dma_start3A_29, %dma_start3A_30] : memref<10000x64xf32, #tpu.memory_space<hbm>> -> memref<10000x64xf32, #tpu.memory_space<hbm>>
    tpu.enqueue_indirect_dma source(%dma_start3A_31 : memref<10000x64xf32, #tpu.memory_space<hbm>>) target(%arg8 : memref<128x64xf32, #tpu.memory_space<vmem>>) offsets(%dma_start3A_24 : memref<128xi32, #tpu.memory_space<vmem>>) semaphore(%arg13 : memref<!tpu.dma_semaphore, #tpu.memory_space<semaphore_mem>>)
    %dma_start3A_32 = arith.constant 1 : i32
    %dma_start3A_33 = arith.constant 0 : i32
    %dma_start3A_34 = tpu.memref_slice %arg6[%dma_start3A_32, %dma_start3A_33] : memref<160x128xi32, #tpu.memory_space<vmem>> -> memref<1x128xi32, #tpu.memory_space<vmem>>
    %dma_start3A_35 = tpu.memref_squeeze %dma_start3A_34 : memref<1x128xi32, #tpu.memory_space<vmem>> -> memref<128xi32, #tpu.memory_space<vmem>>
    %dma_start3A_36 = arith.constant 0 : i32
    %dma_start3A_37 = arith.constant 0 : i32
    %dma_start3A_38 = tpu.memref_slice %arg2[%arg0, %dma_start3A_36, %dma_start3A_37] : memref<2x10000x64xf32, #tpu.memory_space<hbm>> -> memref<1x10000x64xf32, #tpu.memory_space<hbm>>
    %dma_start3A_39 = tpu.memref_squeeze %dma_start3A_38 : memref<1x10000x64xf32, #tpu.memory_space<hbm>> -> memref<10000x64xf32, #tpu.memory_space<hbm>>
    %dma_start3A_40 = arith.constant 0 : i32
    %dma_start3A_41 = arith.constant 0 : i32
    %dma_start3A_42 = tpu.memref_slice %dma_start3A_39[%dma_start3A_40, %dma_start3A_41] : memref<10000x64xf32, #tpu.memory_space<hbm>> -> memref<10000x64xf32, #tpu.memory_space<hbm>>
    tpu.enqueue_indirect_dma source(%dma_start3A_42 : memref<10000x64xf32, #tpu.memory_space<hbm>>) target(%arg9 : memref<128x64xf32, #tpu.memory_space<vmem>>) offsets(%dma_start3A_35 : memref<128xi32, #tpu.memory_space<vmem>>) semaphore(%arg14 : memref<!tpu.dma_semaphore, #tpu.memory_space<semaphore_mem>>)
    %dma_start3A_43 = arith.constant 2 : i32
    %dma_start3A_44 = arith.constant 0 : i32
    %dma_start3A_45 = tpu.memref_slice %arg6[%dma_start3A_43, %dma_start3A_44] : memref<160x128xi32, #tpu.memory_space<vmem>> -> memref<1x128xi32, #tpu.memory_space<vmem>>
    %dma_start3A_46 = tpu.memref_squeeze %dma_start3A_45 : memref<1x128xi32, #tpu.memory_space<vmem>> -> memref<128xi32, #tpu.memory_space<vmem>>
    %dma_start3A_47 = arith.constant 0 : i32
    %dma_start3A_48 = arith.constant 0 : i32
    %dma_start3A_49 = tpu.memref_slice %arg2[%arg0, %dma_start3A_47, %dma_start3A_48] : memref<2x10000x64xf32, #tpu.memory_space<hbm>> -> memref<1x10000x64xf32, #tpu.memory_space<hbm>>
    %dma_start3A_50 = tpu.memref_squeeze %dma_start3A_49 : memref<1x10000x64xf32, #tpu.memory_space<hbm>> -> memref<10000x64xf32, #tpu.memory_space<hbm>>
    %dma_start3A_51 = arith.constant 0 : i32
    %dma_start3A_52 = arith.constant 0 : i32
    %dma_start3A_53 = tpu.memref_slice %dma_start3A_50[%dma_start3A_51, %dma_start3A_52] : memref<10000x64xf32, #tpu.memory_space<hbm>> -> memref<10000x64xf32, #tpu.memory_space<hbm>>
    tpu.enqueue_indirect_dma source(%dma_start3A_53 : memref<10000x64xf32, #tpu.memory_space<hbm>>) target(%arg10 : memref<128x64xf32, #tpu.memory_space<vmem>>) offsets(%dma_start3A_46 : memref<128xi32, #tpu.memory_space<vmem>>) semaphore(%arg15 : memref<!tpu.dma_semaphore, #tpu.memory_space<semaphore_mem>>)
    %dma_start3A_54 = arith.constant 3 : i32
    %dma_start3A_55 = arith.constant 0 : i32
    %dma_start3A_56 = tpu.memref_slice %arg6[%dma_start3A_54, %dma_start3A_55] : memref<160x128xi32, #tpu.memory_space<vmem>> -> memref<1x128xi32, #tpu.memory_space<vmem>>
    %dma_start3A_57 = tpu.memref_squeeze %dma_start3A_56 : memref<1x128xi32, #tpu.memory_space<vmem>> -> memref<128xi32, #tpu.memory_space<vmem>>
    %dma_start3A_58 = arith.constant 0 : i32
    %dma_start3A_59 = arith.constant 0 : i32
    %dma_start3A_60 = tpu.memref_slice %arg2[%arg0, %dma_start3A_58, %dma_start3A_59] : memref<2x10000x64xf32, #tpu.memory_space<hbm>> -> memref<1x10000x64xf32, #tpu.memory_space<hbm>>
    %dma_start3A_61 = tpu.memref_squeeze %dma_start3A_60 : memref<1x10000x64xf32, #tpu.memory_space<hbm>> -> memref<10000x64xf32, #tpu.memory_space<hbm>>
    %dma_start3A_62 = arith.constant 0 : i32
    %dma_start3A_63 = arith.constant 0 : i32
    %dma_start3A_64 = tpu.memref_slice %dma_start3A_61[%dma_start3A_62, %dma_start3A_63] : memref<10000x64xf32, #tpu.memory_space<hbm>> -> memref<10000x64xf32, #tpu.memory_space<hbm>>
    tpu.enqueue_indirect_dma source(%dma_start3A_64 : memref<10000x64xf32, #tpu.memory_space<hbm>>) target(%arg11 : memref<128x64xf32, #tpu.memory_space<vmem>>) offsets(%dma_start3A_57 : memref<128xi32, #tpu.memory_space<vmem>>) semaphore(%arg16 : memref<!tpu.dma_semaphore, #tpu.memory_space<semaphore_mem>>)
    %jit3A_65 = arith.constant 4 : i32
    %div3A = arith.divsi %add3A_10, %jit3A_65 : i32
    %sign3A = arith.constant 0 : i32
    %sign3A_66 = arith.cmpi sgt, %add3A_10, %sign3A : i32
    %sign3A_67 = arith.extui %sign3A_66 : i1 to i32
    %sign3A_68 = arith.constant 0 : i32
    %sign3A_69 = arith.cmpi slt, %add3A_10, %sign3A_68 : i32
    %sign3A_70 = arith.extui %sign3A_69 : i1 to i32
    %sign3A_71 = arith.subi %sign3A_67, %sign3A_70 : i32
    %sign3A_72 = arith.constant 0 : i32
    %sign3A_73 = arith.cmpi sgt, %jit3A_65, %sign3A_72 : i32
    %sign3A_74 = arith.extui %sign3A_73 : i1 to i32
    %sign3A_75 = arith.constant 0 : i32
    %sign3A_76 = arith.cmpi slt, %jit3A_65, %sign3A_75 : i32
    %sign3A_77 = arith.extui %sign3A_76 : i1 to i32
    %sign3A_78 = arith.subi %sign3A_74, %sign3A_77 : i32
    %ne3A = arith.cmpi ne, %sign3A_71, %sign3A_78 : i32
    %rem3A_79 = arith.remsi %add3A_10, %jit3A_65 : i32
    %ne3A_80 = arith.constant 0 : i32
    %ne3A_81 = arith.cmpi ne, %rem3A_79, %ne3A_80 : i32
    %and3A = arith.andi %ne3A, %ne3A_81 : i1
    %sub3A_82 = arith.constant 1 : i32
    %sub3A_83 = arith.subi %div3A, %sub3A_82 : i32
    %select_n3A_84 = arith.select %and3A, %sub3A_83, %div3A : i32
    %sub3A_85 = arith.constant 0 : i32
    %sub3A_86 = arith.subi %select_n3A_84, %sub3A_85 : i32
    %sub3A_87 = arith.constant 1 : i32
    %sub3A_88 = arith.constant 1 : i32
    %sub3A_89 = arith.subi %sub3A_87, %sub3A_88 : i32
    %add3A_90 = arith.addi %sub3A_86, %sub3A_89 : i32
    %div3A_91 = arith.constant 1 : i32
    %div3A_92 = arith.divsi %add3A_90, %div3A_91 : i32
    %while3A = arith.constant 1 : i32
    %while3A_93 = arith.constant 0 : i32
    %while3A_94 = arith.constant 0 : i32
    %while3A_95 = arith.subi %div3A_92, %while3A_94 : i32
    %while3A_96 = arith.addi %while3A_94, %while3A_95 : i32
    %while3A_97 = arith.constant 1 : i32
    %while3A_98 = arith.divsi %while3A_95, %while3A_97 : i32
    %while3A_99 = arith.muli %while3A_98, %while3A_97 : i32
    %while3A_100 = arith.addi %while3A_94, %while3A_99 : i32
    %while3A_101 = arith.constant 1 : i32
    scf.for %while3A_149 = %while3A_94 to %while3A_100 step %while3A_101  : i32 {
      %mul3A_150 = arith.muli %while3A_149, %while3A : i32
      %add3A_151 = arith.addi %while3A_93, %mul3A_150 : i32
      %mul3A_152 = arith.constant 4 : i32
      %mul3A_153 = arith.muli %add3A_151, %mul3A_152 : i32
      %add3A_154 = arith.constant 0 : i32
      %add3A_155 = arith.addi %mul3A_153, %add3A_154 : i32
      %dma_wait3A_156 = arith.constant 0 : i32
      %dma_wait3A_157 = tpu.memref_slice %arg6[%add3A_155, %dma_wait3A_156] : memref<160x128xi32, #tpu.memory_space<vmem>> -> memref<1x128xi32, #tpu.memory_space<vmem>>
      %dma_wait3A_158 = tpu.memref_squeeze %dma_wait3A_157 : memref<1x128xi32, #tpu.memory_space<vmem>> -> memref<128xi32, #tpu.memory_space<vmem>>
      %dma_wait3A_159 = arith.constant 0 : i32
      %dma_wait3A_160 = arith.constant 0 : i32
      %dma_wait3A_161 = tpu.memref_slice %arg2[%arg0, %dma_wait3A_159, %dma_wait3A_160] : memref<2x10000x64xf32, #tpu.memory_space<hbm>> -> memref<1x10000x64xf32, #tpu.memory_space<hbm>>
      %dma_wait3A_162 = tpu.memref_squeeze %dma_wait3A_161 : memref<1x10000x64xf32, #tpu.memory_space<hbm>> -> memref<10000x64xf32, #tpu.memory_space<hbm>>
      %dma_wait3A_163 = arith.constant 0 : i32
      %dma_wait3A_164 = arith.constant 0 : i32
      %dma_wait3A_165 = tpu.memref_slice %dma_wait3A_162[%dma_wait3A_163, %dma_wait3A_164] : memref<10000x64xf32, #tpu.memory_space<hbm>> -> memref<10000x64xf32, #tpu.memory_space<hbm>>
      tpu.wait_indirect_dma semaphore(%arg13 : memref<!tpu.dma_semaphore, #tpu.memory_space<semaphore_mem>>) src(%dma_wait3A_165 : memref<10000x64xf32, #tpu.memory_space<hbm>>) dst(%arg8 : memref<128x64xf32, #tpu.memory_space<vmem>>)
      "tpu.region"() ({
        %run_scoped3A = tpu.sem_alloc : memref<!tpu.dma_semaphore, #tpu.memory_space<semaphore_mem>>
        %dma_start3A_262 = arith.constant 0 : i32
        %dma_start3A_263 = tpu.memref_slice %arg7[%add3A_155, %dma_start3A_262] : memref<160x128xi32, #tpu.memory_space<vmem>> -> memref<1x128xi32, #tpu.memory_space<vmem>>
        %dma_start3A_264 = tpu.memref_squeeze %dma_start3A_263 : memref<1x128xi32, #tpu.memory_space<vmem>> -> memref<128xi32, #tpu.memory_space<vmem>>
        %dma_start3A_265 = arith.constant 0 : i32
        %dma_start3A_266 = arith.constant 0 : i32
        %dma_start3A_267 = tpu.memref_slice %arg12[%dma_start3A_265, %dma_start3A_266] : memref<10000x64xf32, #tpu.memory_space<vmem_shared>> -> memref<10000x64xf32, #tpu.memory_space<vmem_shared>>
        tpu.enqueue_indirect_dma source(%arg8 : memref<128x64xf32, #tpu.memory_space<vmem>>) target(%dma_start3A_267 : memref<10000x64xf32, #tpu.memory_space<vmem_shared>>) offsets(%dma_start3A_264 : memref<128xi32, #tpu.memory_space<vmem>>) semaphore(%run_scoped3A : memref<!tpu.dma_semaphore, #tpu.memory_space<semaphore_mem>>) {add = true}
        %dma_wait3A_268 = arith.constant 0 : i32
        %dma_wait3A_269 = tpu.memref_slice %arg7[%add3A_155, %dma_wait3A_268] : memref<160x128xi32, #tpu.memory_space<vmem>> -> memref<1x128xi32, #tpu.memory_space<vmem>>
        %dma_wait3A_270 = tpu.memref_squeeze %dma_wait3A_269 : memref<1x128xi32, #tpu.memory_space<vmem>> -> memref<128xi32, #tpu.memory_space<vmem>>
        %dma_wait3A_271 = arith.constant 0 : i32
        %dma_wait3A_272 = arith.constant 0 : i32
        %dma_wait3A_273 = tpu.memref_slice %arg12[%dma_wait3A_271, %dma_wait3A_272] : memref<10000x64xf32, #tpu.memory_space<vmem_shared>> -> memref<10000x64xf32, #tpu.memory_space<vmem_shared>>
        tpu.wait_indirect_dma semaphore(%run_scoped3A : memref<!tpu.dma_semaphore, #tpu.memory_space<semaphore_mem>>) src(%arg8 : memref<128x64xf32, #tpu.memory_space<vmem>>) dst(%dma_wait3A_273 : memref<10000x64xf32, #tpu.memory_space<vmem_shared>>)
        tpu.yield
      }) : () -> ()
      %add3A_166 = arith.constant 4 : i32
      %add3A_167 = arith.addi %add3A_155, %add3A_166 : i32
      %lt3A_168 = arith.cmpi slt, %add3A_167, %add3A_10 : i32
      %jit3A_169 = arith.constant 0 : i32
      %select_n3A_170 = arith.select %lt3A_168, %add3A_167, %jit3A_169 : i32
      %dma_start3A_171 = arith.constant 0 : i32
      %dma_start3A_172 = tpu.memref_slice %arg6[%select_n3A_170, %dma_start3A_171] : memref<160x128xi32, #tpu.memory_space<vmem>> -> memref<1x128xi32, #tpu.memory_space<vmem>>
      %dma_start3A_173 = tpu.memref_squeeze %dma_start3A_172 : memref<1x128xi32, #tpu.memory_space<vmem>> -> memref<128xi32, #tpu.memory_space<vmem>>
      %dma_start3A_174 = arith.constant 0 : i32
      %dma_start3A_175 = arith.constant 0 : i32
      %dma_start3A_176 = tpu.memref_slice %arg2[%arg0, %dma_start3A_174, %dma_start3A_175] : memref<2x10000x64xf32, #tpu.memory_space<hbm>> -> memref<1x10000x64xf32, #tpu.memory_space<hbm>>
      %dma_start3A_177 = tpu.memref_squeeze %dma_start3A_176 : memref<1x10000x64xf32, #tpu.memory_space<hbm>> -> memref<10000x64xf32, #tpu.memory_space<hbm>>
      %dma_start3A_178 = arith.constant 0 : i32
      %dma_start3A_179 = arith.constant 0 : i32
      %dma_start3A_180 = tpu.memref_slice %dma_start3A_177[%dma_start3A_178, %dma_start3A_179] : memref<10000x64xf32, #tpu.memory_space<hbm>> -> memref<10000x64xf32, #tpu.memory_space<hbm>>
      tpu.enqueue_indirect_dma source(%dma_start3A_180 : memref<10000x64xf32, #tpu.memory_space<hbm>>) target(%arg8 : memref<128x64xf32, #tpu.memory_space<vmem>>) offsets(%dma_start3A_173 : memref<128xi32, #tpu.memory_space<vmem>>) semaphore(%arg13 : memref<!tpu.dma_semaphore, #tpu.memory_space<semaphore_mem>>)
      %add3A_181 = arith.constant 1 : i32
      %add3A_182 = arith.addi %mul3A_153, %add3A_181 : i32
      %dma_wait3A_183 = arith.constant 0 : i32
      %dma_wait3A_184 = tpu.memref_slice %arg6[%add3A_182, %dma_wait3A_183] : memref<160x128xi32, #tpu.memory_space<vmem>> -> memref<1x128xi32, #tpu.memory_space<vmem>>
      %dma_wait3A_185 = tpu.memref_squeeze %dma_wait3A_184 : memref<1x128xi32, #tpu.memory_space<vmem>> -> memref<128xi32, #tpu.memory_space<vmem>>
      %dma_wait3A_186 = arith.constant 0 : i32
      %dma_wait3A_187 = arith.constant 0 : i32
      %dma_wait3A_188 = tpu.memref_slice %arg2[%arg0, %dma_wait3A_186, %dma_wait3A_187] : memref<2x10000x64xf32, #tpu.memory_space<hbm>> -> memref<1x10000x64xf32, #tpu.memory_space<hbm>>
      %dma_wait3A_189 = tpu.memref_squeeze %dma_wait3A_188 : memref<1x10000x64xf32, #tpu.memory_space<hbm>> -> memref<10000x64xf32, #tpu.memory_space<hbm>>
      %dma_wait3A_190 = arith.constant 0 : i32
      %dma_wait3A_191 = arith.constant 0 : i32
      %dma_wait3A_192 = tpu.memref_slice %dma_wait3A_189[%dma_wait3A_190, %dma_wait3A_191] : memref<10000x64xf32, #tpu.memory_space<hbm>> -> memref<10000x64xf32, #tpu.memory_space<hbm>>
      tpu.wait_indirect_dma semaphore(%arg14 : memref<!tpu.dma_semaphore, #tpu.memory_space<semaphore_mem>>) src(%dma_wait3A_192 : memref<10000x64xf32, #tpu.memory_space<hbm>>) dst(%arg9 : memref<128x64xf32, #tpu.memory_space<vmem>>)
      "tpu.region"() ({
        %run_scoped3A = tpu.sem_alloc : memref<!tpu.dma_semaphore, #tpu.memory_space<semaphore_mem>>
        %dma_start3A_262 = arith.constant 0 : i32
        %dma_start3A_263 = tpu.memref_slice %arg7[%add3A_182, %dma_start3A_262] : memref<160x128xi32, #tpu.memory_space<vmem>> -> memref<1x128xi32, #tpu.memory_space<vmem>>
        %dma_start3A_264 = tpu.memref_squeeze %dma_start3A_263 : memref<1x128xi32, #tpu.memory_space<vmem>> -> memref<128xi32, #tpu.memory_space<vmem>>
        %dma_start3A_265 = arith.constant 0 : i32
        %dma_start3A_266 = arith.constant 0 : i32
        %dma_start3A_267 = tpu.memref_slice %arg12[%dma_start3A_265, %dma_start3A_266] : memref<10000x64xf32, #tpu.memory_space<vmem_shared>> -> memref<10000x64xf32, #tpu.memory_space<vmem_shared>>
        tpu.enqueue_indirect_dma source(%arg9 : memref<128x64xf32, #tpu.memory_space<vmem>>) target(%dma_start3A_267 : memref<10000x64xf32, #tpu.memory_space<vmem_shared>>) offsets(%dma_start3A_264 : memref<128xi32, #tpu.memory_space<vmem>>) semaphore(%run_scoped3A : memref<!tpu.dma_semaphore, #tpu.memory_space<semaphore_mem>>) {add = true}
        %dma_wait3A_268 = arith.constant 0 : i32
        %dma_wait3A_269 = tpu.memref_slice %arg7[%add3A_182, %dma_wait3A_268] : memref<160x128xi32, #tpu.memory_space<vmem>> -> memref<1x128xi32, #tpu.memory_space<vmem>>
        %dma_wait3A_270 = tpu.memref_squeeze %dma_wait3A_269 : memref<1x128xi32, #tpu.memory_space<vmem>> -> memref<128xi32, #tpu.memory_space<vmem>>
        %dma_wait3A_271 = arith.constant 0 : i32
        %dma_wait3A_272 = arith.constant 0 : i32
        %dma_wait3A_273 = tpu.memref_slice %arg12[%dma_wait3A_271, %dma_wait3A_272] : memref<10000x64xf32, #tpu.memory_space<vmem_shared>> -> memref<10000x64xf32, #tpu.memory_space<vmem_shared>>
        tpu.wait_indirect_dma semaphore(%run_scoped3A : memref<!tpu.dma_semaphore, #tpu.memory_space<semaphore_mem>>) src(%arg9 : memref<128x64xf32, #tpu.memory_space<vmem>>) dst(%dma_wait3A_273 : memref<10000x64xf32, #tpu.memory_space<vmem_shared>>)
        tpu.yield
      }) : () -> ()
      %add3A_193 = arith.constant 4 : i32
      %add3A_194 = arith.addi %add3A_182, %add3A_193 : i32
      %lt3A_195 = arith.cmpi slt, %add3A_194, %add3A_10 : i32
      %jit3A_196 = arith.constant 1 : i32
      %select_n3A_197 = arith.select %lt3A_195, %add3A_194, %jit3A_196 : i32
      %dma_start3A_198 = arith.constant 0 : i32
      %dma_start3A_199 = tpu.memref_slice %arg6[%select_n3A_197, %dma_start3A_198] : memref<160x128xi32, #tpu.memory_space<vmem>> -> memref<1x128xi32, #tpu.memory_space<vmem>>
      %dma_start3A_200 = tpu.memref_squeeze %dma_start3A_199 : memref<1x128xi32, #tpu.memory_space<vmem>> -> memref<128xi32, #tpu.memory_space<vmem>>
      %dma_start3A_201 = arith.constant 0 : i32
      %dma_start3A_202 = arith.constant 0 : i32
      %dma_start3A_203 = tpu.memref_slice %arg2[%arg0, %dma_start3A_201, %dma_start3A_202] : memref<2x10000x64xf32, #tpu.memory_space<hbm>> -> memref<1x10000x64xf32, #tpu.memory_space<hbm>>
      %dma_start3A_204 = tpu.memref_squeeze %dma_start3A_203 : memref<1x10000x64xf32, #tpu.memory_space<hbm>> -> memref<10000x64xf32, #tpu.memory_space<hbm>>
      %dma_start3A_205 = arith.constant 0 : i32
      %dma_start3A_206 = arith.constant 0 : i32
      %dma_start3A_207 = tpu.memref_slice %dma_start3A_204[%dma_start3A_205, %dma_start3A_206] : memref<10000x64xf32, #tpu.memory_space<hbm>> -> memref<10000x64xf32, #tpu.memory_space<hbm>>
      tpu.enqueue_indirect_dma source(%dma_start3A_207 : memref<10000x64xf32, #tpu.memory_space<hbm>>) target(%arg9 : memref<128x64xf32, #tpu.memory_space<vmem>>) offsets(%dma_start3A_200 : memref<128xi32, #tpu.memory_space<vmem>>) semaphore(%arg14 : memref<!tpu.dma_semaphore, #tpu.memory_space<semaphore_mem>>)
      %add3A_208 = arith.constant 2 : i32
      %add3A_209 = arith.addi %mul3A_153, %add3A_208 : i32
      %dma_wait3A_210 = arith.constant 0 : i32
      %dma_wait3A_211 = tpu.memref_slice %arg6[%add3A_209, %dma_wait3A_210] : memref<160x128xi32, #tpu.memory_space<vmem>> -> memref<1x128xi32, #tpu.memory_space<vmem>>
      %dma_wait3A_212 = tpu.memref_squeeze %dma_wait3A_211 : memref<1x128xi32, #tpu.memory_space<vmem>> -> memref<128xi32, #tpu.memory_space<vmem>>
      %dma_wait3A_213 = arith.constant 0 : i32
      %dma_wait3A_214 = arith.constant 0 : i32
      %dma_wait3A_215 = tpu.memref_slice %arg2[%arg0, %dma_wait3A_213, %dma_wait3A_214] : memref<2x10000x64xf32, #tpu.memory_space<hbm>> -> memref<1x10000x64xf32, #tpu.memory_space<hbm>>
      %dma_wait3A_216 = tpu.memref_squeeze %dma_wait3A_215 : memref<1x10000x64xf32, #tpu.memory_space<hbm>> -> memref<10000x64xf32, #tpu.memory_space<hbm>>
      %dma_wait3A_217 = arith.constant 0 : i32
      %dma_wait3A_218 = arith.constant 0 : i32
      %dma_wait3A_219 = tpu.memref_slice %dma_wait3A_216[%dma_wait3A_217, %dma_wait3A_218] : memref<10000x64xf32, #tpu.memory_space<hbm>> -> memref<10000x64xf32, #tpu.memory_space<hbm>>
      tpu.wait_indirect_dma semaphore(%arg15 : memref<!tpu.dma_semaphore, #tpu.memory_space<semaphore_mem>>) src(%dma_wait3A_219 : memref<10000x64xf32, #tpu.memory_space<hbm>>) dst(%arg10 : memref<128x64xf32, #tpu.memory_space<vmem>>)
      "tpu.region"() ({
        %run_scoped3A = tpu.sem_alloc : memref<!tpu.dma_semaphore, #tpu.memory_space<semaphore_mem>>
        %dma_start3A_262 = arith.constant 0 : i32
        %dma_start3A_263 = tpu.memref_slice %arg7[%add3A_209, %dma_start3A_262] : memref<160x128xi32, #tpu.memory_space<vmem>> -> memref<1x128xi32, #tpu.memory_space<vmem>>
        %dma_start3A_264 = tpu.memref_squeeze %dma_start3A_263 : memref<1x128xi32, #tpu.memory_space<vmem>> -> memref<128xi32, #tpu.memory_space<vmem>>
        %dma_start3A_265 = arith.constant 0 : i32
        %dma_start3A_266 = arith.constant 0 : i32
        %dma_start3A_267 = tpu.memref_slice %arg12[%dma_start3A_265, %dma_start3A_266] : memref<10000x64xf32, #tpu.memory_space<vmem_shared>> -> memref<10000x64xf32, #tpu.memory_space<vmem_shared>>
        tpu.enqueue_indirect_dma source(%arg10 : memref<128x64xf32, #tpu.memory_space<vmem>>) target(%dma_start3A_267 : memref<10000x64xf32, #tpu.memory_space<vmem_shared>>) offsets(%dma_start3A_264 : memref<128xi32, #tpu.memory_space<vmem>>) semaphore(%run_scoped3A : memref<!tpu.dma_semaphore, #tpu.memory_space<semaphore_mem>>) {add = true}
        %dma_wait3A_268 = arith.constant 0 : i32
        %dma_wait3A_269 = tpu.memref_slice %arg7[%add3A_209, %dma_wait3A_268] : memref<160x128xi32, #tpu.memory_space<vmem>> -> memref<1x128xi32, #tpu.memory_space<vmem>>
        %dma_wait3A_270 = tpu.memref_squeeze %dma_wait3A_269 : memref<1x128xi32, #tpu.memory_space<vmem>> -> memref<128xi32, #tpu.memory_space<vmem>>
        %dma_wait3A_271 = arith.constant 0 : i32
        %dma_wait3A_272 = arith.constant 0 : i32
        %dma_wait3A_273 = tpu.memref_slice %arg12[%dma_wait3A_271, %dma_wait3A_272] : memref<10000x64xf32, #tpu.memory_space<vmem_shared>> -> memref<10000x64xf32, #tpu.memory_space<vmem_shared>>
        tpu.wait_indirect_dma semaphore(%run_scoped3A : memref<!tpu.dma_semaphore, #tpu.memory_space<semaphore_mem>>) src(%arg10 : memref<128x64xf32, #tpu.memory_space<vmem>>) dst(%dma_wait3A_273 : memref<10000x64xf32, #tpu.memory_space<vmem_shared>>)
        tpu.yield
      }) : () -> ()
      %add3A_220 = arith.constant 4 : i32
      %add3A_221 = arith.addi %add3A_209, %add3A_220 : i32
      %lt3A_222 = arith.cmpi slt, %add3A_221, %add3A_10 : i32
      %jit3A_223 = arith.constant 2 : i32
      %select_n3A_224 = arith.select %lt3A_222, %add3A_221, %jit3A_223 : i32
      %dma_start3A_225 = arith.constant 0 : i32
      %dma_start3A_226 = tpu.memref_slice %arg6[%select_n3A_224, %dma_start3A_225] : memref<160x128xi32, #tpu.memory_space<vmem>> -> memref<1x128xi32, #tpu.memory_space<vmem>>
      %dma_start3A_227 = tpu.memref_squeeze %dma_start3A_226 : memref<1x128xi32, #tpu.memory_space<vmem>> -> memref<128xi32, #tpu.memory_space<vmem>>
      %dma_start3A_228 = arith.constant 0 : i32
      %dma_start3A_229 = arith.constant 0 : i32
      %dma_start3A_230 = tpu.memref_slice %arg2[%arg0, %dma_start3A_228, %dma_start3A_229] : memref<2x10000x64xf32, #tpu.memory_space<hbm>> -> memref<1x10000x64xf32, #tpu.memory_space<hbm>>
      %dma_start3A_231 = tpu.memref_squeeze %dma_start3A_230 : memref<1x10000x64xf32, #tpu.memory_space<hbm>> -> memref<10000x64xf32, #tpu.memory_space<hbm>>
      %dma_start3A_232 = arith.constant 0 : i32
      %dma_start3A_233 = arith.constant 0 : i32
      %dma_start3A_234 = tpu.memref_slice %dma_start3A_231[%dma_start3A_232, %dma_start3A_233] : memref<10000x64xf32, #tpu.memory_space<hbm>> -> memref<10000x64xf32, #tpu.memory_space<hbm>>
      tpu.enqueue_indirect_dma source(%dma_start3A_234 : memref<10000x64xf32, #tpu.memory_space<hbm>>) target(%arg10 : memref<128x64xf32, #tpu.memory_space<vmem>>) offsets(%dma_start3A_227 : memref<128xi32, #tpu.memory_space<vmem>>) semaphore(%arg15 : memref<!tpu.dma_semaphore, #tpu.memory_space<semaphore_mem>>)
      %add3A_235 = arith.constant 3 : i32
      %add3A_236 = arith.addi %mul3A_153, %add3A_235 : i32
      %dma_wait3A_237 = arith.constant 0 : i32
      %dma_wait3A_238 = tpu.memref_slice %arg6[%add3A_236, %dma_wait3A_237] : memref<160x128xi32, #tpu.memory_space<vmem>> -> memref<1x128xi32, #tpu.memory_space<vmem>>
      %dma_wait3A_239 = tpu.memref_squeeze %dma_wait3A_238 : memref<1x128xi32, #tpu.memory_space<vmem>> -> memref<128xi32, #tpu.memory_space<vmem>>
      %dma_wait3A_240 = arith.constant 0 : i32
      %dma_wait3A_241 = arith.constant 0 : i32
      %dma_wait3A_242 = tpu.memref_slice %arg2[%arg0, %dma_wait3A_240, %dma_wait3A_241] : memref<2x10000x64xf32, #tpu.memory_space<hbm>> -> memref<1x10000x64xf32, #tpu.memory_space<hbm>>
      %dma_wait3A_243 = tpu.memref_squeeze %dma_wait3A_242 : memref<1x10000x64xf32, #tpu.memory_space<hbm>> -> memref<10000x64xf32, #tpu.memory_space<hbm>>
      %dma_wait3A_244 = arith.constant 0 : i32
      %dma_wait3A_245 = arith.constant 0 : i32
      %dma_wait3A_246 = tpu.memref_slice %dma_wait3A_243[%dma_wait3A_244, %dma_wait3A_245] : memref<10000x64xf32, #tpu.memory_space<hbm>> -> memref<10000x64xf32, #tpu.memory_space<hbm>>
      tpu.wait_indirect_dma semaphore(%arg16 : memref<!tpu.dma_semaphore, #tpu.memory_space<semaphore_mem>>) src(%dma_wait3A_246 : memref<10000x64xf32, #tpu.memory_space<hbm>>) dst(%arg11 : memref<128x64xf32, #tpu.memory_space<vmem>>)
      "tpu.region"() ({
        %run_scoped3A = tpu.sem_alloc : memref<!tpu.dma_semaphore, #tpu.memory_space<semaphore_mem>>
        %dma_start3A_262 = arith.constant 0 : i32
        %dma_start3A_263 = tpu.memref_slice %arg7[%add3A_236, %dma_start3A_262] : memref<160x128xi32, #tpu.memory_space<vmem>> -> memref<1x128xi32, #tpu.memory_space<vmem>>
        %dma_start3A_264 = tpu.memref_squeeze %dma_start3A_263 : memref<1x128xi32, #tpu.memory_space<vmem>> -> memref<128xi32, #tpu.memory_space<vmem>>
        %dma_start3A_265 = arith.constant 0 : i32
        %dma_start3A_266 = arith.constant 0 : i32
        %dma_start3A_267 = tpu.memref_slice %arg12[%dma_start3A_265, %dma_start3A_266] : memref<10000x64xf32, #tpu.memory_space<vmem_shared>> -> memref<10000x64xf32, #tpu.memory_space<vmem_shared>>
        tpu.enqueue_indirect_dma source(%arg11 : memref<128x64xf32, #tpu.memory_space<vmem>>) target(%dma_start3A_267 : memref<10000x64xf32, #tpu.memory_space<vmem_shared>>) offsets(%dma_start3A_264 : memref<128xi32, #tpu.memory_space<vmem>>) semaphore(%run_scoped3A : memref<!tpu.dma_semaphore, #tpu.memory_space<semaphore_mem>>) {add = true}
        %dma_wait3A_268 = arith.constant 0 : i32
        %dma_wait3A_269 = tpu.memref_slice %arg7[%add3A_236, %dma_wait3A_268] : memref<160x128xi32, #tpu.memory_space<vmem>> -> memref<1x128xi32, #tpu.memory_space<vmem>>
        %dma_wait3A_270 = tpu.memref_squeeze %dma_wait3A_269 : memref<1x128xi32, #tpu.memory_space<vmem>> -> memref<128xi32, #tpu.memory_space<vmem>>
        %dma_wait3A_271 = arith.constant 0 : i32
        %dma_wait3A_272 = arith.constant 0 : i32
        %dma_wait3A_273 = tpu.memref_slice %arg12[%dma_wait3A_271, %dma_wait3A_272] : memref<10000x64xf32, #tpu.memory_space<vmem_shared>> -> memref<10000x64xf32, #tpu.memory_space<vmem_shared>>
        tpu.wait_indirect_dma semaphore(%run_scoped3A : memref<!tpu.dma_semaphore, #tpu.memory_space<semaphore_mem>>) src(%arg11 : memref<128x64xf32, #tpu.memory_space<vmem>>) dst(%dma_wait3A_273 : memref<10000x64xf32, #tpu.memory_space<vmem_shared>>)
        tpu.yield
      }) : () -> ()
      %add3A_247 = arith.constant 4 : i32
      %add3A_248 = arith.addi %add3A_236, %add3A_247 : i32
      %lt3A_249 = arith.cmpi slt, %add3A_248, %add3A_10 : i32
      %jit3A_250 = arith.constant 3 : i32
      %select_n3A_251 = arith.select %lt3A_249, %add3A_248, %jit3A_250 : i32
      %dma_start3A_252 = arith.constant 0 : i32
      %dma_start3A_253 = tpu.memref_slice %arg6[%select_n3A_251, %dma_start3A_252] : memref<160x128xi32, #tpu.memory_space<vmem>> -> memref<1x128xi32, #tpu.memory_space<vmem>>
      %dma_start3A_254 = tpu.memref_squeeze %dma_start3A_253 : memref<1x128xi32, #tpu.memory_space<vmem>> -> memref<128xi32, #tpu.memory_space<vmem>>
      %dma_start3A_255 = arith.constant 0 : i32
      %dma_start3A_256 = arith.constant 0 : i32
      %dma_start3A_257 = tpu.memref_slice %arg2[%arg0, %dma_start3A_255, %dma_start3A_256] : memref<2x10000x64xf32, #tpu.memory_space<hbm>> -> memref<1x10000x64xf32, #tpu.memory_space<hbm>>
      %dma_start3A_258 = tpu.memref_squeeze %dma_start3A_257 : memref<1x10000x64xf32, #tpu.memory_space<hbm>> -> memref<10000x64xf32, #tpu.memory_space<hbm>>
      %dma_start3A_259 = arith.constant 0 : i32
      %dma_start3A_260 = arith.constant 0 : i32
      %dma_start3A_261 = tpu.memref_slice %dma_start3A_258[%dma_start3A_259, %dma_start3A_260] : memref<10000x64xf32, #tpu.memory_space<hbm>> -> memref<10000x64xf32, #tpu.memory_space<hbm>>
      tpu.enqueue_indirect_dma source(%dma_start3A_261 : memref<10000x64xf32, #tpu.memory_space<hbm>>) target(%arg11 : memref<128x64xf32, #tpu.memory_space<vmem>>) offsets(%dma_start3A_254 : memref<128xi32, #tpu.memory_space<vmem>>) semaphore(%arg16 : memref<!tpu.dma_semaphore, #tpu.memory_space<semaphore_mem>>)
    }
    %while3A_102 = arith.constant 1 : i32
    scf.for %while3A_149 = %while3A_100 to %while3A_96 step %while3A_102  : i32 {
      %mul3A_150 = arith.muli %while3A_149, %while3A : i32
      %add3A_151 = arith.addi %while3A_93, %mul3A_150 : i32
      %mul3A_152 = arith.constant 4 : i32
      %mul3A_153 = arith.muli %add3A_151, %mul3A_152 : i32
      %add3A_154 = arith.constant 0 : i32
      %add3A_155 = arith.addi %mul3A_153, %add3A_154 : i32
      %dma_wait3A_156 = arith.constant 0 : i32
      %dma_wait3A_157 = tpu.memref_slice %arg6[%add3A_155, %dma_wait3A_156] : memref<160x128xi32, #tpu.memory_space<vmem>> -> memref<1x128xi32, #tpu.memory_space<vmem>>
      %dma_wait3A_158 = tpu.memref_squeeze %dma_wait3A_157 : memref<1x128xi32, #tpu.memory_space<vmem>> -> memref<128xi32, #tpu.memory_space<vmem>>
      %dma_wait3A_159 = arith.constant 0 : i32
      %dma_wait3A_160 = arith.constant 0 : i32
      %dma_wait3A_161 = tpu.memref_slice %arg2[%arg0, %dma_wait3A_159, %dma_wait3A_160] : memref<2x10000x64xf32, #tpu.memory_space<hbm>> -> memref<1x10000x64xf32, #tpu.memory_space<hbm>>
      %dma_wait3A_162 = tpu.memref_squeeze %dma_wait3A_161 : memref<1x10000x64xf32, #tpu.memory_space<hbm>> -> memref<10000x64xf32, #tpu.memory_space<hbm>>
      %dma_wait3A_163 = arith.constant 0 : i32
      %dma_wait3A_164 = arith.constant 0 : i32
      %dma_wait3A_165 = tpu.memref_slice %dma_wait3A_162[%dma_wait3A_163, %dma_wait3A_164] : memref<10000x64xf32, #tpu.memory_space<hbm>> -> memref<10000x64xf32, #tpu.memory_space<hbm>>
      tpu.wait_indirect_dma semaphore(%arg13 : memref<!tpu.dma_semaphore, #tpu.memory_space<semaphore_mem>>) src(%dma_wait3A_165 : memref<10000x64xf32, #tpu.memory_space<hbm>>) dst(%arg8 : memref<128x64xf32, #tpu.memory_space<vmem>>)
      "tpu.region"() ({
        %run_scoped3A = tpu.sem_alloc : memref<!tpu.dma_semaphore, #tpu.memory_space<semaphore_mem>>
        %dma_start3A_262 = arith.constant 0 : i32
        %dma_start3A_263 = tpu.memref_slice %arg7[%add3A_155, %dma_start3A_262] : memref<160x128xi32, #tpu.memory_space<vmem>> -> memref<1x128xi32, #tpu.memory_space<vmem>>
        %dma_start3A_264 = tpu.memref_squeeze %dma_start3A_263 : memref<1x128xi32, #tpu.memory_space<vmem>> -> memref<128xi32, #tpu.memory_space<vmem>>
        %dma_start3A_265 = arith.constant 0 : i32
        %dma_start3A_266 = arith.constant 0 : i32
        %dma_start3A_267 = tpu.memref_slice %arg12[%dma_start3A_265, %dma_start3A_266] : memref<10000x64xf32, #tpu.memory_space<vmem_shared>> -> memref<10000x64xf32, #tpu.memory_space<vmem_shared>>
        tpu.enqueue_indirect_dma source(%arg8 : memref<128x64xf32, #tpu.memory_space<vmem>>) target(%dma_start3A_267 : memref<10000x64xf32, #tpu.memory_space<vmem_shared>>) offsets(%dma_start3A_264 : memref<128xi32, #tpu.memory_space<vmem>>) semaphore(%run_scoped3A : memref<!tpu.dma_semaphore, #tpu.memory_space<semaphore_mem>>) {add = true}
        %dma_wait3A_268 = arith.constant 0 : i32
        %dma_wait3A_269 = tpu.memref_slice %arg7[%add3A_155, %dma_wait3A_268] : memref<160x128xi32, #tpu.memory_space<vmem>> -> memref<1x128xi32, #tpu.memory_space<vmem>>
        %dma_wait3A_270 = tpu.memref_squeeze %dma_wait3A_269 : memref<1x128xi32, #tpu.memory_space<vmem>> -> memref<128xi32, #tpu.memory_space<vmem>>
        %dma_wait3A_271 = arith.constant 0 : i32
        %dma_wait3A_272 = arith.constant 0 : i32
        %dma_wait3A_273 = tpu.memref_slice %arg12[%dma_wait3A_271, %dma_wait3A_272] : memref<10000x64xf32, #tpu.memory_space<vmem_shared>> -> memref<10000x64xf32, #tpu.memory_space<vmem_shared>>
        tpu.wait_indirect_dma semaphore(%run_scoped3A : memref<!tpu.dma_semaphore, #tpu.memory_space<semaphore_mem>>) src(%arg8 : memref<128x64xf32, #tpu.memory_space<vmem>>) dst(%dma_wait3A_273 : memref<10000x64xf32, #tpu.memory_space<vmem_shared>>)
        tpu.yield
      }) : () -> ()
      %add3A_166 = arith.constant 4 : i32
      %add3A_167 = arith.addi %add3A_155, %add3A_166 : i32
      %lt3A_168 = arith.cmpi slt, %add3A_167, %add3A_10 : i32
      %jit3A_169 = arith.constant 0 : i32
      %select_n3A_170 = arith.select %lt3A_168, %add3A_167, %jit3A_169 : i32
      %dma_start3A_171 = arith.constant 0 : i32
      %dma_start3A_172 = tpu.memref_slice %arg6[%select_n3A_170, %dma_start3A_171] : memref<160x128xi32, #tpu.memory_space<vmem>> -> memref<1x128xi32, #tpu.memory_space<vmem>>
      %dma_start3A_173 = tpu.memref_squeeze %dma_start3A_172 : memref<1x128xi32, #tpu.memory_space<vmem>> -> memref<128xi32, #tpu.memory_space<vmem>>
      %dma_start3A_174 = arith.constant 0 : i32
      %dma_start3A_175 = arith.constant 0 : i32
      %dma_start3A_176 = tpu.memref_slice %arg2[%arg0, %dma_start3A_174, %dma_start3A_175] : memref<2x10000x64xf32, #tpu.memory_space<hbm>> -> memref<1x10000x64xf32, #tpu.memory_space<hbm>>
      %dma_start3A_177 = tpu.memref_squeeze %dma_start3A_176 : memref<1x10000x64xf32, #tpu.memory_space<hbm>> -> memref<10000x64xf32, #tpu.memory_space<hbm>>
      %dma_start3A_178 = arith.constant 0 : i32
      %dma_start3A_179 = arith.constant 0 : i32
      %dma_start3A_180 = tpu.memref_slice %dma_start3A_177[%dma_start3A_178, %dma_start3A_179] : memref<10000x64xf32, #tpu.memory_space<hbm>> -> memref<10000x64xf32, #tpu.memory_space<hbm>>
      tpu.enqueue_indirect_dma source(%dma_start3A_180 : memref<10000x64xf32, #tpu.memory_space<hbm>>) target(%arg8 : memref<128x64xf32, #tpu.memory_space<vmem>>) offsets(%dma_start3A_173 : memref<128xi32, #tpu.memory_space<vmem>>) semaphore(%arg13 : memref<!tpu.dma_semaphore, #tpu.memory_space<semaphore_mem>>)
      %add3A_181 = arith.constant 1 : i32
      %add3A_182 = arith.addi %mul3A_153, %add3A_181 : i32
      %dma_wait3A_183 = arith.constant 0 : i32
      %dma_wait3A_184 = tpu.memref_slice %arg6[%add3A_182, %dma_wait3A_183] : memref<160x128xi32, #tpu.memory_space<vmem>> -> memref<1x128xi32, #tpu.memory_space<vmem>>
      %dma_wait3A_185 = tpu.memref_squeeze %dma_wait3A_184 : memref<1x128xi32, #tpu.memory_space<vmem>> -> memref<128xi32, #tpu.memory_space<vmem>>
      %dma_wait3A_186 = arith.constant 0 : i32
      %dma_wait3A_187 = arith.constant 0 : i32
      %dma_wait3A_188 = tpu.memref_slice %arg2[%arg0, %dma_wait3A_186, %dma_wait3A_187] : memref<2x10000x64xf32, #tpu.memory_space<hbm>> -> memref<1x10000x64xf32, #tpu.memory_space<hbm>>
      %dma_wait3A_189 = tpu.memref_squeeze %dma_wait3A_188 : memref<1x10000x64xf32, #tpu.memory_space<hbm>> -> memref<10000x64xf32, #tpu.memory_space<hbm>>
      %dma_wait3A_190 = arith.constant 0 : i32
      %dma_wait3A_191 = arith.constant 0 : i32
      %dma_wait3A_192 = tpu.memref_slice %dma_wait3A_189[%dma_wait3A_190, %dma_wait3A_191] : memref<10000x64xf32, #tpu.memory_space<hbm>> -> memref<10000x64xf32, #tpu.memory_space<hbm>>
      tpu.wait_indirect_dma semaphore(%arg14 : memref<!tpu.dma_semaphore, #tpu.memory_space<semaphore_mem>>) src(%dma_wait3A_192 : memref<10000x64xf32, #tpu.memory_space<hbm>>) dst(%arg9 : memref<128x64xf32, #tpu.memory_space<vmem>>)
      "tpu.region"() ({
        %run_scoped3A = tpu.sem_alloc : memref<!tpu.dma_semaphore, #tpu.memory_space<semaphore_mem>>
        %dma_start3A_262 = arith.constant 0 : i32
        %dma_start3A_263 = tpu.memref_slice %arg7[%add3A_182, %dma_start3A_262] : memref<160x128xi32, #tpu.memory_space<vmem>> -> memref<1x128xi32, #tpu.memory_space<vmem>>
        %dma_start3A_264 = tpu.memref_squeeze %dma_start3A_263 : memref<1x128xi32, #tpu.memory_space<vmem>> -> memref<128xi32, #tpu.memory_space<vmem>>
        %dma_start3A_265 = arith.constant 0 : i32
        %dma_start3A_266 = arith.constant 0 : i32
        %dma_start3A_267 = tpu.memref_slice %arg12[%dma_start3A_265, %dma_start3A_266] : memref<10000x64xf32, #tpu.memory_space<vmem_shared>> -> memref<10000x64xf32, #tpu.memory_space<vmem_shared>>
        tpu.enqueue_indirect_dma source(%arg9 : memref<128x64xf32, #tpu.memory_space<vmem>>) target(%dma_start3A_267 : memref<10000x64xf32, #tpu.memory_space<vmem_shared>>) offsets(%dma_start3A_264 : memref<128xi32, #tpu.memory_space<vmem>>) semaphore(%run_scoped3A : memref<!tpu.dma_semaphore, #tpu.memory_space<semaphore_mem>>) {add = true}
        %dma_wait3A_268 = arith.constant 0 : i32
        %dma_wait3A_269 = tpu.memref_slice %arg7[%add3A_182, %dma_wait3A_268] : memref<160x128xi32, #tpu.memory_space<vmem>> -> memref<1x128xi32, #tpu.memory_space<vmem>>
        %dma_wait3A_270 = tpu.memref_squeeze %dma_wait3A_269 : memref<1x128xi32, #tpu.memory_space<vmem>> -> memref<128xi32, #tpu.memory_space<vmem>>
        %dma_wait3A_271 = arith.constant 0 : i32
        %dma_wait3A_272 = arith.constant 0 : i32
        %dma_wait3A_273 = tpu.memref_slice %arg12[%dma_wait3A_271, %dma_wait3A_272] : memref<10000x64xf32, #tpu.memory_space<vmem_shared>> -> memref<10000x64xf32, #tpu.memory_space<vmem_shared>>
        tpu.wait_indirect_dma semaphore(%run_scoped3A : memref<!tpu.dma_semaphore, #tpu.memory_space<semaphore_mem>>) src(%arg9 : memref<128x64xf32, #tpu.memory_space<vmem>>) dst(%dma_wait3A_273 : memref<10000x64xf32, #tpu.memory_space<vmem_shared>>)
        tpu.yield
      }) : () -> ()
      %add3A_193 = arith.constant 4 : i32
      %add3A_194 = arith.addi %add3A_182, %add3A_193 : i32
      %lt3A_195 = arith.cmpi slt, %add3A_194, %add3A_10 : i32
      %jit3A_196 = arith.constant 1 : i32
      %select_n3A_197 = arith.select %lt3A_195, %add3A_194, %jit3A_196 : i32
      %dma_start3A_198 = arith.constant 0 : i32
      %dma_start3A_199 = tpu.memref_slice %arg6[%select_n3A_197, %dma_start3A_198] : memref<160x128xi32, #tpu.memory_space<vmem>> -> memref<1x128xi32, #tpu.memory_space<vmem>>
      %dma_start3A_200 = tpu.memref_squeeze %dma_start3A_199 : memref<1x128xi32, #tpu.memory_space<vmem>> -> memref<128xi32, #tpu.memory_space<vmem>>
      %dma_start3A_201 = arith.constant 0 : i32
      %dma_start3A_202 = arith.constant 0 : i32
      %dma_start3A_203 = tpu.memref_slice %arg2[%arg0, %dma_start3A_201, %dma_start3A_202] : memref<2x10000x64xf32, #tpu.memory_space<hbm>> -> memref<1x10000x64xf32, #tpu.memory_space<hbm>>
      %dma_start3A_204 = tpu.memref_squeeze %dma_start3A_203 : memref<1x10000x64xf32, #tpu.memory_space<hbm>> -> memref<10000x64xf32, #tpu.memory_space<hbm>>
      %dma_start3A_205 = arith.constant 0 : i32
      %dma_start3A_206 = arith.constant 0 : i32
      %dma_start3A_207 = tpu.memref_slice %dma_start3A_204[%dma_start3A_205, %dma_start3A_206] : memref<10000x64xf32, #tpu.memory_space<hbm>> -> memref<10000x64xf32, #tpu.memory_space<hbm>>
      tpu.enqueue_indirect_dma source(%dma_start3A_207 : memref<10000x64xf32, #tpu.memory_space<hbm>>) target(%arg9 : memref<128x64xf32, #tpu.memory_space<vmem>>) offsets(%dma_start3A_200 : memref<128xi32, #tpu.memory_space<vmem>>) semaphore(%arg14 : memref<!tpu.dma_semaphore, #tpu.memory_space<semaphore_mem>>)
      %add3A_208 = arith.constant 2 : i32
      %add3A_209 = arith.addi %mul3A_153, %add3A_208 : i32
      %dma_wait3A_210 = arith.constant 0 : i32
      %dma_wait3A_211 = tpu.memref_slice %arg6[%add3A_209, %dma_wait3A_210] : memref<160x128xi32, #tpu.memory_space<vmem>> -> memref<1x128xi32, #tpu.memory_space<vmem>>
      %dma_wait3A_212 = tpu.memref_squeeze %dma_wait3A_211 : memref<1x128xi32, #tpu.memory_space<vmem>> -> memref<128xi32, #tpu.memory_space<vmem>>
      %dma_wait3A_213 = arith.constant 0 : i32
      %dma_wait3A_214 = arith.constant 0 : i32
      %dma_wait3A_215 = tpu.memref_slice %arg2[%arg0, %dma_wait3A_213, %dma_wait3A_214] : memref<2x10000x64xf32, #tpu.memory_space<hbm>> -> memref<1x10000x64xf32, #tpu.memory_space<hbm>>
      %dma_wait3A_216 = tpu.memref_squeeze %dma_wait3A_215 : memref<1x10000x64xf32, #tpu.memory_space<hbm>> -> memref<10000x64xf32, #tpu.memory_space<hbm>>
      %dma_wait3A_217 = arith.constant 0 : i32
      %dma_wait3A_218 = arith.constant 0 : i32
      %dma_wait3A_219 = tpu.memref_slice %dma_wait3A_216[%dma_wait3A_217, %dma_wait3A_218] : memref<10000x64xf32, #tpu.memory_space<hbm>> -> memref<10000x64xf32, #tpu.memory_space<hbm>>
      tpu.wait_indirect_dma semaphore(%arg15 : memref<!tpu.dma_semaphore, #tpu.memory_space<semaphore_mem>>) src(%dma_wait3A_219 : memref<10000x64xf32, #tpu.memory_space<hbm>>) dst(%arg10 : memref<128x64xf32, #tpu.memory_space<vmem>>)
      "tpu.region"() ({
        %run_scoped3A = tpu.sem_alloc : memref<!tpu.dma_semaphore, #tpu.memory_space<semaphore_mem>>
        %dma_start3A_262 = arith.constant 0 : i32
        %dma_start3A_263 = tpu.memref_slice %arg7[%add3A_209, %dma_start3A_262] : memref<160x128xi32, #tpu.memory_space<vmem>> -> memref<1x128xi32, #tpu.memory_space<vmem>>
        %dma_start3A_264 = tpu.memref_squeeze %dma_start3A_263 : memref<1x128xi32, #tpu.memory_space<vmem>> -> memref<128xi32, #tpu.memory_space<vmem>>
        %dma_start3A_265 = arith.constant 0 : i32
        %dma_start3A_266 = arith.constant 0 : i32
        %dma_start3A_267 = tpu.memref_slice %arg12[%dma_start3A_265, %dma_start3A_266] : memref<10000x64xf32, #tpu.memory_space<vmem_shared>> -> memref<10000x64xf32, #tpu.memory_space<vmem_shared>>
        tpu.enqueue_indirect_dma source(%arg10 : memref<128x64xf32, #tpu.memory_space<vmem>>) target(%dma_start3A_267 : memref<10000x64xf32, #tpu.memory_space<vmem_shared>>) offsets(%dma_start3A_264 : memref<128xi32, #tpu.memory_space<vmem>>) semaphore(%run_scoped3A : memref<!tpu.dma_semaphore, #tpu.memory_space<semaphore_mem>>) {add = true}
        %dma_wait3A_268 = arith.constant 0 : i32
        %dma_wait3A_269 = tpu.memref_slice %arg7[%add3A_209, %dma_wait3A_268] : memref<160x128xi32, #tpu.memory_space<vmem>> -> memref<1x128xi32, #tpu.memory_space<vmem>>
        %dma_wait3A_270 = tpu.memref_squeeze %dma_wait3A_269 : memref<1x128xi32, #tpu.memory_space<vmem>> -> memref<128xi32, #tpu.memory_space<vmem>>
        %dma_wait3A_271 = arith.constant 0 : i32
        %dma_wait3A_272 = arith.constant 0 : i32
        %dma_wait3A_273 = tpu.memref_slice %arg12[%dma_wait3A_271, %dma_wait3A_272] : memref<10000x64xf32, #tpu.memory_space<vmem_shared>> -> memref<10000x64xf32, #tpu.memory_space<vmem_shared>>
        tpu.wait_indirect_dma semaphore(%run_scoped3A : memref<!tpu.dma_semaphore, #tpu.memory_space<semaphore_mem>>) src(%arg10 : memref<128x64xf32, #tpu.memory_space<vmem>>) dst(%dma_wait3A_273 : memref<10000x64xf32, #tpu.memory_space<vmem_shared>>)
        tpu.yield
      }) : () -> ()
      %add3A_220 = arith.constant 4 : i32
      %add3A_221 = arith.addi %add3A_209, %add3A_220 : i32
      %lt3A_222 = arith.cmpi slt, %add3A_221, %add3A_10 : i32
      %jit3A_223 = arith.constant 2 : i32
      %select_n3A_224 = arith.select %lt3A_222, %add3A_221, %jit3A_223 : i32
      %dma_start3A_225 = arith.constant 0 : i32
      %dma_start3A_226 = tpu.memref_slice %arg6[%select_n3A_224, %dma_start3A_225] : memref<160x128xi32, #tpu.memory_space<vmem>> -> memref<1x128xi32, #tpu.memory_space<vmem>>
      %dma_start3A_227 = tpu.memref_squeeze %dma_start3A_226 : memref<1x128xi32, #tpu.memory_space<vmem>> -> memref<128xi32, #tpu.memory_space<vmem>>
      %dma_start3A_228 = arith.constant 0 : i32
      %dma_start3A_229 = arith.constant 0 : i32
      %dma_start3A_230 = tpu.memref_slice %arg2[%arg0, %dma_start3A_228, %dma_start3A_229] : memref<2x10000x64xf32, #tpu.memory_space<hbm>> -> memref<1x10000x64xf32, #tpu.memory_space<hbm>>
      %dma_start3A_231 = tpu.memref_squeeze %dma_start3A_230 : memref<1x10000x64xf32, #tpu.memory_space<hbm>> -> memref<10000x64xf32, #tpu.memory_space<hbm>>
      %dma_start3A_232 = arith.constant 0 : i32
      %dma_start3A_233 = arith.constant 0 : i32
      %dma_start3A_234 = tpu.memref_slice %dma_start3A_231[%dma_start3A_232, %dma_start3A_233] : memref<10000x64xf32, #tpu.memory_space<hbm>> -> memref<10000x64xf32, #tpu.memory_space<hbm>>
      tpu.enqueue_indirect_dma source(%dma_start3A_234 : memref<10000x64xf32, #tpu.memory_space<hbm>>) target(%arg10 : memref<128x64xf32, #tpu.memory_space<vmem>>) offsets(%dma_start3A_227 : memref<128xi32, #tpu.memory_space<vmem>>) semaphore(%arg15 : memref<!tpu.dma_semaphore, #tpu.memory_space<semaphore_mem>>)
      %add3A_235 = arith.constant 3 : i32
      %add3A_236 = arith.addi %mul3A_153, %add3A_235 : i32
      %dma_wait3A_237 = arith.constant 0 : i32
      %dma_wait3A_238 = tpu.memref_slice %arg6[%add3A_236, %dma_wait3A_237] : memref<160x128xi32, #tpu.memory_space<vmem>> -> memref<1x128xi32, #tpu.memory_space<vmem>>
      %dma_wait3A_239 = tpu.memref_squeeze %dma_wait3A_238 : memref<1x128xi32, #tpu.memory_space<vmem>> -> memref<128xi32, #tpu.memory_space<vmem>>
      %dma_wait3A_240 = arith.constant 0 : i32
      %dma_wait3A_241 = arith.constant 0 : i32
      %dma_wait3A_242 = tpu.memref_slice %arg2[%arg0, %dma_wait3A_240, %dma_wait3A_241] : memref<2x10000x64xf32, #tpu.memory_space<hbm>> -> memref<1x10000x64xf32, #tpu.memory_space<hbm>>
      %dma_wait3A_243 = tpu.memref_squeeze %dma_wait3A_242 : memref<1x10000x64xf32, #tpu.memory_space<hbm>> -> memref<10000x64xf32, #tpu.memory_space<hbm>>
      %dma_wait3A_244 = arith.constant 0 : i32
      %dma_wait3A_245 = arith.constant 0 : i32
      %dma_wait3A_246 = tpu.memref_slice %dma_wait3A_243[%dma_wait3A_244, %dma_wait3A_245] : memref<10000x64xf32, #tpu.memory_space<hbm>> -> memref<10000x64xf32, #tpu.memory_space<hbm>>
      tpu.wait_indirect_dma semaphore(%arg16 : memref<!tpu.dma_semaphore, #tpu.memory_space<semaphore_mem>>) src(%dma_wait3A_246 : memref<10000x64xf32, #tpu.memory_space<hbm>>) dst(%arg11 : memref<128x64xf32, #tpu.memory_space<vmem>>)
      "tpu.region"() ({
        %run_scoped3A = tpu.sem_alloc : memref<!tpu.dma_semaphore, #tpu.memory_space<semaphore_mem>>
        %dma_start3A_262 = arith.constant 0 : i32
        %dma_start3A_263 = tpu.memref_slice %arg7[%add3A_236, %dma_start3A_262] : memref<160x128xi32, #tpu.memory_space<vmem>> -> memref<1x128xi32, #tpu.memory_space<vmem>>
        %dma_start3A_264 = tpu.memref_squeeze %dma_start3A_263 : memref<1x128xi32, #tpu.memory_space<vmem>> -> memref<128xi32, #tpu.memory_space<vmem>>
        %dma_start3A_265 = arith.constant 0 : i32
        %dma_start3A_266 = arith.constant 0 : i32
        %dma_start3A_267 = tpu.memref_slice %arg12[%dma_start3A_265, %dma_start3A_266] : memref<10000x64xf32, #tpu.memory_space<vmem_shared>> -> memref<10000x64xf32, #tpu.memory_space<vmem_shared>>
        tpu.enqueue_indirect_dma source(%arg11 : memref<128x64xf32, #tpu.memory_space<vmem>>) target(%dma_start3A_267 : memref<10000x64xf32, #tpu.memory_space<vmem_shared>>) offsets(%dma_start3A_264 : memref<128xi32, #tpu.memory_space<vmem>>) semaphore(%run_scoped3A : memref<!tpu.dma_semaphore, #tpu.memory_space<semaphore_mem>>) {add = true}
        %dma_wait3A_268 = arith.constant 0 : i32
        %dma_wait3A_269 = tpu.memref_slice %arg7[%add3A_236, %dma_wait3A_268] : memref<160x128xi32, #tpu.memory_space<vmem>> -> memref<1x128xi32, #tpu.memory_space<vmem>>
        %dma_wait3A_270 = tpu.memref_squeeze %dma_wait3A_269 : memref<1x128xi32, #tpu.memory_space<vmem>> -> memref<128xi32, #tpu.memory_space<vmem>>
        %dma_wait3A_271 = arith.constant 0 : i32
        %dma_wait3A_272 = arith.constant 0 : i32
        %dma_wait3A_273 = tpu.memref_slice %arg12[%dma_wait3A_271, %dma_wait3A_272] : memref<10000x64xf32, #tpu.memory_space<vmem_shared>> -> memref<10000x64xf32, #tpu.memory_space<vmem_shared>>
        tpu.wait_indirect_dma semaphore(%run_scoped3A : memref<!tpu.dma_semaphore, #tpu.memory_space<semaphore_mem>>) src(%arg11 : memref<128x64xf32, #tpu.memory_space<vmem>>) dst(%dma_wait3A_273 : memref<10000x64xf32, #tpu.memory_space<vmem_shared>>)
        tpu.yield
      }) : () -> ()
      %add3A_247 = arith.constant 4 : i32
      %add3A_248 = arith.addi %add3A_236, %add3A_247 : i32
      %lt3A_249 = arith.cmpi slt, %add3A_248, %add3A_10 : i32
      %jit3A_250 = arith.constant 3 : i32
      %select_n3A_251 = arith.select %lt3A_249, %add3A_248, %jit3A_250 : i32
      %dma_start3A_252 = arith.constant 0 : i32
      %dma_start3A_253 = tpu.memref_slice %arg6[%select_n3A_251, %dma_start3A_252] : memref<160x128xi32, #tpu.memory_space<vmem>> -> memref<1x128xi32, #tpu.memory_space<vmem>>
      %dma_start3A_254 = tpu.memref_squeeze %dma_start3A_253 : memref<1x128xi32, #tpu.memory_space<vmem>> -> memref<128xi32, #tpu.memory_space<vmem>>
      %dma_start3A_255 = arith.constant 0 : i32
      %dma_start3A_256 = arith.constant 0 : i32
      %dma_start3A_257 = tpu.memref_slice %arg2[%arg0, %dma_start3A_255, %dma_start3A_256] : memref<2x10000x64xf32, #tpu.memory_space<hbm>> -> memref<1x10000x64xf32, #tpu.memory_space<hbm>>
      %dma_start3A_258 = tpu.memref_squeeze %dma_start3A_257 : memref<1x10000x64xf32, #tpu.memory_space<hbm>> -> memref<10000x64xf32, #tpu.memory_space<hbm>>
      %dma_start3A_259 = arith.constant 0 : i32
      %dma_start3A_260 = arith.constant 0 : i32
      %dma_start3A_261 = tpu.memref_slice %dma_start3A_258[%dma_start3A_259, %dma_start3A_260] : memref<10000x64xf32, #tpu.memory_space<hbm>> -> memref<10000x64xf32, #tpu.memory_space<hbm>>
      tpu.enqueue_indirect_dma source(%dma_start3A_261 : memref<10000x64xf32, #tpu.memory_space<hbm>>) target(%arg11 : memref<128x64xf32, #tpu.memory_space<vmem>>) offsets(%dma_start3A_254 : memref<128xi32, #tpu.memory_space<vmem>>) semaphore(%arg16 : memref<!tpu.dma_semaphore, #tpu.memory_space<semaphore_mem>>)
    }
    %dma_wait3A = arith.constant 0 : i32
    %dma_wait3A_103 = arith.constant 0 : i32
    %dma_wait3A_104 = tpu.memref_slice %arg6[%dma_wait3A, %dma_wait3A_103] : memref<160x128xi32, #tpu.memory_space<vmem>> -> memref<1x128xi32, #tpu.memory_space<vmem>>
    %dma_wait3A_105 = tpu.memref_squeeze %dma_wait3A_104 : memref<1x128xi32, #tpu.memory_space<vmem>> -> memref<128xi32, #tpu.memory_space<vmem>>
    %dma_wait3A_106 = arith.constant 0 : i32
    %dma_wait3A_107 = arith.constant 0 : i32
    %dma_wait3A_108 = tpu.memref_slice %arg2[%arg0, %dma_wait3A_106, %dma_wait3A_107] : memref<2x10000x64xf32, #tpu.memory_space<hbm>> -> memref<1x10000x64xf32, #tpu.memory_space<hbm>>
    %dma_wait3A_109 = tpu.memref_squeeze %dma_wait3A_108 : memref<1x10000x64xf32, #tpu.memory_space<hbm>> -> memref<10000x64xf32, #tpu.memory_space<hbm>>
    %dma_wait3A_110 = arith.constant 0 : i32
    %dma_wait3A_111 = arith.constant 0 : i32
    %dma_wait3A_112 = tpu.memref_slice %dma_wait3A_109[%dma_wait3A_110, %dma_wait3A_111] : memref<10000x64xf32, #tpu.memory_space<hbm>> -> memref<10000x64xf32, #tpu.memory_space<hbm>>
    tpu.wait_indirect_dma semaphore(%arg13 : memref<!tpu.dma_semaphore, #tpu.memory_space<semaphore_mem>>) src(%dma_wait3A_112 : memref<10000x64xf32, #tpu.memory_space<hbm>>) dst(%arg8 : memref<128x64xf32, #tpu.memory_space<vmem>>)
    %dma_wait3A_113 = arith.constant 1 : i32
    %dma_wait3A_114 = arith.constant 0 : i32
    %dma_wait3A_115 = tpu.memref_slice %arg6[%dma_wait3A_113, %dma_wait3A_114] : memref<160x128xi32, #tpu.memory_space<vmem>> -> memref<1x128xi32, #tpu.memory_space<vmem>>
    %dma_wait3A_116 = tpu.memref_squeeze %dma_wait3A_115 : memref<1x128xi32, #tpu.memory_space<vmem>> -> memref<128xi32, #tpu.memory_space<vmem>>
    %dma_wait3A_117 = arith.constant 0 : i32
    %dma_wait3A_118 = arith.constant 0 : i32
    %dma_wait3A_119 = tpu.memref_slice %arg2[%arg0, %dma_wait3A_117, %dma_wait3A_118] : memref<2x10000x64xf32, #tpu.memory_space<hbm>> -> memref<1x10000x64xf32, #tpu.memory_space<hbm>>
    %dma_wait3A_120 = tpu.memref_squeeze %dma_wait3A_119 : memref<1x10000x64xf32, #tpu.memory_space<hbm>> -> memref<10000x64xf32, #tpu.memory_space<hbm>>
    %dma_wait3A_121 = arith.constant 0 : i32
    %dma_wait3A_122 = arith.constant 0 : i32
    %dma_wait3A_123 = tpu.memref_slice %dma_wait3A_120[%dma_wait3A_121, %dma_wait3A_122] : memref<10000x64xf32, #tpu.memory_space<hbm>> -> memref<10000x64xf32, #tpu.memory_space<hbm>>
    tpu.wait_indirect_dma semaphore(%arg14 : memref<!tpu.dma_semaphore, #tpu.memory_space<semaphore_mem>>) src(%dma_wait3A_123 : memref<10000x64xf32, #tpu.memory_space<hbm>>) dst(%arg9 : memref<128x64xf32, #tpu.memory_space<vmem>>)
    %dma_wait3A_124 = arith.constant 2 : i32
    %dma_wait3A_125 = arith.constant 0 : i32
    %dma_wait3A_126 = tpu.memref_slice %arg6[%dma_wait3A_124, %dma_wait3A_125] : memref<160x128xi32, #tpu.memory_space<vmem>> -> memref<1x128xi32, #tpu.memory_space<vmem>>
    %dma_wait3A_127 = tpu.memref_squeeze %dma_wait3A_126 : memref<1x128xi32, #tpu.memory_space<vmem>> -> memref<128xi32, #tpu.memory_space<vmem>>
    %dma_wait3A_128 = arith.constant 0 : i32
    %dma_wait3A_129 = arith.constant 0 : i32
    %dma_wait3A_130 = tpu.memref_slice %arg2[%arg0, %dma_wait3A_128, %dma_wait3A_129] : memref<2x10000x64xf32, #tpu.memory_space<hbm>> -> memref<1x10000x64xf32, #tpu.memory_space<hbm>>
    %dma_wait3A_131 = tpu.memref_squeeze %dma_wait3A_130 : memref<1x10000x64xf32, #tpu.memory_space<hbm>> -> memref<10000x64xf32, #tpu.memory_space<hbm>>
    %dma_wait3A_132 = arith.constant 0 : i32
    %dma_wait3A_133 = arith.constant 0 : i32
    %dma_wait3A_134 = tpu.memref_slice %dma_wait3A_131[%dma_wait3A_132, %dma_wait3A_133] : memref<10000x64xf32, #tpu.memory_space<hbm>> -> memref<10000x64xf32, #tpu.memory_space<hbm>>
    tpu.wait_indirect_dma semaphore(%arg15 : memref<!tpu.dma_semaphore, #tpu.memory_space<semaphore_mem>>) src(%dma_wait3A_134 : memref<10000x64xf32, #tpu.memory_space<hbm>>) dst(%arg10 : memref<128x64xf32, #tpu.memory_space<vmem>>)
    %dma_wait3A_135 = arith.constant 3 : i32
    %dma_wait3A_136 = arith.constant 0 : i32
    %dma_wait3A_137 = tpu.memref_slice %arg6[%dma_wait3A_135, %dma_wait3A_136] : memref<160x128xi32, #tpu.memory_space<vmem>> -> memref<1x128xi32, #tpu.memory_space<vmem>>
    %dma_wait3A_138 = tpu.memref_squeeze %dma_wait3A_137 : memref<1x128xi32, #tpu.memory_space<vmem>> -> memref<128xi32, #tpu.memory_space<vmem>>
    %dma_wait3A_139 = arith.constant 0 : i32
    %dma_wait3A_140 = arith.constant 0 : i32
    %dma_wait3A_141 = tpu.memref_slice %arg2[%arg0, %dma_wait3A_139, %dma_wait3A_140] : memref<2x10000x64xf32, #tpu.memory_space<hbm>> -> memref<1x10000x64xf32, #tpu.memory_space<hbm>>
    %dma_wait3A_142 = tpu.memref_squeeze %dma_wait3A_141 : memref<1x10000x64xf32, #tpu.memory_space<hbm>> -> memref<10000x64xf32, #tpu.memory_space<hbm>>
    %dma_wait3A_143 = arith.constant 0 : i32
    %dma_wait3A_144 = arith.constant 0 : i32
    %dma_wait3A_145 = tpu.memref_slice %dma_wait3A_142[%dma_wait3A_143, %dma_wait3A_144] : memref<10000x64xf32, #tpu.memory_space<hbm>> -> memref<10000x64xf32, #tpu.memory_space<hbm>>
    tpu.wait_indirect_dma semaphore(%arg16 : memref<!tpu.dma_semaphore, #tpu.memory_space<semaphore_mem>>) src(%dma_wait3A_145 : memref<10000x64xf32, #tpu.memory_space<hbm>>) dst(%arg11 : memref<128x64xf32, #tpu.memory_space<vmem>>)
    %barrier3A_146 = arith.constant 0 : index
    tpu.barrier barrier_id(%barrier3A_146)
    %mul3A_147 = arith.constant 64 : i32
    %mul3A_148 = arith.muli %arg0, %mul3A_147 : i32
    "tpu.region"() ({
      %run_scoped3A = tpu.sem_alloc : memref<!tpu.dma_semaphore, #tpu.memory_space<semaphore_mem>>
      %dma_start3A_149 = tpu.memref_slice %arg5[%multiple_of3A, %mul3A_148] : memref<10000x128xf32, #tpu.memory_space<hbm>> -> memref<632x64xf32, #tpu.memory_space<hbm>>
      %dma_start3A_150 = arith.constant 0 : i32
      %dma_start3A_151 = tpu.memref_slice %arg12[%multiple_of3A, %dma_start3A_150] : memref<10000x64xf32, #tpu.memory_space<vmem_shared>> -> memref<632x64xf32, #tpu.memory_space<vmem_shared>>
      tpu.enqueue_dma source(%dma_start3A_151 : memref<632x64xf32, #tpu.memory_space<vmem_shared>>) target(%dma_start3A_149 : memref<632x64xf32, #tpu.memory_space<hbm>>) target_semaphore(%run_scoped3A : memref<!tpu.dma_semaphore, #tpu.memory_space<semaphore_mem>>)
      %dma_wait3A_152 = tpu.memref_slice %arg5[%multiple_of3A, %mul3A_148] : memref<10000x128xf32, #tpu.memory_space<hbm>> -> memref<632x64xf32, #tpu.memory_space<hbm>>
      %dma_wait3A_153 = arith.constant 0 : i32
      %dma_wait3A_154 = tpu.memref_slice %arg12[%multiple_of3A, %dma_wait3A_153] : memref<10000x64xf32, #tpu.memory_space<vmem_shared>> -> memref<632x64xf32, #tpu.memory_space<vmem_shared>>
      tpu.wait_dma2 semaphore(%run_scoped3A : memref<!tpu.dma_semaphore, #tpu.memory_space<semaphore_mem>>) src(%dma_wait3A_154 : memref<632x64xf32, #tpu.memory_space<vmem_shared>>) dst(%dma_wait3A_152 : memref<632x64xf32, #tpu.memory_space<hbm>>)
      tpu.yield
    }) : () -> ()
    return
  }
}

#map = affine_map<(d0, d1) -> (0, 0)>
module attributes {stable_mosaic.version = 14 : i64} {
  func.func @_deg_body(%arg0: i32, %arg1: i32, %arg2: memref<2500x128xi32, #tpu.memory_space<hbm>>, %arg3: memref<2x10240xf32, #tpu.memory_space<hbm>>, %arg4: memref<80x128xi32, #tpu.memory_space<vmem>>, %arg5: memref<640xf32, #tpu.memory_space<vmem>>, %arg6: memref<640xf32, #tpu.memory_space<vmem>>, %arg7: memref<10240xf32, #tpu.memory_space<vmem_shared>>) attributes {dimension_semantics = [#tpu.dimension_semantics<core_parallel>, #tpu.dimension_semantics<subcore_parallel>], iteration_bounds = array<i64: 2, 16>, scalar_prefetch = 0 : i64, scratch_operands = 4 : i64, tpu.core_type = #tpu.core_type<sc_vector_subcore>, window_params = [{transform_indices = #map}, {transform_indices = #map}]} {
    %mul3A = arith.constant 2 : i32
    %mul3A_0 = arith.muli %arg1, %mul3A : i32
    %add3A = arith.addi %mul3A_0, %arg0 : i32
    %mul3A_1 = arith.constant 72 : i32
    %mul3A_2 = arith.muli %add3A, %mul3A_1 : i32
    "tpu.region"() ({
      %run_scoped3A = tpu.sem_alloc : memref<!tpu.dma_semaphore, #tpu.memory_space<semaphore_mem>>
      %dma_start3A = arith.constant 0 : i32
      %dma_start3A_55 = arith.constant 0 : i32
      %dma_start3A_56 = tpu.memref_slice %arg4[%dma_start3A, %dma_start3A_55] : memref<80x128xi32, #tpu.memory_space<vmem>> -> memref<72x128xi32, #tpu.memory_space<vmem>>
      %dma_start3A_57 = arith.constant 0 : i32
      %dma_start3A_58 = tpu.memref_slice %arg2[%mul3A_2, %dma_start3A_57] : memref<2500x128xi32, #tpu.memory_space<hbm>> -> memref<72x128xi32, #tpu.memory_space<hbm>>
      %dma_start3A_59 = arith.constant 0 : i32
      %dma_start3A_60 = arith.constant 0 : i32
      %dma_start3A_61 = tpu.memref_slice %arg4[%dma_start3A_59, %dma_start3A_60] : memref<80x128xi32, #tpu.memory_space<vmem>> -> memref<72x128xi32, #tpu.memory_space<vmem>>
      %dma_start3A_62 = arith.constant 0 : i32
      %dma_start3A_63 = tpu.memref_slice %arg2[%mul3A_2, %dma_start3A_62] : memref<2500x128xi32, #tpu.memory_space<hbm>> -> memref<72x128xi32, #tpu.memory_space<hbm>>
      tpu.enqueue_dma source(%dma_start3A_63 : memref<72x128xi32, #tpu.memory_space<hbm>>) target(%dma_start3A_61 : memref<72x128xi32, #tpu.memory_space<vmem>>) target_semaphore(%run_scoped3A : memref<!tpu.dma_semaphore, #tpu.memory_space<semaphore_mem>>)
      %dma_wait3A = arith.constant 0 : i32
      %dma_wait3A_64 = arith.constant 0 : i32
      %dma_wait3A_65 = tpu.memref_slice %arg4[%dma_wait3A, %dma_wait3A_64] : memref<80x128xi32, #tpu.memory_space<vmem>> -> memref<72x128xi32, #tpu.memory_space<vmem>>
      %dma_wait3A_66 = arith.constant 0 : i32
      %dma_wait3A_67 = tpu.memref_slice %arg2[%mul3A_2, %dma_wait3A_66] : memref<2500x128xi32, #tpu.memory_space<hbm>> -> memref<72x128xi32, #tpu.memory_space<hbm>>
      %dma_wait3A_68 = arith.constant 0 : i32
      %dma_wait3A_69 = arith.constant 0 : i32
      %dma_wait3A_70 = tpu.memref_slice %arg4[%dma_wait3A_68, %dma_wait3A_69] : memref<80x128xi32, #tpu.memory_space<vmem>> -> memref<72x128xi32, #tpu.memory_space<vmem>>
      %dma_wait3A_71 = arith.constant 0 : i32
      %dma_wait3A_72 = tpu.memref_slice %arg2[%mul3A_2, %dma_wait3A_71] : memref<2500x128xi32, #tpu.memory_space<hbm>> -> memref<72x128xi32, #tpu.memory_space<hbm>>
      tpu.wait_dma2 semaphore(%run_scoped3A : memref<!tpu.dma_semaphore, #tpu.memory_space<semaphore_mem>>) src(%dma_wait3A_72 : memref<72x128xi32, #tpu.memory_space<hbm>>) dst(%dma_wait3A_70 : memref<72x128xi32, #tpu.memory_space<vmem>>)
      tpu.yield
    }) : () -> ()
    %lt3A = arith.constant 24 : i32
    %lt3A_3 = arith.cmpi slt, %add3A, %lt3A : i32
    %jit3A = arith.constant 8 : i32
    %jit3A_4 = arith.constant 0 : i32
    %select_n3A = arith.select %lt3A_3, %jit3A, %jit3A_4 : i32
    %add3A_5 = arith.constant 72 : i32
    %add3A_6 = arith.addi %add3A_5, %select_n3A : i32
    %eq3A = arith.constant 24 : i32
    %eq3A_7 = arith.cmpi eq, %add3A, %eq3A : i32
    %jit3A_8 = arith.constant 4 : i32
    %jit3A_9 = arith.constant 0 : i32
    %select_n3A_10 = arith.select %eq3A_7, %jit3A_8, %jit3A_9 : i32
    %add3A_11 = arith.addi %add3A_6, %select_n3A_10 : i32
    %lt3A_12 = arith.constant 24 : i32
    %lt3A_13 = arith.cmpi slt, %add3A, %lt3A_12 : i32
    %convert_element_type3A = arith.extui %lt3A_13 : i1 to i32
    %cond3A = arith.constant 0 : i32
    %cond3A_14 = arith.cmpi ne, %convert_element_type3A, %cond3A : i32
    scf.if %cond3A_14 {
      %mul3A_55 = arith.constant 8 : i32
      %mul3A_56 = arith.muli %add3A, %mul3A_55 : i32
      %add3A_57 = arith.constant 2304 : i32
      %add3A_58 = arith.addi %add3A_57, %mul3A_56 : i32
      %multiple_of3A = tpu.assume_multiple %add3A_58, 8 : i32
      "tpu.region"() ({
        %run_scoped3A = tpu.sem_alloc : memref<!tpu.dma_semaphore, #tpu.memory_space<semaphore_mem>>
        %dma_start3A = arith.constant 72 : i32
        %dma_start3A_59 = arith.constant 0 : i32
        %dma_start3A_60 = tpu.memref_slice %arg4[%dma_start3A, %dma_start3A_59] : memref<80x128xi32, #tpu.memory_space<vmem>> -> memref<8x128xi32, #tpu.memory_space<vmem>>
        %dma_start3A_61 = arith.constant 0 : i32
        %dma_start3A_62 = tpu.memref_slice %arg2[%multiple_of3A, %dma_start3A_61] : memref<2500x128xi32, #tpu.memory_space<hbm>> -> memref<8x128xi32, #tpu.memory_space<hbm>>
        %dma_start3A_63 = arith.constant 72 : i32
        %dma_start3A_64 = arith.constant 0 : i32
        %dma_start3A_65 = tpu.memref_slice %arg4[%dma_start3A_63, %dma_start3A_64] : memref<80x128xi32, #tpu.memory_space<vmem>> -> memref<8x128xi32, #tpu.memory_space<vmem>>
        %dma_start3A_66 = arith.constant 0 : i32
        %dma_start3A_67 = tpu.memref_slice %arg2[%multiple_of3A, %dma_start3A_66] : memref<2500x128xi32, #tpu.memory_space<hbm>> -> memref<8x128xi32, #tpu.memory_space<hbm>>
        tpu.enqueue_dma source(%dma_start3A_67 : memref<8x128xi32, #tpu.memory_space<hbm>>) target(%dma_start3A_65 : memref<8x128xi32, #tpu.memory_space<vmem>>) target_semaphore(%run_scoped3A : memref<!tpu.dma_semaphore, #tpu.memory_space<semaphore_mem>>)
        %dma_wait3A = arith.constant 72 : i32
        %dma_wait3A_68 = arith.constant 0 : i32
        %dma_wait3A_69 = tpu.memref_slice %arg4[%dma_wait3A, %dma_wait3A_68] : memref<80x128xi32, #tpu.memory_space<vmem>> -> memref<8x128xi32, #tpu.memory_space<vmem>>
        %dma_wait3A_70 = arith.constant 0 : i32
        %dma_wait3A_71 = tpu.memref_slice %arg2[%multiple_of3A, %dma_wait3A_70] : memref<2500x128xi32, #tpu.memory_space<hbm>> -> memref<8x128xi32, #tpu.memory_space<hbm>>
        %dma_wait3A_72 = arith.constant 72 : i32
        %dma_wait3A_73 = arith.constant 0 : i32
        %dma_wait3A_74 = tpu.memref_slice %arg4[%dma_wait3A_72, %dma_wait3A_73] : memref<80x128xi32, #tpu.memory_space<vmem>> -> memref<8x128xi32, #tpu.memory_space<vmem>>
        %dma_wait3A_75 = arith.constant 0 : i32
        %dma_wait3A_76 = tpu.memref_slice %arg2[%multiple_of3A, %dma_wait3A_75] : memref<2500x128xi32, #tpu.memory_space<hbm>> -> memref<8x128xi32, #tpu.memory_space<hbm>>
        tpu.wait_dma2 semaphore(%run_scoped3A : memref<!tpu.dma_semaphore, #tpu.memory_space<semaphore_mem>>) src(%dma_wait3A_76 : memref<8x128xi32, #tpu.memory_space<hbm>>) dst(%dma_wait3A_74 : memref<8x128xi32, #tpu.memory_space<vmem>>)
        tpu.yield
      }) : () -> ()
    } else {
    }
    %eq3A_15 = arith.constant 24 : i32
    %eq3A_16 = arith.cmpi eq, %add3A, %eq3A_15 : i32
    %convert_element_type3A_17 = arith.extui %eq3A_16 : i1 to i32
    %cond3A_18 = arith.constant 0 : i32
    %cond3A_19 = arith.cmpi ne, %convert_element_type3A_17, %cond3A_18 : i32
    scf.if %cond3A_19 {
      "tpu.region"() ({
        %run_scoped3A = tpu.sem_alloc : memref<!tpu.dma_semaphore, #tpu.memory_space<semaphore_mem>>
        %dma_start3A = arith.constant 72 : i32
        %dma_start3A_55 = arith.constant 0 : i32
        %dma_start3A_56 = tpu.memref_slice %arg4[%dma_start3A, %dma_start3A_55] : memref<80x128xi32, #tpu.memory_space<vmem>> -> memref<4x128xi32, #tpu.memory_space<vmem>>
        %dma_start3A_57 = arith.constant 2496 : i32
        %dma_start3A_58 = arith.constant 0 : i32
        %dma_start3A_59 = tpu.memref_slice %arg2[%dma_start3A_57, %dma_start3A_58] : memref<2500x128xi32, #tpu.memory_space<hbm>> -> memref<4x128xi32, #tpu.memory_space<hbm>>
        %dma_start3A_60 = arith.constant 72 : i32
        %dma_start3A_61 = arith.constant 0 : i32
        %dma_start3A_62 = tpu.memref_slice %arg4[%dma_start3A_60, %dma_start3A_61] : memref<80x128xi32, #tpu.memory_space<vmem>> -> memref<4x128xi32, #tpu.memory_space<vmem>>
        %dma_start3A_63 = arith.constant 2496 : i32
        %dma_start3A_64 = arith.constant 0 : i32
        %dma_start3A_65 = tpu.memref_slice %arg2[%dma_start3A_63, %dma_start3A_64] : memref<2500x128xi32, #tpu.memory_space<hbm>> -> memref<4x128xi32, #tpu.memory_space<hbm>>
        tpu.enqueue_dma source(%dma_start3A_65 : memref<4x128xi32, #tpu.memory_space<hbm>>) target(%dma_start3A_62 : memref<4x128xi32, #tpu.memory_space<vmem>>) target_semaphore(%run_scoped3A : memref<!tpu.dma_semaphore, #tpu.memory_space<semaphore_mem>>)
        %dma_wait3A = arith.constant 72 : i32
        %dma_wait3A_66 = arith.constant 0 : i32
        %dma_wait3A_67 = tpu.memref_slice %arg4[%dma_wait3A, %dma_wait3A_66] : memref<80x128xi32, #tpu.memory_space<vmem>> -> memref<4x128xi32, #tpu.memory_space<vmem>>
        %dma_wait3A_68 = arith.constant 2496 : i32
        %dma_wait3A_69 = arith.constant 0 : i32
        %dma_wait3A_70 = tpu.memref_slice %arg2[%dma_wait3A_68, %dma_wait3A_69] : memref<2500x128xi32, #tpu.memory_space<hbm>> -> memref<4x128xi32, #tpu.memory_space<hbm>>
        %dma_wait3A_71 = arith.constant 72 : i32
        %dma_wait3A_72 = arith.constant 0 : i32
        %dma_wait3A_73 = tpu.memref_slice %arg4[%dma_wait3A_71, %dma_wait3A_72] : memref<80x128xi32, #tpu.memory_space<vmem>> -> memref<4x128xi32, #tpu.memory_space<vmem>>
        %dma_wait3A_74 = arith.constant 2496 : i32
        %dma_wait3A_75 = arith.constant 0 : i32
        %dma_wait3A_76 = tpu.memref_slice %arg2[%dma_wait3A_74, %dma_wait3A_75] : memref<2500x128xi32, #tpu.memory_space<hbm>> -> memref<4x128xi32, #tpu.memory_space<hbm>>
        tpu.wait_dma2 semaphore(%run_scoped3A : memref<!tpu.dma_semaphore, #tpu.memory_space<semaphore_mem>>) src(%dma_wait3A_76 : memref<4x128xi32, #tpu.memory_space<hbm>>) dst(%dma_wait3A_73 : memref<4x128xi32, #tpu.memory_space<vmem>>)
        tpu.yield
      }) : () -> ()
    } else {
    }
    %broadcast_in_dim3A = arith.constant 1.000000e+00 : f32
    %broadcast_in_dim3A_20 = vector.broadcast %broadcast_in_dim3A : f32 to vector<16xf32>
    %eq3A_21 = arith.constant 0 : i32
    %eq3A_22 = arith.cmpi eq, %arg0, %eq3A_21 : i32
    %jit3A_23 = arith.constant 1.000000e+00 : f32
    %jit3A_24 = arith.constant 0.000000e+00 : f32
    %select_n3A_25 = arith.select %eq3A_22, %jit3A_23, %jit3A_24 : f32
    %mul3A_26 = vector.broadcast %select_n3A_25 : f32 to vector<16xf32>
    %mul3A_27 = arith.mulf %broadcast_in_dim3A_20, %mul3A_26 : vector<16xf32>
    %scan3A = arith.constant 0 : i32
    %scan3A_28 = arith.constant 40 : i32
    %scan3A_29 = arith.addi %scan3A, %scan3A_28 : i32
    %scan3A_30 = arith.constant 1 : i32
    scf.for %scan3A_55 = %scan3A to %scan3A_29 step %scan3A_30  : i32 {
      %mul3A_56 = arith.constant 1 : i32
      %mul3A_57 = arith.muli %scan3A_55, %mul3A_56 : i32
      %add3A_58 = arith.constant 0 : i32
      %add3A_59 = arith.addi %add3A_58, %mul3A_57 : i32
      %mul3A_60 = arith.constant 16 : i32
      %mul3A_61 = arith.muli %add3A_59, %mul3A_60 : i32
      %swap3A = arith.index_cast %mul3A_61 : i32 to index
      %swap3A_62 = tpu.vector_load %arg5[%swap3A] {strides = array<i32>} : memref<640xf32, #tpu.memory_space<vmem>>, vector<16xf32>,
      %swap3A_63 = vector.shape_cast %swap3A_62 : vector<16xf32> to vector<16xf32>
      %swap3A_64 = vector.shape_cast %broadcast_in_dim3A_20 : vector<16xf32> to vector<16xf32>
      tpu.vector_store %arg5[%swap3A], %swap3A_64 {strides = array<i32>} : memref<640xf32, #tpu.memory_space<vmem>>, vector<16xf32>,
      %mul3A_65 = arith.constant 16 : i32
      %mul3A_66 = arith.muli %add3A_59, %mul3A_65 : i32
      %swap3A_67 = arith.index_cast %mul3A_66 : i32 to index
      %swap3A_68 = tpu.vector_load %arg6[%swap3A_67] {strides = array<i32>} : memref<640xf32, #tpu.memory_space<vmem>>, vector<16xf32>,
      %swap3A_69 = vector.shape_cast %swap3A_68 : vector<16xf32> to vector<16xf32>
      %swap3A_70 = vector.shape_cast %mul3A_27 : vector<16xf32> to vector<16xf32>
      tpu.vector_store %arg6[%swap3A_67], %swap3A_70 {strides = array<i32>} : memref<640xf32, #tpu.memory_space<vmem>>, vector<16xf32>,
    }
    %scan3A_31 = arith.constant 40 : i32
    %mul3A_32 = arith.constant 640 : i32
    %mul3A_33 = arith.muli %arg1, %mul3A_32 : i32
    "tpu.region"() ({
      %run_scoped3A = tpu.sem_alloc : memref<!tpu.dma_semaphore, #tpu.memory_space<semaphore_mem>>
      %dma_start3A = tpu.memref_slice %arg7[%mul3A_33] : memref<10240xf32, #tpu.memory_space<vmem_shared>> -> memref<640xf32, #tpu.memory_space<vmem_shared>>
      %dma_start3A_55 = tpu.memref_slice %arg7[%mul3A_33] : memref<10240xf32, #tpu.memory_space<vmem_shared>> -> memref<640xf32, #tpu.memory_space<vmem_shared>>
      tpu.enqueue_dma source(%arg6 : memref<640xf32, #tpu.memory_space<vmem>>) target(%dma_start3A_55 : memref<640xf32, #tpu.memory_space<vmem_shared>>) target_semaphore(%run_scoped3A : memref<!tpu.dma_semaphore, #tpu.memory_space<semaphore_mem>>)
      %dma_wait3A = tpu.memref_slice %arg7[%mul3A_33] : memref<10240xf32, #tpu.memory_space<vmem_shared>> -> memref<640xf32, #tpu.memory_space<vmem_shared>>
      %dma_wait3A_56 = tpu.memref_slice %arg7[%mul3A_33] : memref<10240xf32, #tpu.memory_space<vmem_shared>> -> memref<640xf32, #tpu.memory_space<vmem_shared>>
      tpu.wait_dma2 semaphore(%run_scoped3A : memref<!tpu.dma_semaphore, #tpu.memory_space<semaphore_mem>>) src(%arg6 : memref<640xf32, #tpu.memory_space<vmem>>) dst(%dma_wait3A_56 : memref<640xf32, #tpu.memory_space<vmem_shared>>)
      tpu.yield
    }) : () -> ()
    %barrier3A = arith.constant 0 : index
    tpu.barrier barrier_id(%barrier3A)
    %sub3A = arith.constant 0 : i32
    %sub3A_34 = arith.subi %add3A_11, %sub3A : i32
    %sub3A_35 = arith.constant 1 : i32
    %sub3A_36 = arith.constant 1 : i32
    %sub3A_37 = arith.subi %sub3A_35, %sub3A_36 : i32
    %add3A_38 = arith.addi %sub3A_34, %sub3A_37 : i32
    %div3A = arith.constant 1 : i32
    %div3A_39 = arith.divsi %add3A_38, %div3A : i32
    %while3A = arith.constant 1 : i32
    %while3A_40 = arith.constant 0 : i32
    %while3A_41 = arith.constant 0 : i32
    %while3A_42 = arith.subi %div3A_39, %while3A_41 : i32
    %while3A_43 = arith.addi %while3A_41, %while3A_42 : i32
    %while3A_44 = arith.constant 1 : i32
    %while3A_45 = arith.divsi %while3A_42, %while3A_44 : i32
    %while3A_46 = arith.muli %while3A_45, %while3A_44 : i32
    %while3A_47 = arith.addi %while3A_41, %while3A_46 : i32
    %while3A_48 = arith.constant 1 : i32
    scf.for %while3A_55 = %while3A_41 to %while3A_47 step %while3A_48  : i32 {
      %mul3A_56 = arith.muli %while3A_55, %while3A : i32
      %add3A_57 = arith.addi %while3A_40, %mul3A_56 : i32
      "tpu.region"() ({
        %run_scoped3A = tpu.sem_alloc : memref<!tpu.dma_semaphore, #tpu.memory_space<semaphore_mem>>
        %dma_start3A = arith.constant 0 : i32
        %dma_start3A_58 = tpu.memref_slice %arg5[%dma_start3A] : memref<640xf32, #tpu.memory_space<vmem>> -> memref<128xf32, #tpu.memory_space<vmem>>
        %dma_start3A_59 = arith.constant 0 : i32
        %dma_start3A_60 = tpu.memref_slice %arg4[%add3A_57, %dma_start3A_59] : memref<80x128xi32, #tpu.memory_space<vmem>> -> memref<1x128xi32, #tpu.memory_space<vmem>>
        %dma_start3A_61 = tpu.memref_squeeze %dma_start3A_60 : memref<1x128xi32, #tpu.memory_space<vmem>> -> memref<128xi32, #tpu.memory_space<vmem>>
        %dma_start3A_62 = arith.constant 0 : i32
        %dma_start3A_63 = tpu.memref_slice %arg7[%dma_start3A_62] : memref<10240xf32, #tpu.memory_space<vmem_shared>> -> memref<10240xf32, #tpu.memory_space<vmem_shared>>
        tpu.enqueue_indirect_dma source(%dma_start3A_58 : memref<128xf32, #tpu.memory_space<vmem>>) target(%dma_start3A_63 : memref<10240xf32, #tpu.memory_space<vmem_shared>>) offsets(%dma_start3A_61 : memref<128xi32, #tpu.memory_space<vmem>>) semaphore(%run_scoped3A : memref<!tpu.dma_semaphore, #tpu.memory_space<semaphore_mem>>) {add = true}
        %dma_wait3A = arith.constant 0 : i32
        %dma_wait3A_64 = tpu.memref_slice %arg5[%dma_wait3A] : memref<640xf32, #tpu.memory_space<vmem>> -> memref<128xf32, #tpu.memory_space<vmem>>
        %dma_wait3A_65 = arith.constant 0 : i32
        %dma_wait3A_66 = tpu.memref_slice %arg4[%add3A_57, %dma_wait3A_65] : memref<80x128xi32, #tpu.memory_space<vmem>> -> memref<1x128xi32, #tpu.memory_space<vmem>>
        %dma_wait3A_67 = tpu.memref_squeeze %dma_wait3A_66 : memref<1x128xi32, #tpu.memory_space<vmem>> -> memref<128xi32, #tpu.memory_space<vmem>>
        %dma_wait3A_68 = arith.constant 0 : i32
        %dma_wait3A_69 = tpu.memref_slice %arg7[%dma_wait3A_68] : memref<10240xf32, #tpu.memory_space<vmem_shared>> -> memref<10240xf32, #tpu.memory_space<vmem_shared>>
        tpu.wait_indirect_dma semaphore(%run_scoped3A : memref<!tpu.dma_semaphore, #tpu.memory_space<semaphore_mem>>) src(%dma_wait3A_64 : memref<128xf32, #tpu.memory_space<vmem>>) dst(%dma_wait3A_69 : memref<10240xf32, #tpu.memory_space<vmem_shared>>)
        tpu.yield
      }) : () -> ()
    }
    %while3A_49 = arith.constant 1 : i32
    scf.for %while3A_55 = %while3A_47 to %while3A_43 step %while3A_49  : i32 {
      %mul3A_56 = arith.muli %while3A_55, %while3A : i32
      %add3A_57 = arith.addi %while3A_40, %mul3A_56 : i32
      "tpu.region"() ({
        %run_scoped3A = tpu.sem_alloc : memref<!tpu.dma_semaphore, #tpu.memory_space<semaphore_mem>>
        %dma_start3A = arith.constant 0 : i32
        %dma_start3A_58 = tpu.memref_slice %arg5[%dma_start3A] : memref<640xf32, #tpu.memory_space<vmem>> -> memref<128xf32, #tpu.memory_space<vmem>>
        %dma_start3A_59 = arith.constant 0 : i32
        %dma_start3A_60 = tpu.memref_slice %arg4[%add3A_57, %dma_start3A_59] : memref<80x128xi32, #tpu.memory_space<vmem>> -> memref<1x128xi32, #tpu.memory_space<vmem>>
        %dma_start3A_61 = tpu.memref_squeeze %dma_start3A_60 : memref<1x128xi32, #tpu.memory_space<vmem>> -> memref<128xi32, #tpu.memory_space<vmem>>
        %dma_start3A_62 = arith.constant 0 : i32
        %dma_start3A_63 = tpu.memref_slice %arg7[%dma_start3A_62] : memref<10240xf32, #tpu.memory_space<vmem_shared>> -> memref<10240xf32, #tpu.memory_space<vmem_shared>>
        tpu.enqueue_indirect_dma source(%dma_start3A_58 : memref<128xf32, #tpu.memory_space<vmem>>) target(%dma_start3A_63 : memref<10240xf32, #tpu.memory_space<vmem_shared>>) offsets(%dma_start3A_61 : memref<128xi32, #tpu.memory_space<vmem>>) semaphore(%run_scoped3A : memref<!tpu.dma_semaphore, #tpu.memory_space<semaphore_mem>>) {add = true}
        %dma_wait3A = arith.constant 0 : i32
        %dma_wait3A_64 = tpu.memref_slice %arg5[%dma_wait3A] : memref<640xf32, #tpu.memory_space<vmem>> -> memref<128xf32, #tpu.memory_space<vmem>>
        %dma_wait3A_65 = arith.constant 0 : i32
        %dma_wait3A_66 = tpu.memref_slice %arg4[%add3A_57, %dma_wait3A_65] : memref<80x128xi32, #tpu.memory_space<vmem>> -> memref<1x128xi32, #tpu.memory_space<vmem>>
        %dma_wait3A_67 = tpu.memref_squeeze %dma_wait3A_66 : memref<1x128xi32, #tpu.memory_space<vmem>> -> memref<128xi32, #tpu.memory_space<vmem>>
        %dma_wait3A_68 = arith.constant 0 : i32
        %dma_wait3A_69 = tpu.memref_slice %arg7[%dma_wait3A_68] : memref<10240xf32, #tpu.memory_space<vmem_shared>> -> memref<10240xf32, #tpu.memory_space<vmem_shared>>
        tpu.wait_indirect_dma semaphore(%run_scoped3A : memref<!tpu.dma_semaphore, #tpu.memory_space<semaphore_mem>>) src(%dma_wait3A_64 : memref<128xf32, #tpu.memory_space<vmem>>) dst(%dma_wait3A_69 : memref<10240xf32, #tpu.memory_space<vmem_shared>>)
        tpu.yield
      }) : () -> ()
    }
    %barrier3A_50 = arith.constant 0 : index
    tpu.barrier barrier_id(%barrier3A_50)
    %mul3A_51 = arith.constant 640 : i32
    %mul3A_52 = arith.muli %arg1, %mul3A_51 : i32
    %mul3A_53 = arith.constant 640 : i32
    %mul3A_54 = arith.muli %arg1, %mul3A_53 : i32
    "tpu.region"() ({
      %run_scoped3A = tpu.sem_alloc : memref<!tpu.dma_semaphore, #tpu.memory_space<semaphore_mem>>
      %dma_start3A = tpu.memref_slice %arg3[%arg0, %mul3A_54] : memref<2x10240xf32, #tpu.memory_space<hbm>> -> memref<1x640xf32, #tpu.memory_space<hbm>>
      %dma_start3A_55 = tpu.memref_squeeze %dma_start3A : memref<1x640xf32, #tpu.memory_space<hbm>> -> memref<640xf32, #tpu.memory_space<hbm>>
      %dma_start3A_56 = tpu.memref_slice %arg7[%mul3A_52] : memref<10240xf32, #tpu.memory_space<vmem_shared>> -> memref<640xf32, #tpu.memory_space<vmem_shared>>
      tpu.enqueue_dma source(%dma_start3A_56 : memref<640xf32, #tpu.memory_space<vmem_shared>>) target(%dma_start3A_55 : memref<640xf32, #tpu.memory_space<hbm>>) target_semaphore(%run_scoped3A : memref<!tpu.dma_semaphore, #tpu.memory_space<semaphore_mem>>)
      %dma_wait3A = tpu.memref_slice %arg3[%arg0, %mul3A_54] : memref<2x10240xf32, #tpu.memory_space<hbm>> -> memref<1x640xf32, #tpu.memory_space<hbm>>
      %dma_wait3A_57 = tpu.memref_squeeze %dma_wait3A : memref<1x640xf32, #tpu.memory_space<hbm>> -> memref<640xf32, #tpu.memory_space<hbm>>
      %dma_wait3A_58 = tpu.memref_slice %arg7[%mul3A_52] : memref<10240xf32, #tpu.memory_space<vmem_shared>> -> memref<640xf32, #tpu.memory_space<vmem_shared>>
      tpu.wait_dma2 semaphore(%run_scoped3A : memref<!tpu.dma_semaphore, #tpu.memory_space<semaphore_mem>>) src(%dma_wait3A_58 : memref<640xf32, #tpu.memory_space<vmem_shared>>) dst(%dma_wait3A_57 : memref<640xf32, #tpu.memory_space<hbm>>)
      tpu.yield
    }) : () -> ()
    return
  }
}

#map = affine_map<(d0, d1) -> (0, 0, 0)>
#map1 = affine_map<(d0, d1) -> (0, 0)>
module attributes {stable_mosaic.version = 14 : i64} {
  func.func @_prop_body(%arg0: i32, %arg1: i32, %arg2: memref<2x10000x64xf32, #tpu.memory_space<hbm>>, %arg3: memref<2500x128xi32, #tpu.memory_space<hbm>>, %arg4: memref<2500x128xi32, #tpu.memory_space<hbm>>, %arg5: memref<10000x128xf32, #tpu.memory_space<hbm>>, %arg6: memref<160x128xi32, #tpu.memory_space<vmem>>, %arg7: memref<160x128xi32, #tpu.memory_space<vmem>>, %arg8: memref<128x64xf32, #tpu.memory_space<vmem>>, %arg9: memref<128x64xf32, #tpu.memory_space<vmem>>, %arg10: memref<128x64xf32, #tpu.memory_space<vmem>>, %arg11: memref<128x64xf32, #tpu.memory_space<vmem>>, %arg12: memref<10000x64xf32, #tpu.memory_space<vmem_shared>>, %arg13: memref<!tpu.dma_semaphore, #tpu.memory_space<semaphore_mem>>, %arg14: memref<!tpu.dma_semaphore, #tpu.memory_space<semaphore_mem>>, %arg15: memref<!tpu.dma_semaphore, #tpu.memory_space<semaphore_mem>>, %arg16: memref<!tpu.dma_semaphore, #tpu.memory_space<semaphore_mem>>) attributes {dimension_semantics = [#tpu.dimension_semantics<core_parallel>, #tpu.dimension_semantics<subcore_parallel>], iteration_bounds = array<i64: 2, 16>, scalar_prefetch = 0 : i64, scratch_operands = 11 : i64, tpu.core_type = #tpu.core_type<sc_vector_subcore>, window_params = [{transform_indices = #map}, {transform_indices = #map1}, {transform_indices = #map1}, {transform_indices = #map1}]} {
    %mul3A = arith.constant 152 : i32
    %mul3A_0 = arith.muli %arg1, %mul3A : i32
    "tpu.region"() ({
      %run_scoped3A = tpu.sem_alloc : memref<!tpu.dma_semaphore, #tpu.memory_space<semaphore_mem>>
      %dma_start3A_149 = arith.constant 0 : i32
      %dma_start3A_150 = arith.constant 0 : i32
      %dma_start3A_151 = tpu.memref_slice %arg6[%dma_start3A_149, %dma_start3A_150] : memref<160x128xi32, #tpu.memory_space<vmem>> -> memref<152x128xi32, #tpu.memory_space<vmem>>
      %dma_start3A_152 = arith.constant 0 : i32
      %dma_start3A_153 = tpu.memref_slice %arg3[%mul3A_0, %dma_start3A_152] : memref<2500x128xi32, #tpu.memory_space<hbm>> -> memref<152x128xi32, #tpu.memory_space<hbm>>
      %dma_start3A_154 = arith.constant 0 : i32
      %dma_start3A_155 = arith.constant 0 : i32
      %dma_start3A_156 = tpu.memref_slice %arg6[%dma_start3A_154, %dma_start3A_155] : memref<160x128xi32, #tpu.memory_space<vmem>> -> memref<152x128xi32, #tpu.memory_space<vmem>>
      %dma_start3A_157 = arith.constant 0 : i32
      %dma_start3A_158 = tpu.memref_slice %arg3[%mul3A_0, %dma_start3A_157] : memref<2500x128xi32, #tpu.memory_space<hbm>> -> memref<152x128xi32, #tpu.memory_space<hbm>>
      tpu.enqueue_dma source(%dma_start3A_158 : memref<152x128xi32, #tpu.memory_space<hbm>>) target(%dma_start3A_156 : memref<152x128xi32, #tpu.memory_space<vmem>>) target_semaphore(%run_scoped3A : memref<!tpu.dma_semaphore, #tpu.memory_space<semaphore_mem>>)
      %dma_wait3A_159 = arith.constant 0 : i32
      %dma_wait3A_160 = arith.constant 0 : i32
      %dma_wait3A_161 = tpu.memref_slice %arg6[%dma_wait3A_159, %dma_wait3A_160] : memref<160x128xi32, #tpu.memory_space<vmem>> -> memref<152x128xi32, #tpu.memory_space<vmem>>
      %dma_wait3A_162 = arith.constant 0 : i32
      %dma_wait3A_163 = tpu.memref_slice %arg3[%mul3A_0, %dma_wait3A_162] : memref<2500x128xi32, #tpu.memory_space<hbm>> -> memref<152x128xi32, #tpu.memory_space<hbm>>
      %dma_wait3A_164 = arith.constant 0 : i32
      %dma_wait3A_165 = arith.constant 0 : i32
      %dma_wait3A_166 = tpu.memref_slice %arg6[%dma_wait3A_164, %dma_wait3A_165] : memref<160x128xi32, #tpu.memory_space<vmem>> -> memref<152x128xi32, #tpu.memory_space<vmem>>
      %dma_wait3A_167 = arith.constant 0 : i32
      %dma_wait3A_168 = tpu.memref_slice %arg3[%mul3A_0, %dma_wait3A_167] : memref<2500x128xi32, #tpu.memory_space<hbm>> -> memref<152x128xi32, #tpu.memory_space<hbm>>
      tpu.wait_dma2 semaphore(%run_scoped3A : memref<!tpu.dma_semaphore, #tpu.memory_space<semaphore_mem>>) src(%dma_wait3A_168 : memref<152x128xi32, #tpu.memory_space<hbm>>) dst(%dma_wait3A_166 : memref<152x128xi32, #tpu.memory_space<vmem>>)
      tpu.yield
    }) : () -> ()
    %mul3A_1 = arith.constant 152 : i32
    %mul3A_2 = arith.muli %arg1, %mul3A_1 : i32
    "tpu.region"() ({
      %run_scoped3A = tpu.sem_alloc : memref<!tpu.dma_semaphore, #tpu.memory_space<semaphore_mem>>
      %dma_start3A_149 = arith.constant 0 : i32
      %dma_start3A_150 = arith.constant 0 : i32
      %dma_start3A_151 = tpu.memref_slice %arg7[%dma_start3A_149, %dma_start3A_150] : memref<160x128xi32, #tpu.memory_space<vmem>> -> memref<152x128xi32, #tpu.memory_space<vmem>>
      %dma_start3A_152 = arith.constant 0 : i32
      %dma_start3A_153 = tpu.memref_slice %arg4[%mul3A_2, %dma_start3A_152] : memref<2500x128xi32, #tpu.memory_space<hbm>> -> memref<152x128xi32, #tpu.memory_space<hbm>>
      %dma_start3A_154 = arith.constant 0 : i32
      %dma_start3A_155 = arith.constant 0 : i32
      %dma_start3A_156 = tpu.memref_slice %arg7[%dma_start3A_154, %dma_start3A_155] : memref<160x128xi32, #tpu.memory_space<vmem>> -> memref<152x128xi32, #tpu.memory_space<vmem>>
      %dma_start3A_157 = arith.constant 0 : i32
      %dma_start3A_158 = tpu.memref_slice %arg4[%mul3A_2, %dma_start3A_157] : memref<2500x128xi32, #tpu.memory_space<hbm>> -> memref<152x128xi32, #tpu.memory_space<hbm>>
      tpu.enqueue_dma source(%dma_start3A_158 : memref<152x128xi32, #tpu.memory_space<hbm>>) target(%dma_start3A_156 : memref<152x128xi32, #tpu.memory_space<vmem>>) target_semaphore(%run_scoped3A : memref<!tpu.dma_semaphore, #tpu.memory_space<semaphore_mem>>)
      %dma_wait3A_159 = arith.constant 0 : i32
      %dma_wait3A_160 = arith.constant 0 : i32
      %dma_wait3A_161 = tpu.memref_slice %arg7[%dma_wait3A_159, %dma_wait3A_160] : memref<160x128xi32, #tpu.memory_space<vmem>> -> memref<152x128xi32, #tpu.memory_space<vmem>>
      %dma_wait3A_162 = arith.constant 0 : i32
      %dma_wait3A_163 = tpu.memref_slice %arg4[%mul3A_2, %dma_wait3A_162] : memref<2500x128xi32, #tpu.memory_space<hbm>> -> memref<152x128xi32, #tpu.memory_space<hbm>>
      %dma_wait3A_164 = arith.constant 0 : i32
      %dma_wait3A_165 = arith.constant 0 : i32
      %dma_wait3A_166 = tpu.memref_slice %arg7[%dma_wait3A_164, %dma_wait3A_165] : memref<160x128xi32, #tpu.memory_space<vmem>> -> memref<152x128xi32, #tpu.memory_space<vmem>>
      %dma_wait3A_167 = arith.constant 0 : i32
      %dma_wait3A_168 = tpu.memref_slice %arg4[%mul3A_2, %dma_wait3A_167] : memref<2500x128xi32, #tpu.memory_space<hbm>> -> memref<152x128xi32, #tpu.memory_space<hbm>>
      tpu.wait_dma2 semaphore(%run_scoped3A : memref<!tpu.dma_semaphore, #tpu.memory_space<semaphore_mem>>) src(%dma_wait3A_168 : memref<152x128xi32, #tpu.memory_space<hbm>>) dst(%dma_wait3A_166 : memref<152x128xi32, #tpu.memory_space<vmem>>)
      tpu.yield
    }) : () -> ()
    %lt3A = arith.constant 8 : i32
    %lt3A_3 = arith.cmpi slt, %arg1, %lt3A : i32
    %jit3A = arith.constant 8 : i32
    %jit3A_4 = arith.constant 0 : i32
    %select_n3A = arith.select %lt3A_3, %jit3A, %jit3A_4 : i32
    %add3A = arith.constant 152 : i32
    %add3A_5 = arith.addi %add3A, %select_n3A : i32
    %eq3A = arith.constant 8 : i32
    %eq3A_6 = arith.cmpi eq, %arg1, %eq3A : i32
    %jit3A_7 = arith.constant 4 : i32
    %jit3A_8 = arith.constant 0 : i32
    %select_n3A_9 = arith.select %eq3A_6, %jit3A_7, %jit3A_8 : i32
    %add3A_10 = arith.addi %add3A_5, %select_n3A_9 : i32
    %lt3A_11 = arith.constant 8 : i32
    %lt3A_12 = arith.cmpi slt, %arg1, %lt3A_11 : i32
    %convert_element_type3A = arith.extui %lt3A_12 : i1 to i32
    %cond3A = arith.constant 0 : i32
    %cond3A_13 = arith.cmpi ne, %convert_element_type3A, %cond3A : i32
    scf.if %cond3A_13 {
      %mul3A_149 = arith.constant 8 : i32
      %mul3A_150 = arith.muli %arg1, %mul3A_149 : i32
      %add3A_151 = arith.constant 2432 : i32
      %add3A_152 = arith.addi %add3A_151, %mul3A_150 : i32
      %multiple_of3A_153 = tpu.assume_multiple %add3A_152, 8 : i32
      "tpu.region"() ({
        %run_scoped3A = tpu.sem_alloc : memref<!tpu.dma_semaphore, #tpu.memory_space<semaphore_mem>>
        %dma_start3A_154 = arith.constant 152 : i32
        %dma_start3A_155 = arith.constant 0 : i32
        %dma_start3A_156 = tpu.memref_slice %arg6[%dma_start3A_154, %dma_start3A_155] : memref<160x128xi32, #tpu.memory_space<vmem>> -> memref<8x128xi32, #tpu.memory_space<vmem>>
        %dma_start3A_157 = arith.constant 0 : i32
        %dma_start3A_158 = tpu.memref_slice %arg3[%multiple_of3A_153, %dma_start3A_157] : memref<2500x128xi32, #tpu.memory_space<hbm>> -> memref<8x128xi32, #tpu.memory_space<hbm>>
        %dma_start3A_159 = arith.constant 152 : i32
        %dma_start3A_160 = arith.constant 0 : i32
        %dma_start3A_161 = tpu.memref_slice %arg6[%dma_start3A_159, %dma_start3A_160] : memref<160x128xi32, #tpu.memory_space<vmem>> -> memref<8x128xi32, #tpu.memory_space<vmem>>
        %dma_start3A_162 = arith.constant 0 : i32
        %dma_start3A_163 = tpu.memref_slice %arg3[%multiple_of3A_153, %dma_start3A_162] : memref<2500x128xi32, #tpu.memory_space<hbm>> -> memref<8x128xi32, #tpu.memory_space<hbm>>
        tpu.enqueue_dma source(%dma_start3A_163 : memref<8x128xi32, #tpu.memory_space<hbm>>) target(%dma_start3A_161 : memref<8x128xi32, #tpu.memory_space<vmem>>) target_semaphore(%run_scoped3A : memref<!tpu.dma_semaphore, #tpu.memory_space<semaphore_mem>>)
        %dma_wait3A_164 = arith.constant 152 : i32
        %dma_wait3A_165 = arith.constant 0 : i32
        %dma_wait3A_166 = tpu.memref_slice %arg6[%dma_wait3A_164, %dma_wait3A_165] : memref<160x128xi32, #tpu.memory_space<vmem>> -> memref<8x128xi32, #tpu.memory_space<vmem>>
        %dma_wait3A_167 = arith.constant 0 : i32
        %dma_wait3A_168 = tpu.memref_slice %arg3[%multiple_of3A_153, %dma_wait3A_167] : memref<2500x128xi32, #tpu.memory_space<hbm>> -> memref<8x128xi32, #tpu.memory_space<hbm>>
        %dma_wait3A_169 = arith.constant 152 : i32
        %dma_wait3A_170 = arith.constant 0 : i32
        %dma_wait3A_171 = tpu.memref_slice %arg6[%dma_wait3A_169, %dma_wait3A_170] : memref<160x128xi32, #tpu.memory_space<vmem>> -> memref<8x128xi32, #tpu.memory_space<vmem>>
        %dma_wait3A_172 = arith.constant 0 : i32
        %dma_wait3A_173 = tpu.memref_slice %arg3[%multiple_of3A_153, %dma_wait3A_172] : memref<2500x128xi32, #tpu.memory_space<hbm>> -> memref<8x128xi32, #tpu.memory_space<hbm>>
        tpu.wait_dma2 semaphore(%run_scoped3A : memref<!tpu.dma_semaphore, #tpu.memory_space<semaphore_mem>>) src(%dma_wait3A_173 : memref<8x128xi32, #tpu.memory_space<hbm>>) dst(%dma_wait3A_171 : memref<8x128xi32, #tpu.memory_space<vmem>>)
        tpu.yield
      }) : () -> ()
      "tpu.region"() ({
        %run_scoped3A = tpu.sem_alloc : memref<!tpu.dma_semaphore, #tpu.memory_space<semaphore_mem>>
        %dma_start3A_154 = arith.constant 152 : i32
        %dma_start3A_155 = arith.constant 0 : i32
        %dma_start3A_156 = tpu.memref_slice %arg7[%dma_start3A_154, %dma_start3A_155] : memref<160x128xi32, #tpu.memory_space<vmem>> -> memref<8x128xi32, #tpu.memory_space<vmem>>
        %dma_start3A_157 = arith.constant 0 : i32
        %dma_start3A_158 = tpu.memref_slice %arg4[%multiple_of3A_153, %dma_start3A_157] : memref<2500x128xi32, #tpu.memory_space<hbm>> -> memref<8x128xi32, #tpu.memory_space<hbm>>
        %dma_start3A_159 = arith.constant 152 : i32
        %dma_start3A_160 = arith.constant 0 : i32
        %dma_start3A_161 = tpu.memref_slice %arg7[%dma_start3A_159, %dma_start3A_160] : memref<160x128xi32, #tpu.memory_space<vmem>> -> memref<8x128xi32, #tpu.memory_space<vmem>>
        %dma_start3A_162 = arith.constant 0 : i32
        %dma_start3A_163 = tpu.memref_slice %arg4[%multiple_of3A_153, %dma_start3A_162] : memref<2500x128xi32, #tpu.memory_space<hbm>> -> memref<8x128xi32, #tpu.memory_space<hbm>>
        tpu.enqueue_dma source(%dma_start3A_163 : memref<8x128xi32, #tpu.memory_space<hbm>>) target(%dma_start3A_161 : memref<8x128xi32, #tpu.memory_space<vmem>>) target_semaphore(%run_scoped3A : memref<!tpu.dma_semaphore, #tpu.memory_space<semaphore_mem>>)
        %dma_wait3A_164 = arith.constant 152 : i32
        %dma_wait3A_165 = arith.constant 0 : i32
        %dma_wait3A_166 = tpu.memref_slice %arg7[%dma_wait3A_164, %dma_wait3A_165] : memref<160x128xi32, #tpu.memory_space<vmem>> -> memref<8x128xi32, #tpu.memory_space<vmem>>
        %dma_wait3A_167 = arith.constant 0 : i32
        %dma_wait3A_168 = tpu.memref_slice %arg4[%multiple_of3A_153, %dma_wait3A_167] : memref<2500x128xi32, #tpu.memory_space<hbm>> -> memref<8x128xi32, #tpu.memory_space<hbm>>
        %dma_wait3A_169 = arith.constant 152 : i32
        %dma_wait3A_170 = arith.constant 0 : i32
        %dma_wait3A_171 = tpu.memref_slice %arg7[%dma_wait3A_169, %dma_wait3A_170] : memref<160x128xi32, #tpu.memory_space<vmem>> -> memref<8x128xi32, #tpu.memory_space<vmem>>
        %dma_wait3A_172 = arith.constant 0 : i32
        %dma_wait3A_173 = tpu.memref_slice %arg4[%multiple_of3A_153, %dma_wait3A_172] : memref<2500x128xi32, #tpu.memory_space<hbm>> -> memref<8x128xi32, #tpu.memory_space<hbm>>
        tpu.wait_dma2 semaphore(%run_scoped3A : memref<!tpu.dma_semaphore, #tpu.memory_space<semaphore_mem>>) src(%dma_wait3A_173 : memref<8x128xi32, #tpu.memory_space<hbm>>) dst(%dma_wait3A_171 : memref<8x128xi32, #tpu.memory_space<vmem>>)
        tpu.yield
      }) : () -> ()
    } else {
    }
    %eq3A_14 = arith.constant 8 : i32
    %eq3A_15 = arith.cmpi eq, %arg1, %eq3A_14 : i32
    %convert_element_type3A_16 = arith.extui %eq3A_15 : i1 to i32
    %cond3A_17 = arith.constant 0 : i32
    %cond3A_18 = arith.cmpi ne, %convert_element_type3A_16, %cond3A_17 : i32
    scf.if %cond3A_18 {
      "tpu.region"() ({
        %run_scoped3A = tpu.sem_alloc : memref<!tpu.dma_semaphore, #tpu.memory_space<semaphore_mem>>
        %dma_start3A_149 = arith.constant 152 : i32
        %dma_start3A_150 = arith.constant 0 : i32
        %dma_start3A_151 = tpu.memref_slice %arg6[%dma_start3A_149, %dma_start3A_150] : memref<160x128xi32, #tpu.memory_space<vmem>> -> memref<4x128xi32, #tpu.memory_space<vmem>>
        %dma_start3A_152 = arith.constant 2496 : i32
        %dma_start3A_153 = arith.constant 0 : i32
        %dma_start3A_154 = tpu.memref_slice %arg3[%dma_start3A_152, %dma_start3A_153] : memref<2500x128xi32, #tpu.memory_space<hbm>> -> memref<4x128xi32, #tpu.memory_space<hbm>>
        %dma_start3A_155 = arith.constant 152 : i32
        %dma_start3A_156 = arith.constant 0 : i32
        %dma_start3A_157 = tpu.memref_slice %arg6[%dma_start3A_155, %dma_start3A_156] : memref<160x128xi32, #tpu.memory_space<vmem>> -> memref<4x128xi32, #tpu.memory_space<vmem>>
        %dma_start3A_158 = arith.constant 2496 : i32
        %dma_start3A_159 = arith.constant 0 : i32
        %dma_start3A_160 = tpu.memref_slice %arg3[%dma_start3A_158, %dma_start3A_159] : memref<2500x128xi32, #tpu.memory_space<hbm>> -> memref<4x128xi32, #tpu.memory_space<hbm>>
        tpu.enqueue_dma source(%dma_start3A_160 : memref<4x128xi32, #tpu.memory_space<hbm>>) target(%dma_start3A_157 : memref<4x128xi32, #tpu.memory_space<vmem>>) target_semaphore(%run_scoped3A : memref<!tpu.dma_semaphore, #tpu.memory_space<semaphore_mem>>)
        %dma_wait3A_161 = arith.constant 152 : i32
        %dma_wait3A_162 = arith.constant 0 : i32
        %dma_wait3A_163 = tpu.memref_slice %arg6[%dma_wait3A_161, %dma_wait3A_162] : memref<160x128xi32, #tpu.memory_space<vmem>> -> memref<4x128xi32, #tpu.memory_space<vmem>>
        %dma_wait3A_164 = arith.constant 2496 : i32
        %dma_wait3A_165 = arith.constant 0 : i32
        %dma_wait3A_166 = tpu.memref_slice %arg3[%dma_wait3A_164, %dma_wait3A_165] : memref<2500x128xi32, #tpu.memory_space<hbm>> -> memref<4x128xi32, #tpu.memory_space<hbm>>
        %dma_wait3A_167 = arith.constant 152 : i32
        %dma_wait3A_168 = arith.constant 0 : i32
        %dma_wait3A_169 = tpu.memref_slice %arg6[%dma_wait3A_167, %dma_wait3A_168] : memref<160x128xi32, #tpu.memory_space<vmem>> -> memref<4x128xi32, #tpu.memory_space<vmem>>
        %dma_wait3A_170 = arith.constant 2496 : i32
        %dma_wait3A_171 = arith.constant 0 : i32
        %dma_wait3A_172 = tpu.memref_slice %arg3[%dma_wait3A_170, %dma_wait3A_171] : memref<2500x128xi32, #tpu.memory_space<hbm>> -> memref<4x128xi32, #tpu.memory_space<hbm>>
        tpu.wait_dma2 semaphore(%run_scoped3A : memref<!tpu.dma_semaphore, #tpu.memory_space<semaphore_mem>>) src(%dma_wait3A_172 : memref<4x128xi32, #tpu.memory_space<hbm>>) dst(%dma_wait3A_169 : memref<4x128xi32, #tpu.memory_space<vmem>>)
        tpu.yield
      }) : () -> ()
      "tpu.region"() ({
        %run_scoped3A = tpu.sem_alloc : memref<!tpu.dma_semaphore, #tpu.memory_space<semaphore_mem>>
        %dma_start3A_149 = arith.constant 152 : i32
        %dma_start3A_150 = arith.constant 0 : i32
        %dma_start3A_151 = tpu.memref_slice %arg7[%dma_start3A_149, %dma_start3A_150] : memref<160x128xi32, #tpu.memory_space<vmem>> -> memref<4x128xi32, #tpu.memory_space<vmem>>
        %dma_start3A_152 = arith.constant 2496 : i32
        %dma_start3A_153 = arith.constant 0 : i32
        %dma_start3A_154 = tpu.memref_slice %arg4[%dma_start3A_152, %dma_start3A_153] : memref<2500x128xi32, #tpu.memory_space<hbm>> -> memref<4x128xi32, #tpu.memory_space<hbm>>
        %dma_start3A_155 = arith.constant 152 : i32
        %dma_start3A_156 = arith.constant 0 : i32
        %dma_start3A_157 = tpu.memref_slice %arg7[%dma_start3A_155, %dma_start3A_156] : memref<160x128xi32, #tpu.memory_space<vmem>> -> memref<4x128xi32, #tpu.memory_space<vmem>>
        %dma_start3A_158 = arith.constant 2496 : i32
        %dma_start3A_159 = arith.constant 0 : i32
        %dma_start3A_160 = tpu.memref_slice %arg4[%dma_start3A_158, %dma_start3A_159] : memref<2500x128xi32, #tpu.memory_space<hbm>> -> memref<4x128xi32, #tpu.memory_space<hbm>>
        tpu.enqueue_dma source(%dma_start3A_160 : memref<4x128xi32, #tpu.memory_space<hbm>>) target(%dma_start3A_157 : memref<4x128xi32, #tpu.memory_space<vmem>>) target_semaphore(%run_scoped3A : memref<!tpu.dma_semaphore, #tpu.memory_space<semaphore_mem>>)
        %dma_wait3A_161 = arith.constant 152 : i32
        %dma_wait3A_162 = arith.constant 0 : i32
        %dma_wait3A_163 = tpu.memref_slice %arg7[%dma_wait3A_161, %dma_wait3A_162] : memref<160x128xi32, #tpu.memory_space<vmem>> -> memref<4x128xi32, #tpu.memory_space<vmem>>
        %dma_wait3A_164 = arith.constant 2496 : i32
        %dma_wait3A_165 = arith.constant 0 : i32
        %dma_wait3A_166 = tpu.memref_slice %arg4[%dma_wait3A_164, %dma_wait3A_165] : memref<2500x128xi32, #tpu.memory_space<hbm>> -> memref<4x128xi32, #tpu.memory_space<hbm>>
        %dma_wait3A_167 = arith.constant 152 : i32
        %dma_wait3A_168 = arith.constant 0 : i32
        %dma_wait3A_169 = tpu.memref_slice %arg7[%dma_wait3A_167, %dma_wait3A_168] : memref<160x128xi32, #tpu.memory_space<vmem>> -> memref<4x128xi32, #tpu.memory_space<vmem>>
        %dma_wait3A_170 = arith.constant 2496 : i32
        %dma_wait3A_171 = arith.constant 0 : i32
        %dma_wait3A_172 = tpu.memref_slice %arg4[%dma_wait3A_170, %dma_wait3A_171] : memref<2500x128xi32, #tpu.memory_space<hbm>> -> memref<4x128xi32, #tpu.memory_space<hbm>>
        tpu.wait_dma2 semaphore(%run_scoped3A : memref<!tpu.dma_semaphore, #tpu.memory_space<semaphore_mem>>) src(%dma_wait3A_172 : memref<4x128xi32, #tpu.memory_space<hbm>>) dst(%dma_wait3A_169 : memref<4x128xi32, #tpu.memory_space<vmem>>)
        tpu.yield
      }) : () -> ()
    } else {
    }
    %mul3A_19 = arith.constant 625 : i32
    %mul3A_20 = arith.muli %arg1, %mul3A_19 : i32
    %rem3A = arith.constant 8 : i32
    %rem3A_21 = arith.remsi %arg1, %rem3A : i32
    %sub3A = arith.subi %mul3A_20, %rem3A_21 : i32
    %multiple_of3A = tpu.assume_multiple %sub3A, 8 : i32
    "tpu.region"() ({
      %run_scoped3A = tpu.sem_alloc : memref<!tpu.dma_semaphore, #tpu.memory_space<semaphore_mem>>
      %dma_start3A_149 = arith.constant 0 : i32
      %dma_start3A_150 = tpu.memref_slice %arg12[%multiple_of3A, %dma_start3A_149] : memref<10000x64xf32, #tpu.memory_space<vmem_shared>> -> memref<632x64xf32, #tpu.memory_space<vmem_shared>>
      %dma_start3A_151 = arith.constant 0 : i32
      %dma_start3A_152 = tpu.memref_slice %arg2[%arg0, %multiple_of3A, %dma_start3A_151] : memref<2x10000x64xf32, #tpu.memory_space<hbm>> -> memref<1x632x64xf32, #tpu.memory_space<hbm>>
      %dma_start3A_153 = tpu.memref_squeeze %dma_start3A_152 : memref<1x632x64xf32, #tpu.memory_space<hbm>> -> memref<632x64xf32, #tpu.memory_space<hbm>>
      tpu.enqueue_dma source(%dma_start3A_153 : memref<632x64xf32, #tpu.memory_space<hbm>>) target(%dma_start3A_150 : memref<632x64xf32, #tpu.memory_space<vmem_shared>>) target_semaphore(%run_scoped3A : memref<!tpu.dma_semaphore, #tpu.memory_space<semaphore_mem>>)
      %dma_wait3A_154 = arith.constant 0 : i32
      %dma_wait3A_155 = tpu.memref_slice %arg12[%multiple_of3A, %dma_wait3A_154] : memref<10000x64xf32, #tpu.memory_space<vmem_shared>> -> memref<632x64xf32, #tpu.memory_space<vmem_shared>>
      %dma_wait3A_156 = arith.constant 0 : i32
      %dma_wait3A_157 = tpu.memref_slice %arg2[%arg0, %multiple_of3A, %dma_wait3A_156] : memref<2x10000x64xf32, #tpu.memory_space<hbm>> -> memref<1x632x64xf32, #tpu.memory_space<hbm>>
      %dma_wait3A_158 = tpu.memref_squeeze %dma_wait3A_157 : memref<1x632x64xf32, #tpu.memory_space<hbm>> -> memref<632x64xf32, #tpu.memory_space<hbm>>
      tpu.wait_dma2 semaphore(%run_scoped3A : memref<!tpu.dma_semaphore, #tpu.memory_space<semaphore_mem>>) src(%dma_wait3A_158 : memref<632x64xf32, #tpu.memory_space<hbm>>) dst(%dma_wait3A_155 : memref<632x64xf32, #tpu.memory_space<vmem_shared>>)
      tpu.yield
    }) : () -> ()
    %barrier3A = arith.constant 0 : index
    tpu.barrier barrier_id(%barrier3A)
    %dma_start3A = arith.constant 0 : i32
    %dma_start3A_22 = arith.constant 0 : i32
    %dma_start3A_23 = tpu.memref_slice %arg6[%dma_start3A, %dma_start3A_22] : memref<160x128xi32, #tpu.memory_space<vmem>> -> memref<1x128xi32, #tpu.memory_space<vmem>>
    %dma_start3A_24 = tpu.memref_squeeze %dma_start3A_23 : memref<1x128xi32, #tpu.memory_space<vmem>> -> memref<128xi32, #tpu.memory_space<vmem>>
    %dma_start3A_25 = arith.constant 0 : i32
    %dma_start3A_26 = arith.constant 0 : i32
    %dma_start3A_27 = tpu.memref_slice %arg2[%arg0, %dma_start3A_25, %dma_start3A_26] : memref<2x10000x64xf32, #tpu.memory_space<hbm>> -> memref<1x10000x64xf32, #tpu.memory_space<hbm>>
    %dma_start3A_28 = tpu.memref_squeeze %dma_start3A_27 : memref<1x10000x64xf32, #tpu.memory_space<hbm>> -> memref<10000x64xf32, #tpu.memory_space<hbm>>
    %dma_start3A_29 = arith.constant 0 : i32
    %dma_start3A_30 = arith.constant 0 : i32
    %dma_start3A_31 = tpu.memref_slice %dma_start3A_28[%dma_start3A_29, %dma_start3A_30] : memref<10000x64xf32, #tpu.memory_space<hbm>> -> memref<10000x64xf32, #tpu.memory_space<hbm>>
    tpu.enqueue_indirect_dma source(%dma_start3A_31 : memref<10000x64xf32, #tpu.memory_space<hbm>>) target(%arg8 : memref<128x64xf32, #tpu.memory_space<vmem>>) offsets(%dma_start3A_24 : memref<128xi32, #tpu.memory_space<vmem>>) semaphore(%arg13 : memref<!tpu.dma_semaphore, #tpu.memory_space<semaphore_mem>>)
    %dma_start3A_32 = arith.constant 1 : i32
    %dma_start3A_33 = arith.constant 0 : i32
    %dma_start3A_34 = tpu.memref_slice %arg6[%dma_start3A_32, %dma_start3A_33] : memref<160x128xi32, #tpu.memory_space<vmem>> -> memref<1x128xi32, #tpu.memory_space<vmem>>
    %dma_start3A_35 = tpu.memref_squeeze %dma_start3A_34 : memref<1x128xi32, #tpu.memory_space<vmem>> -> memref<128xi32, #tpu.memory_space<vmem>>
    %dma_start3A_36 = arith.constant 0 : i32
    %dma_start3A_37 = arith.constant 0 : i32
    %dma_start3A_38 = tpu.memref_slice %arg2[%arg0, %dma_start3A_36, %dma_start3A_37] : memref<2x10000x64xf32, #tpu.memory_space<hbm>> -> memref<1x10000x64xf32, #tpu.memory_space<hbm>>
    %dma_start3A_39 = tpu.memref_squeeze %dma_start3A_38 : memref<1x10000x64xf32, #tpu.memory_space<hbm>> -> memref<10000x64xf32, #tpu.memory_space<hbm>>
    %dma_start3A_40 = arith.constant 0 : i32
    %dma_start3A_41 = arith.constant 0 : i32
    %dma_start3A_42 = tpu.memref_slice %dma_start3A_39[%dma_start3A_40, %dma_start3A_41] : memref<10000x64xf32, #tpu.memory_space<hbm>> -> memref<10000x64xf32, #tpu.memory_space<hbm>>
    tpu.enqueue_indirect_dma source(%dma_start3A_42 : memref<10000x64xf32, #tpu.memory_space<hbm>>) target(%arg9 : memref<128x64xf32, #tpu.memory_space<vmem>>) offsets(%dma_start3A_35 : memref<128xi32, #tpu.memory_space<vmem>>) semaphore(%arg14 : memref<!tpu.dma_semaphore, #tpu.memory_space<semaphore_mem>>)
    %dma_start3A_43 = arith.constant 2 : i32
    %dma_start3A_44 = arith.constant 0 : i32
    %dma_start3A_45 = tpu.memref_slice %arg6[%dma_start3A_43, %dma_start3A_44] : memref<160x128xi32, #tpu.memory_space<vmem>> -> memref<1x128xi32, #tpu.memory_space<vmem>>
    %dma_start3A_46 = tpu.memref_squeeze %dma_start3A_45 : memref<1x128xi32, #tpu.memory_space<vmem>> -> memref<128xi32, #tpu.memory_space<vmem>>
    %dma_start3A_47 = arith.constant 0 : i32
    %dma_start3A_48 = arith.constant 0 : i32
    %dma_start3A_49 = tpu.memref_slice %arg2[%arg0, %dma_start3A_47, %dma_start3A_48] : memref<2x10000x64xf32, #tpu.memory_space<hbm>> -> memref<1x10000x64xf32, #tpu.memory_space<hbm>>
    %dma_start3A_50 = tpu.memref_squeeze %dma_start3A_49 : memref<1x10000x64xf32, #tpu.memory_space<hbm>> -> memref<10000x64xf32, #tpu.memory_space<hbm>>
    %dma_start3A_51 = arith.constant 0 : i32
    %dma_start3A_52 = arith.constant 0 : i32
    %dma_start3A_53 = tpu.memref_slice %dma_start3A_50[%dma_start3A_51, %dma_start3A_52] : memref<10000x64xf32, #tpu.memory_space<hbm>> -> memref<10000x64xf32, #tpu.memory_space<hbm>>
    tpu.enqueue_indirect_dma source(%dma_start3A_53 : memref<10000x64xf32, #tpu.memory_space<hbm>>) target(%arg10 : memref<128x64xf32, #tpu.memory_space<vmem>>) offsets(%dma_start3A_46 : memref<128xi32, #tpu.memory_space<vmem>>) semaphore(%arg15 : memref<!tpu.dma_semaphore, #tpu.memory_space<semaphore_mem>>)
    %dma_start3A_54 = arith.constant 3 : i32
    %dma_start3A_55 = arith.constant 0 : i32
    %dma_start3A_56 = tpu.memref_slice %arg6[%dma_start3A_54, %dma_start3A_55] : memref<160x128xi32, #tpu.memory_space<vmem>> -> memref<1x128xi32, #tpu.memory_space<vmem>>
    %dma_start3A_57 = tpu.memref_squeeze %dma_start3A_56 : memref<1x128xi32, #tpu.memory_space<vmem>> -> memref<128xi32, #tpu.memory_space<vmem>>
    %dma_start3A_58 = arith.constant 0 : i32
    %dma_start3A_59 = arith.constant 0 : i32
    %dma_start3A_60 = tpu.memref_slice %arg2[%arg0, %dma_start3A_58, %dma_start3A_59] : memref<2x10000x64xf32, #tpu.memory_space<hbm>> -> memref<1x10000x64xf32, #tpu.memory_space<hbm>>
    %dma_start3A_61 = tpu.memref_squeeze %dma_start3A_60 : memref<1x10000x64xf32, #tpu.memory_space<hbm>> -> memref<10000x64xf32, #tpu.memory_space<hbm>>
    %dma_start3A_62 = arith.constant 0 : i32
    %dma_start3A_63 = arith.constant 0 : i32
    %dma_start3A_64 = tpu.memref_slice %dma_start3A_61[%dma_start3A_62, %dma_start3A_63] : memref<10000x64xf32, #tpu.memory_space<hbm>> -> memref<10000x64xf32, #tpu.memory_space<hbm>>
    tpu.enqueue_indirect_dma source(%dma_start3A_64 : memref<10000x64xf32, #tpu.memory_space<hbm>>) target(%arg11 : memref<128x64xf32, #tpu.memory_space<vmem>>) offsets(%dma_start3A_57 : memref<128xi32, #tpu.memory_space<vmem>>) semaphore(%arg16 : memref<!tpu.dma_semaphore, #tpu.memory_space<semaphore_mem>>)
    %jit3A_65 = arith.constant 4 : i32
    %div3A = arith.divsi %add3A_10, %jit3A_65 : i32
    %sign3A = arith.constant 0 : i32
    %sign3A_66 = arith.cmpi sgt, %add3A_10, %sign3A : i32
    %sign3A_67 = arith.extui %sign3A_66 : i1 to i32
    %sign3A_68 = arith.constant 0 : i32
    %sign3A_69 = arith.cmpi slt, %add3A_10, %sign3A_68 : i32
    %sign3A_70 = arith.extui %sign3A_69 : i1 to i32
    %sign3A_71 = arith.subi %sign3A_67, %sign3A_70 : i32
    %sign3A_72 = arith.constant 0 : i32
    %sign3A_73 = arith.cmpi sgt, %jit3A_65, %sign3A_72 : i32
    %sign3A_74 = arith.extui %sign3A_73 : i1 to i32
    %sign3A_75 = arith.constant 0 : i32
    %sign3A_76 = arith.cmpi slt, %jit3A_65, %sign3A_75 : i32
    %sign3A_77 = arith.extui %sign3A_76 : i1 to i32
    %sign3A_78 = arith.subi %sign3A_74, %sign3A_77 : i32
    %ne3A = arith.cmpi ne, %sign3A_71, %sign3A_78 : i32
    %rem3A_79 = arith.remsi %add3A_10, %jit3A_65 : i32
    %ne3A_80 = arith.constant 0 : i32
    %ne3A_81 = arith.cmpi ne, %rem3A_79, %ne3A_80 : i32
    %and3A = arith.andi %ne3A, %ne3A_81 : i1
    %sub3A_82 = arith.constant 1 : i32
    %sub3A_83 = arith.subi %div3A, %sub3A_82 : i32
    %select_n3A_84 = arith.select %and3A, %sub3A_83, %div3A : i32
    %sub3A_85 = arith.constant 0 : i32
    %sub3A_86 = arith.subi %select_n3A_84, %sub3A_85 : i32
    %sub3A_87 = arith.constant 1 : i32
    %sub3A_88 = arith.constant 1 : i32
    %sub3A_89 = arith.subi %sub3A_87, %sub3A_88 : i32
    %add3A_90 = arith.addi %sub3A_86, %sub3A_89 : i32
    %div3A_91 = arith.constant 1 : i32
    %div3A_92 = arith.divsi %add3A_90, %div3A_91 : i32
    %while3A = arith.constant 1 : i32
    %while3A_93 = arith.constant 0 : i32
    %while3A_94 = arith.constant 0 : i32
    %while3A_95 = arith.subi %div3A_92, %while3A_94 : i32
    %while3A_96 = arith.addi %while3A_94, %while3A_95 : i32
    %while3A_97 = arith.constant 1 : i32
    %while3A_98 = arith.divsi %while3A_95, %while3A_97 : i32
    %while3A_99 = arith.muli %while3A_98, %while3A_97 : i32
    %while3A_100 = arith.addi %while3A_94, %while3A_99 : i32
    %while3A_101 = arith.constant 1 : i32
    scf.for %while3A_149 = %while3A_94 to %while3A_100 step %while3A_101  : i32 {
      %mul3A_150 = arith.muli %while3A_149, %while3A : i32
      %add3A_151 = arith.addi %while3A_93, %mul3A_150 : i32
      %mul3A_152 = arith.constant 4 : i32
      %mul3A_153 = arith.muli %add3A_151, %mul3A_152 : i32
      %add3A_154 = arith.constant 0 : i32
      %add3A_155 = arith.addi %mul3A_153, %add3A_154 : i32
      %dma_wait3A_156 = arith.constant 0 : i32
      %dma_wait3A_157 = tpu.memref_slice %arg6[%add3A_155, %dma_wait3A_156] : memref<160x128xi32, #tpu.memory_space<vmem>> -> memref<1x128xi32, #tpu.memory_space<vmem>>
      %dma_wait3A_158 = tpu.memref_squeeze %dma_wait3A_157 : memref<1x128xi32, #tpu.memory_space<vmem>> -> memref<128xi32, #tpu.memory_space<vmem>>
      %dma_wait3A_159 = arith.constant 0 : i32
      %dma_wait3A_160 = arith.constant 0 : i32
      %dma_wait3A_161 = tpu.memref_slice %arg2[%arg0, %dma_wait3A_159, %dma_wait3A_160] : memref<2x10000x64xf32, #tpu.memory_space<hbm>> -> memref<1x10000x64xf32, #tpu.memory_space<hbm>>
      %dma_wait3A_162 = tpu.memref_squeeze %dma_wait3A_161 : memref<1x10000x64xf32, #tpu.memory_space<hbm>> -> memref<10000x64xf32, #tpu.memory_space<hbm>>
      %dma_wait3A_163 = arith.constant 0 : i32
      %dma_wait3A_164 = arith.constant 0 : i32
      %dma_wait3A_165 = tpu.memref_slice %dma_wait3A_162[%dma_wait3A_163, %dma_wait3A_164] : memref<10000x64xf32, #tpu.memory_space<hbm>> -> memref<10000x64xf32, #tpu.memory_space<hbm>>
      tpu.wait_indirect_dma semaphore(%arg13 : memref<!tpu.dma_semaphore, #tpu.memory_space<semaphore_mem>>) src(%dma_wait3A_165 : memref<10000x64xf32, #tpu.memory_space<hbm>>) dst(%arg8 : memref<128x64xf32, #tpu.memory_space<vmem>>)
      "tpu.region"() ({
        %run_scoped3A = tpu.sem_alloc : memref<!tpu.dma_semaphore, #tpu.memory_space<semaphore_mem>>
        %dma_start3A_262 = arith.constant 0 : i32
        %dma_start3A_263 = tpu.memref_slice %arg7[%add3A_155, %dma_start3A_262] : memref<160x128xi32, #tpu.memory_space<vmem>> -> memref<1x128xi32, #tpu.memory_space<vmem>>
        %dma_start3A_264 = tpu.memref_squeeze %dma_start3A_263 : memref<1x128xi32, #tpu.memory_space<vmem>> -> memref<128xi32, #tpu.memory_space<vmem>>
        %dma_start3A_265 = arith.constant 0 : i32
        %dma_start3A_266 = arith.constant 0 : i32
        %dma_start3A_267 = tpu.memref_slice %arg12[%dma_start3A_265, %dma_start3A_266] : memref<10000x64xf32, #tpu.memory_space<vmem_shared>> -> memref<10000x64xf32, #tpu.memory_space<vmem_shared>>
        tpu.enqueue_indirect_dma source(%arg8 : memref<128x64xf32, #tpu.memory_space<vmem>>) target(%dma_start3A_267 : memref<10000x64xf32, #tpu.memory_space<vmem_shared>>) offsets(%dma_start3A_264 : memref<128xi32, #tpu.memory_space<vmem>>) semaphore(%run_scoped3A : memref<!tpu.dma_semaphore, #tpu.memory_space<semaphore_mem>>) {add = true}
        %dma_wait3A_268 = arith.constant 0 : i32
        %dma_wait3A_269 = tpu.memref_slice %arg7[%add3A_155, %dma_wait3A_268] : memref<160x128xi32, #tpu.memory_space<vmem>> -> memref<1x128xi32, #tpu.memory_space<vmem>>
        %dma_wait3A_270 = tpu.memref_squeeze %dma_wait3A_269 : memref<1x128xi32, #tpu.memory_space<vmem>> -> memref<128xi32, #tpu.memory_space<vmem>>
        %dma_wait3A_271 = arith.constant 0 : i32
        %dma_wait3A_272 = arith.constant 0 : i32
        %dma_wait3A_273 = tpu.memref_slice %arg12[%dma_wait3A_271, %dma_wait3A_272] : memref<10000x64xf32, #tpu.memory_space<vmem_shared>> -> memref<10000x64xf32, #tpu.memory_space<vmem_shared>>
        tpu.wait_indirect_dma semaphore(%run_scoped3A : memref<!tpu.dma_semaphore, #tpu.memory_space<semaphore_mem>>) src(%arg8 : memref<128x64xf32, #tpu.memory_space<vmem>>) dst(%dma_wait3A_273 : memref<10000x64xf32, #tpu.memory_space<vmem_shared>>)
        tpu.yield
      }) : () -> ()
      %add3A_166 = arith.constant 4 : i32
      %add3A_167 = arith.addi %add3A_155, %add3A_166 : i32
      %lt3A_168 = arith.cmpi slt, %add3A_167, %add3A_10 : i32
      %jit3A_169 = arith.constant 0 : i32
      %select_n3A_170 = arith.select %lt3A_168, %add3A_167, %jit3A_169 : i32
      %dma_start3A_171 = arith.constant 0 : i32
      %dma_start3A_172 = tpu.memref_slice %arg6[%select_n3A_170, %dma_start3A_171] : memref<160x128xi32, #tpu.memory_space<vmem>> -> memref<1x128xi32, #tpu.memory_space<vmem>>
      %dma_start3A_173 = tpu.memref_squeeze %dma_start3A_172 : memref<1x128xi32, #tpu.memory_space<vmem>> -> memref<128xi32, #tpu.memory_space<vmem>>
      %dma_start3A_174 = arith.constant 0 : i32
      %dma_start3A_175 = arith.constant 0 : i32
      %dma_start3A_176 = tpu.memref_slice %arg2[%arg0, %dma_start3A_174, %dma_start3A_175] : memref<2x10000x64xf32, #tpu.memory_space<hbm>> -> memref<1x10000x64xf32, #tpu.memory_space<hbm>>
      %dma_start3A_177 = tpu.memref_squeeze %dma_start3A_176 : memref<1x10000x64xf32, #tpu.memory_space<hbm>> -> memref<10000x64xf32, #tpu.memory_space<hbm>>
      %dma_start3A_178 = arith.constant 0 : i32
      %dma_start3A_179 = arith.constant 0 : i32
      %dma_start3A_180 = tpu.memref_slice %dma_start3A_177[%dma_start3A_178, %dma_start3A_179] : memref<10000x64xf32, #tpu.memory_space<hbm>> -> memref<10000x64xf32, #tpu.memory_space<hbm>>
      tpu.enqueue_indirect_dma source(%dma_start3A_180 : memref<10000x64xf32, #tpu.memory_space<hbm>>) target(%arg8 : memref<128x64xf32, #tpu.memory_space<vmem>>) offsets(%dma_start3A_173 : memref<128xi32, #tpu.memory_space<vmem>>) semaphore(%arg13 : memref<!tpu.dma_semaphore, #tpu.memory_space<semaphore_mem>>)
      %add3A_181 = arith.constant 1 : i32
      %add3A_182 = arith.addi %mul3A_153, %add3A_181 : i32
      %dma_wait3A_183 = arith.constant 0 : i32
      %dma_wait3A_184 = tpu.memref_slice %arg6[%add3A_182, %dma_wait3A_183] : memref<160x128xi32, #tpu.memory_space<vmem>> -> memref<1x128xi32, #tpu.memory_space<vmem>>
      %dma_wait3A_185 = tpu.memref_squeeze %dma_wait3A_184 : memref<1x128xi32, #tpu.memory_space<vmem>> -> memref<128xi32, #tpu.memory_space<vmem>>
      %dma_wait3A_186 = arith.constant 0 : i32
      %dma_wait3A_187 = arith.constant 0 : i32
      %dma_wait3A_188 = tpu.memref_slice %arg2[%arg0, %dma_wait3A_186, %dma_wait3A_187] : memref<2x10000x64xf32, #tpu.memory_space<hbm>> -> memref<1x10000x64xf32, #tpu.memory_space<hbm>>
      %dma_wait3A_189 = tpu.memref_squeeze %dma_wait3A_188 : memref<1x10000x64xf32, #tpu.memory_space<hbm>> -> memref<10000x64xf32, #tpu.memory_space<hbm>>
      %dma_wait3A_190 = arith.constant 0 : i32
      %dma_wait3A_191 = arith.constant 0 : i32
      %dma_wait3A_192 = tpu.memref_slice %dma_wait3A_189[%dma_wait3A_190, %dma_wait3A_191] : memref<10000x64xf32, #tpu.memory_space<hbm>> -> memref<10000x64xf32, #tpu.memory_space<hbm>>
      tpu.wait_indirect_dma semaphore(%arg14 : memref<!tpu.dma_semaphore, #tpu.memory_space<semaphore_mem>>) src(%dma_wait3A_192 : memref<10000x64xf32, #tpu.memory_space<hbm>>) dst(%arg9 : memref<128x64xf32, #tpu.memory_space<vmem>>)
      "tpu.region"() ({
        %run_scoped3A = tpu.sem_alloc : memref<!tpu.dma_semaphore, #tpu.memory_space<semaphore_mem>>
        %dma_start3A_262 = arith.constant 0 : i32
        %dma_start3A_263 = tpu.memref_slice %arg7[%add3A_182, %dma_start3A_262] : memref<160x128xi32, #tpu.memory_space<vmem>> -> memref<1x128xi32, #tpu.memory_space<vmem>>
        %dma_start3A_264 = tpu.memref_squeeze %dma_start3A_263 : memref<1x128xi32, #tpu.memory_space<vmem>> -> memref<128xi32, #tpu.memory_space<vmem>>
        %dma_start3A_265 = arith.constant 0 : i32
        %dma_start3A_266 = arith.constant 0 : i32
        %dma_start3A_267 = tpu.memref_slice %arg12[%dma_start3A_265, %dma_start3A_266] : memref<10000x64xf32, #tpu.memory_space<vmem_shared>> -> memref<10000x64xf32, #tpu.memory_space<vmem_shared>>
        tpu.enqueue_indirect_dma source(%arg9 : memref<128x64xf32, #tpu.memory_space<vmem>>) target(%dma_start3A_267 : memref<10000x64xf32, #tpu.memory_space<vmem_shared>>) offsets(%dma_start3A_264 : memref<128xi32, #tpu.memory_space<vmem>>) semaphore(%run_scoped3A : memref<!tpu.dma_semaphore, #tpu.memory_space<semaphore_mem>>) {add = true}
        %dma_wait3A_268 = arith.constant 0 : i32
        %dma_wait3A_269 = tpu.memref_slice %arg7[%add3A_182, %dma_wait3A_268] : memref<160x128xi32, #tpu.memory_space<vmem>> -> memref<1x128xi32, #tpu.memory_space<vmem>>
        %dma_wait3A_270 = tpu.memref_squeeze %dma_wait3A_269 : memref<1x128xi32, #tpu.memory_space<vmem>> -> memref<128xi32, #tpu.memory_space<vmem>>
        %dma_wait3A_271 = arith.constant 0 : i32
        %dma_wait3A_272 = arith.constant 0 : i32
        %dma_wait3A_273 = tpu.memref_slice %arg12[%dma_wait3A_271, %dma_wait3A_272] : memref<10000x64xf32, #tpu.memory_space<vmem_shared>> -> memref<10000x64xf32, #tpu.memory_space<vmem_shared>>
        tpu.wait_indirect_dma semaphore(%run_scoped3A : memref<!tpu.dma_semaphore, #tpu.memory_space<semaphore_mem>>) src(%arg9 : memref<128x64xf32, #tpu.memory_space<vmem>>) dst(%dma_wait3A_273 : memref<10000x64xf32, #tpu.memory_space<vmem_shared>>)
        tpu.yield
      }) : () -> ()
      %add3A_193 = arith.constant 4 : i32
      %add3A_194 = arith.addi %add3A_182, %add3A_193 : i32
      %lt3A_195 = arith.cmpi slt, %add3A_194, %add3A_10 : i32
      %jit3A_196 = arith.constant 1 : i32
      %select_n3A_197 = arith.select %lt3A_195, %add3A_194, %jit3A_196 : i32
      %dma_start3A_198 = arith.constant 0 : i32
      %dma_start3A_199 = tpu.memref_slice %arg6[%select_n3A_197, %dma_start3A_198] : memref<160x128xi32, #tpu.memory_space<vmem>> -> memref<1x128xi32, #tpu.memory_space<vmem>>
      %dma_start3A_200 = tpu.memref_squeeze %dma_start3A_199 : memref<1x128xi32, #tpu.memory_space<vmem>> -> memref<128xi32, #tpu.memory_space<vmem>>
      %dma_start3A_201 = arith.constant 0 : i32
      %dma_start3A_202 = arith.constant 0 : i32
      %dma_start3A_203 = tpu.memref_slice %arg2[%arg0, %dma_start3A_201, %dma_start3A_202] : memref<2x10000x64xf32, #tpu.memory_space<hbm>> -> memref<1x10000x64xf32, #tpu.memory_space<hbm>>
      %dma_start3A_204 = tpu.memref_squeeze %dma_start3A_203 : memref<1x10000x64xf32, #tpu.memory_space<hbm>> -> memref<10000x64xf32, #tpu.memory_space<hbm>>
      %dma_start3A_205 = arith.constant 0 : i32
      %dma_start3A_206 = arith.constant 0 : i32
      %dma_start3A_207 = tpu.memref_slice %dma_start3A_204[%dma_start3A_205, %dma_start3A_206] : memref<10000x64xf32, #tpu.memory_space<hbm>> -> memref<10000x64xf32, #tpu.memory_space<hbm>>
      tpu.enqueue_indirect_dma source(%dma_start3A_207 : memref<10000x64xf32, #tpu.memory_space<hbm>>) target(%arg9 : memref<128x64xf32, #tpu.memory_space<vmem>>) offsets(%dma_start3A_200 : memref<128xi32, #tpu.memory_space<vmem>>) semaphore(%arg14 : memref<!tpu.dma_semaphore, #tpu.memory_space<semaphore_mem>>)
      %add3A_208 = arith.constant 2 : i32
      %add3A_209 = arith.addi %mul3A_153, %add3A_208 : i32
      %dma_wait3A_210 = arith.constant 0 : i32
      %dma_wait3A_211 = tpu.memref_slice %arg6[%add3A_209, %dma_wait3A_210] : memref<160x128xi32, #tpu.memory_space<vmem>> -> memref<1x128xi32, #tpu.memory_space<vmem>>
      %dma_wait3A_212 = tpu.memref_squeeze %dma_wait3A_211 : memref<1x128xi32, #tpu.memory_space<vmem>> -> memref<128xi32, #tpu.memory_space<vmem>>
      %dma_wait3A_213 = arith.constant 0 : i32
      %dma_wait3A_214 = arith.constant 0 : i32
      %dma_wait3A_215 = tpu.memref_slice %arg2[%arg0, %dma_wait3A_213, %dma_wait3A_214] : memref<2x10000x64xf32, #tpu.memory_space<hbm>> -> memref<1x10000x64xf32, #tpu.memory_space<hbm>>
      %dma_wait3A_216 = tpu.memref_squeeze %dma_wait3A_215 : memref<1x10000x64xf32, #tpu.memory_space<hbm>> -> memref<10000x64xf32, #tpu.memory_space<hbm>>
      %dma_wait3A_217 = arith.constant 0 : i32
      %dma_wait3A_218 = arith.constant 0 : i32
      %dma_wait3A_219 = tpu.memref_slice %dma_wait3A_216[%dma_wait3A_217, %dma_wait3A_218] : memref<10000x64xf32, #tpu.memory_space<hbm>> -> memref<10000x64xf32, #tpu.memory_space<hbm>>
      tpu.wait_indirect_dma semaphore(%arg15 : memref<!tpu.dma_semaphore, #tpu.memory_space<semaphore_mem>>) src(%dma_wait3A_219 : memref<10000x64xf32, #tpu.memory_space<hbm>>) dst(%arg10 : memref<128x64xf32, #tpu.memory_space<vmem>>)
      "tpu.region"() ({
        %run_scoped3A = tpu.sem_alloc : memref<!tpu.dma_semaphore, #tpu.memory_space<semaphore_mem>>
        %dma_start3A_262 = arith.constant 0 : i32
        %dma_start3A_263 = tpu.memref_slice %arg7[%add3A_209, %dma_start3A_262] : memref<160x128xi32, #tpu.memory_space<vmem>> -> memref<1x128xi32, #tpu.memory_space<vmem>>
        %dma_start3A_264 = tpu.memref_squeeze %dma_start3A_263 : memref<1x128xi32, #tpu.memory_space<vmem>> -> memref<128xi32, #tpu.memory_space<vmem>>
        %dma_start3A_265 = arith.constant 0 : i32
        %dma_start3A_266 = arith.constant 0 : i32
        %dma_start3A_267 = tpu.memref_slice %arg12[%dma_start3A_265, %dma_start3A_266] : memref<10000x64xf32, #tpu.memory_space<vmem_shared>> -> memref<10000x64xf32, #tpu.memory_space<vmem_shared>>
        tpu.enqueue_indirect_dma source(%arg10 : memref<128x64xf32, #tpu.memory_space<vmem>>) target(%dma_start3A_267 : memref<10000x64xf32, #tpu.memory_space<vmem_shared>>) offsets(%dma_start3A_264 : memref<128xi32, #tpu.memory_space<vmem>>) semaphore(%run_scoped3A : memref<!tpu.dma_semaphore, #tpu.memory_space<semaphore_mem>>) {add = true}
        %dma_wait3A_268 = arith.constant 0 : i32
        %dma_wait3A_269 = tpu.memref_slice %arg7[%add3A_209, %dma_wait3A_268] : memref<160x128xi32, #tpu.memory_space<vmem>> -> memref<1x128xi32, #tpu.memory_space<vmem>>
        %dma_wait3A_270 = tpu.memref_squeeze %dma_wait3A_269 : memref<1x128xi32, #tpu.memory_space<vmem>> -> memref<128xi32, #tpu.memory_space<vmem>>
        %dma_wait3A_271 = arith.constant 0 : i32
        %dma_wait3A_272 = arith.constant 0 : i32
        %dma_wait3A_273 = tpu.memref_slice %arg12[%dma_wait3A_271, %dma_wait3A_272] : memref<10000x64xf32, #tpu.memory_space<vmem_shared>> -> memref<10000x64xf32, #tpu.memory_space<vmem_shared>>
        tpu.wait_indirect_dma semaphore(%run_scoped3A : memref<!tpu.dma_semaphore, #tpu.memory_space<semaphore_mem>>) src(%arg10 : memref<128x64xf32, #tpu.memory_space<vmem>>) dst(%dma_wait3A_273 : memref<10000x64xf32, #tpu.memory_space<vmem_shared>>)
        tpu.yield
      }) : () -> ()
      %add3A_220 = arith.constant 4 : i32
      %add3A_221 = arith.addi %add3A_209, %add3A_220 : i32
      %lt3A_222 = arith.cmpi slt, %add3A_221, %add3A_10 : i32
      %jit3A_223 = arith.constant 2 : i32
      %select_n3A_224 = arith.select %lt3A_222, %add3A_221, %jit3A_223 : i32
      %dma_start3A_225 = arith.constant 0 : i32
      %dma_start3A_226 = tpu.memref_slice %arg6[%select_n3A_224, %dma_start3A_225] : memref<160x128xi32, #tpu.memory_space<vmem>> -> memref<1x128xi32, #tpu.memory_space<vmem>>
      %dma_start3A_227 = tpu.memref_squeeze %dma_start3A_226 : memref<1x128xi32, #tpu.memory_space<vmem>> -> memref<128xi32, #tpu.memory_space<vmem>>
      %dma_start3A_228 = arith.constant 0 : i32
      %dma_start3A_229 = arith.constant 0 : i32
      %dma_start3A_230 = tpu.memref_slice %arg2[%arg0, %dma_start3A_228, %dma_start3A_229] : memref<2x10000x64xf32, #tpu.memory_space<hbm>> -> memref<1x10000x64xf32, #tpu.memory_space<hbm>>
      %dma_start3A_231 = tpu.memref_squeeze %dma_start3A_230 : memref<1x10000x64xf32, #tpu.memory_space<hbm>> -> memref<10000x64xf32, #tpu.memory_space<hbm>>
      %dma_start3A_232 = arith.constant 0 : i32
      %dma_start3A_233 = arith.constant 0 : i32
      %dma_start3A_234 = tpu.memref_slice %dma_start3A_231[%dma_start3A_232, %dma_start3A_233] : memref<10000x64xf32, #tpu.memory_space<hbm>> -> memref<10000x64xf32, #tpu.memory_space<hbm>>
      tpu.enqueue_indirect_dma source(%dma_start3A_234 : memref<10000x64xf32, #tpu.memory_space<hbm>>) target(%arg10 : memref<128x64xf32, #tpu.memory_space<vmem>>) offsets(%dma_start3A_227 : memref<128xi32, #tpu.memory_space<vmem>>) semaphore(%arg15 : memref<!tpu.dma_semaphore, #tpu.memory_space<semaphore_mem>>)
      %add3A_235 = arith.constant 3 : i32
      %add3A_236 = arith.addi %mul3A_153, %add3A_235 : i32
      %dma_wait3A_237 = arith.constant 0 : i32
      %dma_wait3A_238 = tpu.memref_slice %arg6[%add3A_236, %dma_wait3A_237] : memref<160x128xi32, #tpu.memory_space<vmem>> -> memref<1x128xi32, #tpu.memory_space<vmem>>
      %dma_wait3A_239 = tpu.memref_squeeze %dma_wait3A_238 : memref<1x128xi32, #tpu.memory_space<vmem>> -> memref<128xi32, #tpu.memory_space<vmem>>
      %dma_wait3A_240 = arith.constant 0 : i32
      %dma_wait3A_241 = arith.constant 0 : i32
      %dma_wait3A_242 = tpu.memref_slice %arg2[%arg0, %dma_wait3A_240, %dma_wait3A_241] : memref<2x10000x64xf32, #tpu.memory_space<hbm>> -> memref<1x10000x64xf32, #tpu.memory_space<hbm>>
      %dma_wait3A_243 = tpu.memref_squeeze %dma_wait3A_242 : memref<1x10000x64xf32, #tpu.memory_space<hbm>> -> memref<10000x64xf32, #tpu.memory_space<hbm>>
      %dma_wait3A_244 = arith.constant 0 : i32
      %dma_wait3A_245 = arith.constant 0 : i32
      %dma_wait3A_246 = tpu.memref_slice %dma_wait3A_243[%dma_wait3A_244, %dma_wait3A_245] : memref<10000x64xf32, #tpu.memory_space<hbm>> -> memref<10000x64xf32, #tpu.memory_space<hbm>>
      tpu.wait_indirect_dma semaphore(%arg16 : memref<!tpu.dma_semaphore, #tpu.memory_space<semaphore_mem>>) src(%dma_wait3A_246 : memref<10000x64xf32, #tpu.memory_space<hbm>>) dst(%arg11 : memref<128x64xf32, #tpu.memory_space<vmem>>)
      "tpu.region"() ({
        %run_scoped3A = tpu.sem_alloc : memref<!tpu.dma_semaphore, #tpu.memory_space<semaphore_mem>>
        %dma_start3A_262 = arith.constant 0 : i32
        %dma_start3A_263 = tpu.memref_slice %arg7[%add3A_236, %dma_start3A_262] : memref<160x128xi32, #tpu.memory_space<vmem>> -> memref<1x128xi32, #tpu.memory_space<vmem>>
        %dma_start3A_264 = tpu.memref_squeeze %dma_start3A_263 : memref<1x128xi32, #tpu.memory_space<vmem>> -> memref<128xi32, #tpu.memory_space<vmem>>
        %dma_start3A_265 = arith.constant 0 : i32
        %dma_start3A_266 = arith.constant 0 : i32
        %dma_start3A_267 = tpu.memref_slice %arg12[%dma_start3A_265, %dma_start3A_266] : memref<10000x64xf32, #tpu.memory_space<vmem_shared>> -> memref<10000x64xf32, #tpu.memory_space<vmem_shared>>
        tpu.enqueue_indirect_dma source(%arg11 : memref<128x64xf32, #tpu.memory_space<vmem>>) target(%dma_start3A_267 : memref<10000x64xf32, #tpu.memory_space<vmem_shared>>) offsets(%dma_start3A_264 : memref<128xi32, #tpu.memory_space<vmem>>) semaphore(%run_scoped3A : memref<!tpu.dma_semaphore, #tpu.memory_space<semaphore_mem>>) {add = true}
        %dma_wait3A_268 = arith.constant 0 : i32
        %dma_wait3A_269 = tpu.memref_slice %arg7[%add3A_236, %dma_wait3A_268] : memref<160x128xi32, #tpu.memory_space<vmem>> -> memref<1x128xi32, #tpu.memory_space<vmem>>
        %dma_wait3A_270 = tpu.memref_squeeze %dma_wait3A_269 : memref<1x128xi32, #tpu.memory_space<vmem>> -> memref<128xi32, #tpu.memory_space<vmem>>
        %dma_wait3A_271 = arith.constant 0 : i32
        %dma_wait3A_272 = arith.constant 0 : i32
        %dma_wait3A_273 = tpu.memref_slice %arg12[%dma_wait3A_271, %dma_wait3A_272] : memref<10000x64xf32, #tpu.memory_space<vmem_shared>> -> memref<10000x64xf32, #tpu.memory_space<vmem_shared>>
        tpu.wait_indirect_dma semaphore(%run_scoped3A : memref<!tpu.dma_semaphore, #tpu.memory_space<semaphore_mem>>) src(%arg11 : memref<128x64xf32, #tpu.memory_space<vmem>>) dst(%dma_wait3A_273 : memref<10000x64xf32, #tpu.memory_space<vmem_shared>>)
        tpu.yield
      }) : () -> ()
      %add3A_247 = arith.constant 4 : i32
      %add3A_248 = arith.addi %add3A_236, %add3A_247 : i32
      %lt3A_249 = arith.cmpi slt, %add3A_248, %add3A_10 : i32
      %jit3A_250 = arith.constant 3 : i32
      %select_n3A_251 = arith.select %lt3A_249, %add3A_248, %jit3A_250 : i32
      %dma_start3A_252 = arith.constant 0 : i32
      %dma_start3A_253 = tpu.memref_slice %arg6[%select_n3A_251, %dma_start3A_252] : memref<160x128xi32, #tpu.memory_space<vmem>> -> memref<1x128xi32, #tpu.memory_space<vmem>>
      %dma_start3A_254 = tpu.memref_squeeze %dma_start3A_253 : memref<1x128xi32, #tpu.memory_space<vmem>> -> memref<128xi32, #tpu.memory_space<vmem>>
      %dma_start3A_255 = arith.constant 0 : i32
      %dma_start3A_256 = arith.constant 0 : i32
      %dma_start3A_257 = tpu.memref_slice %arg2[%arg0, %dma_start3A_255, %dma_start3A_256] : memref<2x10000x64xf32, #tpu.memory_space<hbm>> -> memref<1x10000x64xf32, #tpu.memory_space<hbm>>
      %dma_start3A_258 = tpu.memref_squeeze %dma_start3A_257 : memref<1x10000x64xf32, #tpu.memory_space<hbm>> -> memref<10000x64xf32, #tpu.memory_space<hbm>>
      %dma_start3A_259 = arith.constant 0 : i32
      %dma_start3A_260 = arith.constant 0 : i32
      %dma_start3A_261 = tpu.memref_slice %dma_start3A_258[%dma_start3A_259, %dma_start3A_260] : memref<10000x64xf32, #tpu.memory_space<hbm>> -> memref<10000x64xf32, #tpu.memory_space<hbm>>
      tpu.enqueue_indirect_dma source(%dma_start3A_261 : memref<10000x64xf32, #tpu.memory_space<hbm>>) target(%arg11 : memref<128x64xf32, #tpu.memory_space<vmem>>) offsets(%dma_start3A_254 : memref<128xi32, #tpu.memory_space<vmem>>) semaphore(%arg16 : memref<!tpu.dma_semaphore, #tpu.memory_space<semaphore_mem>>)
    }
    %while3A_102 = arith.constant 1 : i32
    scf.for %while3A_149 = %while3A_100 to %while3A_96 step %while3A_102  : i32 {
      %mul3A_150 = arith.muli %while3A_149, %while3A : i32
      %add3A_151 = arith.addi %while3A_93, %mul3A_150 : i32
      %mul3A_152 = arith.constant 4 : i32
      %mul3A_153 = arith.muli %add3A_151, %mul3A_152 : i32
      %add3A_154 = arith.constant 0 : i32
      %add3A_155 = arith.addi %mul3A_153, %add3A_154 : i32
      %dma_wait3A_156 = arith.constant 0 : i32
      %dma_wait3A_157 = tpu.memref_slice %arg6[%add3A_155, %dma_wait3A_156] : memref<160x128xi32, #tpu.memory_space<vmem>> -> memref<1x128xi32, #tpu.memory_space<vmem>>
      %dma_wait3A_158 = tpu.memref_squeeze %dma_wait3A_157 : memref<1x128xi32, #tpu.memory_space<vmem>> -> memref<128xi32, #tpu.memory_space<vmem>>
      %dma_wait3A_159 = arith.constant 0 : i32
      %dma_wait3A_160 = arith.constant 0 : i32
      %dma_wait3A_161 = tpu.memref_slice %arg2[%arg0, %dma_wait3A_159, %dma_wait3A_160] : memref<2x10000x64xf32, #tpu.memory_space<hbm>> -> memref<1x10000x64xf32, #tpu.memory_space<hbm>>
      %dma_wait3A_162 = tpu.memref_squeeze %dma_wait3A_161 : memref<1x10000x64xf32, #tpu.memory_space<hbm>> -> memref<10000x64xf32, #tpu.memory_space<hbm>>
      %dma_wait3A_163 = arith.constant 0 : i32
      %dma_wait3A_164 = arith.constant 0 : i32
      %dma_wait3A_165 = tpu.memref_slice %dma_wait3A_162[%dma_wait3A_163, %dma_wait3A_164] : memref<10000x64xf32, #tpu.memory_space<hbm>> -> memref<10000x64xf32, #tpu.memory_space<hbm>>
      tpu.wait_indirect_dma semaphore(%arg13 : memref<!tpu.dma_semaphore, #tpu.memory_space<semaphore_mem>>) src(%dma_wait3A_165 : memref<10000x64xf32, #tpu.memory_space<hbm>>) dst(%arg8 : memref<128x64xf32, #tpu.memory_space<vmem>>)
      "tpu.region"() ({
        %run_scoped3A = tpu.sem_alloc : memref<!tpu.dma_semaphore, #tpu.memory_space<semaphore_mem>>
        %dma_start3A_262 = arith.constant 0 : i32
        %dma_start3A_263 = tpu.memref_slice %arg7[%add3A_155, %dma_start3A_262] : memref<160x128xi32, #tpu.memory_space<vmem>> -> memref<1x128xi32, #tpu.memory_space<vmem>>
        %dma_start3A_264 = tpu.memref_squeeze %dma_start3A_263 : memref<1x128xi32, #tpu.memory_space<vmem>> -> memref<128xi32, #tpu.memory_space<vmem>>
        %dma_start3A_265 = arith.constant 0 : i32
        %dma_start3A_266 = arith.constant 0 : i32
        %dma_start3A_267 = tpu.memref_slice %arg12[%dma_start3A_265, %dma_start3A_266] : memref<10000x64xf32, #tpu.memory_space<vmem_shared>> -> memref<10000x64xf32, #tpu.memory_space<vmem_shared>>
        tpu.enqueue_indirect_dma source(%arg8 : memref<128x64xf32, #tpu.memory_space<vmem>>) target(%dma_start3A_267 : memref<10000x64xf32, #tpu.memory_space<vmem_shared>>) offsets(%dma_start3A_264 : memref<128xi32, #tpu.memory_space<vmem>>) semaphore(%run_scoped3A : memref<!tpu.dma_semaphore, #tpu.memory_space<semaphore_mem>>) {add = true}
        %dma_wait3A_268 = arith.constant 0 : i32
        %dma_wait3A_269 = tpu.memref_slice %arg7[%add3A_155, %dma_wait3A_268] : memref<160x128xi32, #tpu.memory_space<vmem>> -> memref<1x128xi32, #tpu.memory_space<vmem>>
        %dma_wait3A_270 = tpu.memref_squeeze %dma_wait3A_269 : memref<1x128xi32, #tpu.memory_space<vmem>> -> memref<128xi32, #tpu.memory_space<vmem>>
        %dma_wait3A_271 = arith.constant 0 : i32
        %dma_wait3A_272 = arith.constant 0 : i32
        %dma_wait3A_273 = tpu.memref_slice %arg12[%dma_wait3A_271, %dma_wait3A_272] : memref<10000x64xf32, #tpu.memory_space<vmem_shared>> -> memref<10000x64xf32, #tpu.memory_space<vmem_shared>>
        tpu.wait_indirect_dma semaphore(%run_scoped3A : memref<!tpu.dma_semaphore, #tpu.memory_space<semaphore_mem>>) src(%arg8 : memref<128x64xf32, #tpu.memory_space<vmem>>) dst(%dma_wait3A_273 : memref<10000x64xf32, #tpu.memory_space<vmem_shared>>)
        tpu.yield
      }) : () -> ()
      %add3A_166 = arith.constant 4 : i32
      %add3A_167 = arith.addi %add3A_155, %add3A_166 : i32
      %lt3A_168 = arith.cmpi slt, %add3A_167, %add3A_10 : i32
      %jit3A_169 = arith.constant 0 : i32
      %select_n3A_170 = arith.select %lt3A_168, %add3A_167, %jit3A_169 : i32
      %dma_start3A_171 = arith.constant 0 : i32
      %dma_start3A_172 = tpu.memref_slice %arg6[%select_n3A_170, %dma_start3A_171] : memref<160x128xi32, #tpu.memory_space<vmem>> -> memref<1x128xi32, #tpu.memory_space<vmem>>
      %dma_start3A_173 = tpu.memref_squeeze %dma_start3A_172 : memref<1x128xi32, #tpu.memory_space<vmem>> -> memref<128xi32, #tpu.memory_space<vmem>>
      %dma_start3A_174 = arith.constant 0 : i32
      %dma_start3A_175 = arith.constant 0 : i32
      %dma_start3A_176 = tpu.memref_slice %arg2[%arg0, %dma_start3A_174, %dma_start3A_175] : memref<2x10000x64xf32, #tpu.memory_space<hbm>> -> memref<1x10000x64xf32, #tpu.memory_space<hbm>>
      %dma_start3A_177 = tpu.memref_squeeze %dma_start3A_176 : memref<1x10000x64xf32, #tpu.memory_space<hbm>> -> memref<10000x64xf32, #tpu.memory_space<hbm>>
      %dma_start3A_178 = arith.constant 0 : i32
      %dma_start3A_179 = arith.constant 0 : i32
      %dma_start3A_180 = tpu.memref_slice %dma_start3A_177[%dma_start3A_178, %dma_start3A_179] : memref<10000x64xf32, #tpu.memory_space<hbm>> -> memref<10000x64xf32, #tpu.memory_space<hbm>>
      tpu.enqueue_indirect_dma source(%dma_start3A_180 : memref<10000x64xf32, #tpu.memory_space<hbm>>) target(%arg8 : memref<128x64xf32, #tpu.memory_space<vmem>>) offsets(%dma_start3A_173 : memref<128xi32, #tpu.memory_space<vmem>>) semaphore(%arg13 : memref<!tpu.dma_semaphore, #tpu.memory_space<semaphore_mem>>)
      %add3A_181 = arith.constant 1 : i32
      %add3A_182 = arith.addi %mul3A_153, %add3A_181 : i32
      %dma_wait3A_183 = arith.constant 0 : i32
      %dma_wait3A_184 = tpu.memref_slice %arg6[%add3A_182, %dma_wait3A_183] : memref<160x128xi32, #tpu.memory_space<vmem>> -> memref<1x128xi32, #tpu.memory_space<vmem>>
      %dma_wait3A_185 = tpu.memref_squeeze %dma_wait3A_184 : memref<1x128xi32, #tpu.memory_space<vmem>> -> memref<128xi32, #tpu.memory_space<vmem>>
      %dma_wait3A_186 = arith.constant 0 : i32
      %dma_wait3A_187 = arith.constant 0 : i32
      %dma_wait3A_188 = tpu.memref_slice %arg2[%arg0, %dma_wait3A_186, %dma_wait3A_187] : memref<2x10000x64xf32, #tpu.memory_space<hbm>> -> memref<1x10000x64xf32, #tpu.memory_space<hbm>>
      %dma_wait3A_189 = tpu.memref_squeeze %dma_wait3A_188 : memref<1x10000x64xf32, #tpu.memory_space<hbm>> -> memref<10000x64xf32, #tpu.memory_space<hbm>>
      %dma_wait3A_190 = arith.constant 0 : i32
      %dma_wait3A_191 = arith.constant 0 : i32
      %dma_wait3A_192 = tpu.memref_slice %dma_wait3A_189[%dma_wait3A_190, %dma_wait3A_191] : memref<10000x64xf32, #tpu.memory_space<hbm>> -> memref<10000x64xf32, #tpu.memory_space<hbm>>
      tpu.wait_indirect_dma semaphore(%arg14 : memref<!tpu.dma_semaphore, #tpu.memory_space<semaphore_mem>>) src(%dma_wait3A_192 : memref<10000x64xf32, #tpu.memory_space<hbm>>) dst(%arg9 : memref<128x64xf32, #tpu.memory_space<vmem>>)
      "tpu.region"() ({
        %run_scoped3A = tpu.sem_alloc : memref<!tpu.dma_semaphore, #tpu.memory_space<semaphore_mem>>
        %dma_start3A_262 = arith.constant 0 : i32
        %dma_start3A_263 = tpu.memref_slice %arg7[%add3A_182, %dma_start3A_262] : memref<160x128xi32, #tpu.memory_space<vmem>> -> memref<1x128xi32, #tpu.memory_space<vmem>>
        %dma_start3A_264 = tpu.memref_squeeze %dma_start3A_263 : memref<1x128xi32, #tpu.memory_space<vmem>> -> memref<128xi32, #tpu.memory_space<vmem>>
        %dma_start3A_265 = arith.constant 0 : i32
        %dma_start3A_266 = arith.constant 0 : i32
        %dma_start3A_267 = tpu.memref_slice %arg12[%dma_start3A_265, %dma_start3A_266] : memref<10000x64xf32, #tpu.memory_space<vmem_shared>> -> memref<10000x64xf32, #tpu.memory_space<vmem_shared>>
        tpu.enqueue_indirect_dma source(%arg9 : memref<128x64xf32, #tpu.memory_space<vmem>>) target(%dma_start3A_267 : memref<10000x64xf32, #tpu.memory_space<vmem_shared>>) offsets(%dma_start3A_264 : memref<128xi32, #tpu.memory_space<vmem>>) semaphore(%run_scoped3A : memref<!tpu.dma_semaphore, #tpu.memory_space<semaphore_mem>>) {add = true}
        %dma_wait3A_268 = arith.constant 0 : i32
        %dma_wait3A_269 = tpu.memref_slice %arg7[%add3A_182, %dma_wait3A_268] : memref<160x128xi32, #tpu.memory_space<vmem>> -> memref<1x128xi32, #tpu.memory_space<vmem>>
        %dma_wait3A_270 = tpu.memref_squeeze %dma_wait3A_269 : memref<1x128xi32, #tpu.memory_space<vmem>> -> memref<128xi32, #tpu.memory_space<vmem>>
        %dma_wait3A_271 = arith.constant 0 : i32
        %dma_wait3A_272 = arith.constant 0 : i32
        %dma_wait3A_273 = tpu.memref_slice %arg12[%dma_wait3A_271, %dma_wait3A_272] : memref<10000x64xf32, #tpu.memory_space<vmem_shared>> -> memref<10000x64xf32, #tpu.memory_space<vmem_shared>>
        tpu.wait_indirect_dma semaphore(%run_scoped3A : memref<!tpu.dma_semaphore, #tpu.memory_space<semaphore_mem>>) src(%arg9 : memref<128x64xf32, #tpu.memory_space<vmem>>) dst(%dma_wait3A_273 : memref<10000x64xf32, #tpu.memory_space<vmem_shared>>)
        tpu.yield
      }) : () -> ()
      %add3A_193 = arith.constant 4 : i32
      %add3A_194 = arith.addi %add3A_182, %add3A_193 : i32
      %lt3A_195 = arith.cmpi slt, %add3A_194, %add3A_10 : i32
      %jit3A_196 = arith.constant 1 : i32
      %select_n3A_197 = arith.select %lt3A_195, %add3A_194, %jit3A_196 : i32
      %dma_start3A_198 = arith.constant 0 : i32
      %dma_start3A_199 = tpu.memref_slice %arg6[%select_n3A_197, %dma_start3A_198] : memref<160x128xi32, #tpu.memory_space<vmem>> -> memref<1x128xi32, #tpu.memory_space<vmem>>
      %dma_start3A_200 = tpu.memref_squeeze %dma_start3A_199 : memref<1x128xi32, #tpu.memory_space<vmem>> -> memref<128xi32, #tpu.memory_space<vmem>>
      %dma_start3A_201 = arith.constant 0 : i32
      %dma_start3A_202 = arith.constant 0 : i32
      %dma_start3A_203 = tpu.memref_slice %arg2[%arg0, %dma_start3A_201, %dma_start3A_202] : memref<2x10000x64xf32, #tpu.memory_space<hbm>> -> memref<1x10000x64xf32, #tpu.memory_space<hbm>>
      %dma_start3A_204 = tpu.memref_squeeze %dma_start3A_203 : memref<1x10000x64xf32, #tpu.memory_space<hbm>> -> memref<10000x64xf32, #tpu.memory_space<hbm>>
      %dma_start3A_205 = arith.constant 0 : i32
      %dma_start3A_206 = arith.constant 0 : i32
      %dma_start3A_207 = tpu.memref_slice %dma_start3A_204[%dma_start3A_205, %dma_start3A_206] : memref<10000x64xf32, #tpu.memory_space<hbm>> -> memref<10000x64xf32, #tpu.memory_space<hbm>>
      tpu.enqueue_indirect_dma source(%dma_start3A_207 : memref<10000x64xf32, #tpu.memory_space<hbm>>) target(%arg9 : memref<128x64xf32, #tpu.memory_space<vmem>>) offsets(%dma_start3A_200 : memref<128xi32, #tpu.memory_space<vmem>>) semaphore(%arg14 : memref<!tpu.dma_semaphore, #tpu.memory_space<semaphore_mem>>)
      %add3A_208 = arith.constant 2 : i32
      %add3A_209 = arith.addi %mul3A_153, %add3A_208 : i32
      %dma_wait3A_210 = arith.constant 0 : i32
      %dma_wait3A_211 = tpu.memref_slice %arg6[%add3A_209, %dma_wait3A_210] : memref<160x128xi32, #tpu.memory_space<vmem>> -> memref<1x128xi32, #tpu.memory_space<vmem>>
      %dma_wait3A_212 = tpu.memref_squeeze %dma_wait3A_211 : memref<1x128xi32, #tpu.memory_space<vmem>> -> memref<128xi32, #tpu.memory_space<vmem>>
      %dma_wait3A_213 = arith.constant 0 : i32
      %dma_wait3A_214 = arith.constant 0 : i32
      %dma_wait3A_215 = tpu.memref_slice %arg2[%arg0, %dma_wait3A_213, %dma_wait3A_214] : memref<2x10000x64xf32, #tpu.memory_space<hbm>> -> memref<1x10000x64xf32, #tpu.memory_space<hbm>>
      %dma_wait3A_216 = tpu.memref_squeeze %dma_wait3A_215 : memref<1x10000x64xf32, #tpu.memory_space<hbm>> -> memref<10000x64xf32, #tpu.memory_space<hbm>>
      %dma_wait3A_217 = arith.constant 0 : i32
      %dma_wait3A_218 = arith.constant 0 : i32
      %dma_wait3A_219 = tpu.memref_slice %dma_wait3A_216[%dma_wait3A_217, %dma_wait3A_218] : memref<10000x64xf32, #tpu.memory_space<hbm>> -> memref<10000x64xf32, #tpu.memory_space<hbm>>
      tpu.wait_indirect_dma semaphore(%arg15 : memref<!tpu.dma_semaphore, #tpu.memory_space<semaphore_mem>>) src(%dma_wait3A_219 : memref<10000x64xf32, #tpu.memory_space<hbm>>) dst(%arg10 : memref<128x64xf32, #tpu.memory_space<vmem>>)
      "tpu.region"() ({
        %run_scoped3A = tpu.sem_alloc : memref<!tpu.dma_semaphore, #tpu.memory_space<semaphore_mem>>
        %dma_start3A_262 = arith.constant 0 : i32
        %dma_start3A_263 = tpu.memref_slice %arg7[%add3A_209, %dma_start3A_262] : memref<160x128xi32, #tpu.memory_space<vmem>> -> memref<1x128xi32, #tpu.memory_space<vmem>>
        %dma_start3A_264 = tpu.memref_squeeze %dma_start3A_263 : memref<1x128xi32, #tpu.memory_space<vmem>> -> memref<128xi32, #tpu.memory_space<vmem>>
        %dma_start3A_265 = arith.constant 0 : i32
        %dma_start3A_266 = arith.constant 0 : i32
        %dma_start3A_267 = tpu.memref_slice %arg12[%dma_start3A_265, %dma_start3A_266] : memref<10000x64xf32, #tpu.memory_space<vmem_shared>> -> memref<10000x64xf32, #tpu.memory_space<vmem_shared>>
        tpu.enqueue_indirect_dma source(%arg10 : memref<128x64xf32, #tpu.memory_space<vmem>>) target(%dma_start3A_267 : memref<10000x64xf32, #tpu.memory_space<vmem_shared>>) offsets(%dma_start3A_264 : memref<128xi32, #tpu.memory_space<vmem>>) semaphore(%run_scoped3A : memref<!tpu.dma_semaphore, #tpu.memory_space<semaphore_mem>>) {add = true}
        %dma_wait3A_268 = arith.constant 0 : i32
        %dma_wait3A_269 = tpu.memref_slice %arg7[%add3A_209, %dma_wait3A_268] : memref<160x128xi32, #tpu.memory_space<vmem>> -> memref<1x128xi32, #tpu.memory_space<vmem>>
        %dma_wait3A_270 = tpu.memref_squeeze %dma_wait3A_269 : memref<1x128xi32, #tpu.memory_space<vmem>> -> memref<128xi32, #tpu.memory_space<vmem>>
        %dma_wait3A_271 = arith.constant 0 : i32
        %dma_wait3A_272 = arith.constant 0 : i32
        %dma_wait3A_273 = tpu.memref_slice %arg12[%dma_wait3A_271, %dma_wait3A_272] : memref<10000x64xf32, #tpu.memory_space<vmem_shared>> -> memref<10000x64xf32, #tpu.memory_space<vmem_shared>>
        tpu.wait_indirect_dma semaphore(%run_scoped3A : memref<!tpu.dma_semaphore, #tpu.memory_space<semaphore_mem>>) src(%arg10 : memref<128x64xf32, #tpu.memory_space<vmem>>) dst(%dma_wait3A_273 : memref<10000x64xf32, #tpu.memory_space<vmem_shared>>)
        tpu.yield
      }) : () -> ()
      %add3A_220 = arith.constant 4 : i32
      %add3A_221 = arith.addi %add3A_209, %add3A_220 : i32
      %lt3A_222 = arith.cmpi slt, %add3A_221, %add3A_10 : i32
      %jit3A_223 = arith.constant 2 : i32
      %select_n3A_224 = arith.select %lt3A_222, %add3A_221, %jit3A_223 : i32
      %dma_start3A_225 = arith.constant 0 : i32
      %dma_start3A_226 = tpu.memref_slice %arg6[%select_n3A_224, %dma_start3A_225] : memref<160x128xi32, #tpu.memory_space<vmem>> -> memref<1x128xi32, #tpu.memory_space<vmem>>
      %dma_start3A_227 = tpu.memref_squeeze %dma_start3A_226 : memref<1x128xi32, #tpu.memory_space<vmem>> -> memref<128xi32, #tpu.memory_space<vmem>>
      %dma_start3A_228 = arith.constant 0 : i32
      %dma_start3A_229 = arith.constant 0 : i32
      %dma_start3A_230 = tpu.memref_slice %arg2[%arg0, %dma_start3A_228, %dma_start3A_229] : memref<2x10000x64xf32, #tpu.memory_space<hbm>> -> memref<1x10000x64xf32, #tpu.memory_space<hbm>>
      %dma_start3A_231 = tpu.memref_squeeze %dma_start3A_230 : memref<1x10000x64xf32, #tpu.memory_space<hbm>> -> memref<10000x64xf32, #tpu.memory_space<hbm>>
      %dma_start3A_232 = arith.constant 0 : i32
      %dma_start3A_233 = arith.constant 0 : i32
      %dma_start3A_234 = tpu.memref_slice %dma_start3A_231[%dma_start3A_232, %dma_start3A_233] : memref<10000x64xf32, #tpu.memory_space<hbm>> -> memref<10000x64xf32, #tpu.memory_space<hbm>>
      tpu.enqueue_indirect_dma source(%dma_start3A_234 : memref<10000x64xf32, #tpu.memory_space<hbm>>) target(%arg10 : memref<128x64xf32, #tpu.memory_space<vmem>>) offsets(%dma_start3A_227 : memref<128xi32, #tpu.memory_space<vmem>>) semaphore(%arg15 : memref<!tpu.dma_semaphore, #tpu.memory_space<semaphore_mem>>)
      %add3A_235 = arith.constant 3 : i32
      %add3A_236 = arith.addi %mul3A_153, %add3A_235 : i32
      %dma_wait3A_237 = arith.constant 0 : i32
      %dma_wait3A_238 = tpu.memref_slice %arg6[%add3A_236, %dma_wait3A_237] : memref<160x128xi32, #tpu.memory_space<vmem>> -> memref<1x128xi32, #tpu.memory_space<vmem>>
      %dma_wait3A_239 = tpu.memref_squeeze %dma_wait3A_238 : memref<1x128xi32, #tpu.memory_space<vmem>> -> memref<128xi32, #tpu.memory_space<vmem>>
      %dma_wait3A_240 = arith.constant 0 : i32
      %dma_wait3A_241 = arith.constant 0 : i32
      %dma_wait3A_242 = tpu.memref_slice %arg2[%arg0, %dma_wait3A_240, %dma_wait3A_241] : memref<2x10000x64xf32, #tpu.memory_space<hbm>> -> memref<1x10000x64xf32, #tpu.memory_space<hbm>>
      %dma_wait3A_243 = tpu.memref_squeeze %dma_wait3A_242 : memref<1x10000x64xf32, #tpu.memory_space<hbm>> -> memref<10000x64xf32, #tpu.memory_space<hbm>>
      %dma_wait3A_244 = arith.constant 0 : i32
      %dma_wait3A_245 = arith.constant 0 : i32
      %dma_wait3A_246 = tpu.memref_slice %dma_wait3A_243[%dma_wait3A_244, %dma_wait3A_245] : memref<10000x64xf32, #tpu.memory_space<hbm>> -> memref<10000x64xf32, #tpu.memory_space<hbm>>
      tpu.wait_indirect_dma semaphore(%arg16 : memref<!tpu.dma_semaphore, #tpu.memory_space<semaphore_mem>>) src(%dma_wait3A_246 : memref<10000x64xf32, #tpu.memory_space<hbm>>) dst(%arg11 : memref<128x64xf32, #tpu.memory_space<vmem>>)
      "tpu.region"() ({
        %run_scoped3A = tpu.sem_alloc : memref<!tpu.dma_semaphore, #tpu.memory_space<semaphore_mem>>
        %dma_start3A_262 = arith.constant 0 : i32
        %dma_start3A_263 = tpu.memref_slice %arg7[%add3A_236, %dma_start3A_262] : memref<160x128xi32, #tpu.memory_space<vmem>> -> memref<1x128xi32, #tpu.memory_space<vmem>>
        %dma_start3A_264 = tpu.memref_squeeze %dma_start3A_263 : memref<1x128xi32, #tpu.memory_space<vmem>> -> memref<128xi32, #tpu.memory_space<vmem>>
        %dma_start3A_265 = arith.constant 0 : i32
        %dma_start3A_266 = arith.constant 0 : i32
        %dma_start3A_267 = tpu.memref_slice %arg12[%dma_start3A_265, %dma_start3A_266] : memref<10000x64xf32, #tpu.memory_space<vmem_shared>> -> memref<10000x64xf32, #tpu.memory_space<vmem_shared>>
        tpu.enqueue_indirect_dma source(%arg11 : memref<128x64xf32, #tpu.memory_space<vmem>>) target(%dma_start3A_267 : memref<10000x64xf32, #tpu.memory_space<vmem_shared>>) offsets(%dma_start3A_264 : memref<128xi32, #tpu.memory_space<vmem>>) semaphore(%run_scoped3A : memref<!tpu.dma_semaphore, #tpu.memory_space<semaphore_mem>>) {add = true}
        %dma_wait3A_268 = arith.constant 0 : i32
        %dma_wait3A_269 = tpu.memref_slice %arg7[%add3A_236, %dma_wait3A_268] : memref<160x128xi32, #tpu.memory_space<vmem>> -> memref<1x128xi32, #tpu.memory_space<vmem>>
        %dma_wait3A_270 = tpu.memref_squeeze %dma_wait3A_269 : memref<1x128xi32, #tpu.memory_space<vmem>> -> memref<128xi32, #tpu.memory_space<vmem>>
        %dma_wait3A_271 = arith.constant 0 : i32
        %dma_wait3A_272 = arith.constant 0 : i32
        %dma_wait3A_273 = tpu.memref_slice %arg12[%dma_wait3A_271, %dma_wait3A_272] : memref<10000x64xf32, #tpu.memory_space<vmem_shared>> -> memref<10000x64xf32, #tpu.memory_space<vmem_shared>>
        tpu.wait_indirect_dma semaphore(%run_scoped3A : memref<!tpu.dma_semaphore, #tpu.memory_space<semaphore_mem>>) src(%arg11 : memref<128x64xf32, #tpu.memory_space<vmem>>) dst(%dma_wait3A_273 : memref<10000x64xf32, #tpu.memory_space<vmem_shared>>)
        tpu.yield
      }) : () -> ()
      %add3A_247 = arith.constant 4 : i32
      %add3A_248 = arith.addi %add3A_236, %add3A_247 : i32
      %lt3A_249 = arith.cmpi slt, %add3A_248, %add3A_10 : i32
      %jit3A_250 = arith.constant 3 : i32
      %select_n3A_251 = arith.select %lt3A_249, %add3A_248, %jit3A_250 : i32
      %dma_start3A_252 = arith.constant 0 : i32
      %dma_start3A_253 = tpu.memref_slice %arg6[%select_n3A_251, %dma_start3A_252] : memref<160x128xi32, #tpu.memory_space<vmem>> -> memref<1x128xi32, #tpu.memory_space<vmem>>
      %dma_start3A_254 = tpu.memref_squeeze %dma_start3A_253 : memref<1x128xi32, #tpu.memory_space<vmem>> -> memref<128xi32, #tpu.memory_space<vmem>>
      %dma_start3A_255 = arith.constant 0 : i32
      %dma_start3A_256 = arith.constant 0 : i32
      %dma_start3A_257 = tpu.memref_slice %arg2[%arg0, %dma_start3A_255, %dma_start3A_256] : memref<2x10000x64xf32, #tpu.memory_space<hbm>> -> memref<1x10000x64xf32, #tpu.memory_space<hbm>>
      %dma_start3A_258 = tpu.memref_squeeze %dma_start3A_257 : memref<1x10000x64xf32, #tpu.memory_space<hbm>> -> memref<10000x64xf32, #tpu.memory_space<hbm>>
      %dma_start3A_259 = arith.constant 0 : i32
      %dma_start3A_260 = arith.constant 0 : i32
      %dma_start3A_261 = tpu.memref_slice %dma_start3A_258[%dma_start3A_259, %dma_start3A_260] : memref<10000x64xf32, #tpu.memory_space<hbm>> -> memref<10000x64xf32, #tpu.memory_space<hbm>>
      tpu.enqueue_indirect_dma source(%dma_start3A_261 : memref<10000x64xf32, #tpu.memory_space<hbm>>) target(%arg11 : memref<128x64xf32, #tpu.memory_space<vmem>>) offsets(%dma_start3A_254 : memref<128xi32, #tpu.memory_space<vmem>>) semaphore(%arg16 : memref<!tpu.dma_semaphore, #tpu.memory_space<semaphore_mem>>)
    }
    %dma_wait3A = arith.constant 0 : i32
    %dma_wait3A_103 = arith.constant 0 : i32
    %dma_wait3A_104 = tpu.memref_slice %arg6[%dma_wait3A, %dma_wait3A_103] : memref<160x128xi32, #tpu.memory_space<vmem>> -> memref<1x128xi32, #tpu.memory_space<vmem>>
    %dma_wait3A_105 = tpu.memref_squeeze %dma_wait3A_104 : memref<1x128xi32, #tpu.memory_space<vmem>> -> memref<128xi32, #tpu.memory_space<vmem>>
    %dma_wait3A_106 = arith.constant 0 : i32
    %dma_wait3A_107 = arith.constant 0 : i32
    %dma_wait3A_108 = tpu.memref_slice %arg2[%arg0, %dma_wait3A_106, %dma_wait3A_107] : memref<2x10000x64xf32, #tpu.memory_space<hbm>> -> memref<1x10000x64xf32, #tpu.memory_space<hbm>>
    %dma_wait3A_109 = tpu.memref_squeeze %dma_wait3A_108 : memref<1x10000x64xf32, #tpu.memory_space<hbm>> -> memref<10000x64xf32, #tpu.memory_space<hbm>>
    %dma_wait3A_110 = arith.constant 0 : i32
    %dma_wait3A_111 = arith.constant 0 : i32
    %dma_wait3A_112 = tpu.memref_slice %dma_wait3A_109[%dma_wait3A_110, %dma_wait3A_111] : memref<10000x64xf32, #tpu.memory_space<hbm>> -> memref<10000x64xf32, #tpu.memory_space<hbm>>
    tpu.wait_indirect_dma semaphore(%arg13 : memref<!tpu.dma_semaphore, #tpu.memory_space<semaphore_mem>>) src(%dma_wait3A_112 : memref<10000x64xf32, #tpu.memory_space<hbm>>) dst(%arg8 : memref<128x64xf32, #tpu.memory_space<vmem>>)
    %dma_wait3A_113 = arith.constant 1 : i32
    %dma_wait3A_114 = arith.constant 0 : i32
    %dma_wait3A_115 = tpu.memref_slice %arg6[%dma_wait3A_113, %dma_wait3A_114] : memref<160x128xi32, #tpu.memory_space<vmem>> -> memref<1x128xi32, #tpu.memory_space<vmem>>
    %dma_wait3A_116 = tpu.memref_squeeze %dma_wait3A_115 : memref<1x128xi32, #tpu.memory_space<vmem>> -> memref<128xi32, #tpu.memory_space<vmem>>
    %dma_wait3A_117 = arith.constant 0 : i32
    %dma_wait3A_118 = arith.constant 0 : i32
    %dma_wait3A_119 = tpu.memref_slice %arg2[%arg0, %dma_wait3A_117, %dma_wait3A_118] : memref<2x10000x64xf32, #tpu.memory_space<hbm>> -> memref<1x10000x64xf32, #tpu.memory_space<hbm>>
    %dma_wait3A_120 = tpu.memref_squeeze %dma_wait3A_119 : memref<1x10000x64xf32, #tpu.memory_space<hbm>> -> memref<10000x64xf32, #tpu.memory_space<hbm>>
    %dma_wait3A_121 = arith.constant 0 : i32
    %dma_wait3A_122 = arith.constant 0 : i32
    %dma_wait3A_123 = tpu.memref_slice %dma_wait3A_120[%dma_wait3A_121, %dma_wait3A_122] : memref<10000x64xf32, #tpu.memory_space<hbm>> -> memref<10000x64xf32, #tpu.memory_space<hbm>>
    tpu.wait_indirect_dma semaphore(%arg14 : memref<!tpu.dma_semaphore, #tpu.memory_space<semaphore_mem>>) src(%dma_wait3A_123 : memref<10000x64xf32, #tpu.memory_space<hbm>>) dst(%arg9 : memref<128x64xf32, #tpu.memory_space<vmem>>)
    %dma_wait3A_124 = arith.constant 2 : i32
    %dma_wait3A_125 = arith.constant 0 : i32
    %dma_wait3A_126 = tpu.memref_slice %arg6[%dma_wait3A_124, %dma_wait3A_125] : memref<160x128xi32, #tpu.memory_space<vmem>> -> memref<1x128xi32, #tpu.memory_space<vmem>>
    %dma_wait3A_127 = tpu.memref_squeeze %dma_wait3A_126 : memref<1x128xi32, #tpu.memory_space<vmem>> -> memref<128xi32, #tpu.memory_space<vmem>>
    %dma_wait3A_128 = arith.constant 0 : i32
    %dma_wait3A_129 = arith.constant 0 : i32
    %dma_wait3A_130 = tpu.memref_slice %arg2[%arg0, %dma_wait3A_128, %dma_wait3A_129] : memref<2x10000x64xf32, #tpu.memory_space<hbm>> -> memref<1x10000x64xf32, #tpu.memory_space<hbm>>
    %dma_wait3A_131 = tpu.memref_squeeze %dma_wait3A_130 : memref<1x10000x64xf32, #tpu.memory_space<hbm>> -> memref<10000x64xf32, #tpu.memory_space<hbm>>
    %dma_wait3A_132 = arith.constant 0 : i32
    %dma_wait3A_133 = arith.constant 0 : i32
    %dma_wait3A_134 = tpu.memref_slice %dma_wait3A_131[%dma_wait3A_132, %dma_wait3A_133] : memref<10000x64xf32, #tpu.memory_space<hbm>> -> memref<10000x64xf32, #tpu.memory_space<hbm>>
    tpu.wait_indirect_dma semaphore(%arg15 : memref<!tpu.dma_semaphore, #tpu.memory_space<semaphore_mem>>) src(%dma_wait3A_134 : memref<10000x64xf32, #tpu.memory_space<hbm>>) dst(%arg10 : memref<128x64xf32, #tpu.memory_space<vmem>>)
    %dma_wait3A_135 = arith.constant 3 : i32
    %dma_wait3A_136 = arith.constant 0 : i32
    %dma_wait3A_137 = tpu.memref_slice %arg6[%dma_wait3A_135, %dma_wait3A_136] : memref<160x128xi32, #tpu.memory_space<vmem>> -> memref<1x128xi32, #tpu.memory_space<vmem>>
    %dma_wait3A_138 = tpu.memref_squeeze %dma_wait3A_137 : memref<1x128xi32, #tpu.memory_space<vmem>> -> memref<128xi32, #tpu.memory_space<vmem>>
    %dma_wait3A_139 = arith.constant 0 : i32
    %dma_wait3A_140 = arith.constant 0 : i32
    %dma_wait3A_141 = tpu.memref_slice %arg2[%arg0, %dma_wait3A_139, %dma_wait3A_140] : memref<2x10000x64xf32, #tpu.memory_space<hbm>> -> memref<1x10000x64xf32, #tpu.memory_space<hbm>>
    %dma_wait3A_142 = tpu.memref_squeeze %dma_wait3A_141 : memref<1x10000x64xf32, #tpu.memory_space<hbm>> -> memref<10000x64xf32, #tpu.memory_space<hbm>>
    %dma_wait3A_143 = arith.constant 0 : i32
    %dma_wait3A_144 = arith.constant 0 : i32
    %dma_wait3A_145 = tpu.memref_slice %dma_wait3A_142[%dma_wait3A_143, %dma_wait3A_144] : memref<10000x64xf32, #tpu.memory_space<hbm>> -> memref<10000x64xf32, #tpu.memory_space<hbm>>
    tpu.wait_indirect_dma semaphore(%arg16 : memref<!tpu.dma_semaphore, #tpu.memory_space<semaphore_mem>>) src(%dma_wait3A_145 : memref<10000x64xf32, #tpu.memory_space<hbm>>) dst(%arg11 : memref<128x64xf32, #tpu.memory_space<vmem>>)
    %barrier3A_146 = arith.constant 0 : index
    tpu.barrier barrier_id(%barrier3A_146)
    %mul3A_147 = arith.constant 64 : i32
    %mul3A_148 = arith.muli %arg0, %mul3A_147 : i32
    "tpu.region"() ({
      %run_scoped3A = tpu.sem_alloc : memref<!tpu.dma_semaphore, #tpu.memory_space<semaphore_mem>>
      %dma_start3A_149 = tpu.memref_slice %arg5[%multiple_of3A, %mul3A_148] : memref<10000x128xf32, #tpu.memory_space<hbm>> -> memref<632x64xf32, #tpu.memory_space<hbm>>
      %dma_start3A_150 = arith.constant 0 : i32
      %dma_start3A_151 = tpu.memref_slice %arg12[%multiple_of3A, %dma_start3A_150] : memref<10000x64xf32, #tpu.memory_space<vmem_shared>> -> memref<632x64xf32, #tpu.memory_space<vmem_shared>>
      tpu.enqueue_dma source(%dma_start3A_151 : memref<632x64xf32, #tpu.memory_space<vmem_shared>>) target(%dma_start3A_149 : memref<632x64xf32, #tpu.memory_space<hbm>>) target_semaphore(%run_scoped3A : memref<!tpu.dma_semaphore, #tpu.memory_space<semaphore_mem>>)
      %dma_wait3A_152 = tpu.memref_slice %arg5[%multiple_of3A, %mul3A_148] : memref<10000x128xf32, #tpu.memory_space<hbm>> -> memref<632x64xf32, #tpu.memory_space<hbm>>
      %dma_wait3A_153 = arith.constant 0 : i32
      %dma_wait3A_154 = tpu.memref_slice %arg12[%multiple_of3A, %dma_wait3A_153] : memref<10000x64xf32, #tpu.memory_space<vmem_shared>> -> memref<632x64xf32, #tpu.memory_space<vmem_shared>>
      tpu.wait_dma2 semaphore(%run_scoped3A : memref<!tpu.dma_semaphore, #tpu.memory_space<semaphore_mem>>) src(%dma_wait3A_154 : memref<632x64xf32, #tpu.memory_space<vmem_shared>>) dst(%dma_wait3A_152 : memref<632x64xf32, #tpu.memory_space<hbm>>)
      tpu.yield
    }) : () -> ()
    return
  }
}

module attributes {stable_mosaic.version = 14 : i64} {
  func.func @_prep_body(%arg0: i32, %arg1: memref<2000x2xf32, #tpu.memory_space<vmem>>, %arg2: memref<2000x128xf32, #tpu.memory_space<vmem>>, %arg3: memref<2000x1xf32, #tpu.memory_space<vmem>>, %arg4: memref<2x2000x64xf32, #tpu.memory_space<vmem>>) attributes {dimension_semantics = [#tpu.dimension_semantics<arbitrary>], iteration_bounds = array<i64: 5>, scalar_prefetch = 0 : i64, scratch_operands = 0 : i64, tpu.core_type = #tpu.core_type<tc>, window_params = [{transform_indices = @transform_0, window_bounds = array<i64: 2000, 2>}, {transform_indices = @transform_1, window_bounds = array<i64: 2000, 128>}, {transform_indices = @transform_2, window_bounds = array<i64: 2000, 1>}, {transform_indices = @transform_3, window_bounds = array<i64: 2, 2000, 64>}]} {
    %get3A = arith.constant 0 : index
    %get3A_0 = arith.constant 0 : index
    %get3A_1 = vector.load %arg1[%get3A, %get3A_0] : memref<2000x2xf32, #tpu.memory_space<vmem>>, vector<2000x1xf32>
    %get3A_2 = arith.constant 0 : index
    %get3A_3 = arith.constant 1 : index
    %get3A_4 = vector.load %arg1[%get3A_2, %get3A_3] : memref<2000x2xf32, #tpu.memory_space<vmem>>, vector<2000x1xf32>
    %add3A = arith.addf %get3A_1, %get3A_4 : vector<2000x1xf32>
    %rsqrt3A = math.rsqrt %add3A : vector<2000x1xf32>
    %swap3A = arith.constant 0 : index
    %swap3A_5 = arith.constant 0 : index
    %swap3A_6 = vector.load %arg3[%swap3A, %swap3A_5] : memref<2000x1xf32, #tpu.memory_space<vmem>>, vector<2000x1xf32>
    tpu.vector_store %arg3[%swap3A, %swap3A_5], %rsqrt3A {strides = array<i32>} : memref<2000x1xf32, #tpu.memory_space<vmem>>, vector<2000x1xf32>,
    %get3A_7 = arith.constant 0 : index
    %get3A_8 = arith.constant 0 : index
    %get3A_9 = vector.load %arg2[%get3A_7, %get3A_8] : memref<2000x128xf32, #tpu.memory_space<vmem>>, vector<2000x128xf32>
    %mul3A = vector.broadcast %rsqrt3A : vector<2000x1xf32> to vector<2000x128xf32>
    %mul3A_10 = arith.mulf %get3A_9, %mul3A : vector<2000x128xf32>
    %slice3A = vector.extract_strided_slice %mul3A_10 {offsets = [0, 0], sizes = [2000, 64], strides = [1, 1]} : vector<2000x128xf32> to vector<2000x64xf32>
    %swap3A_11 = arith.constant 0 : index
    %swap3A_12 = arith.constant 0 : index
    %swap3A_13 = arith.constant 0 : index
    %swap3A_14 = vector.load %arg4[%swap3A_11, %swap3A_12, %swap3A_13] : memref<2x2000x64xf32, #tpu.memory_space<vmem>>, vector<1x2000x64xf32>
    %swap3A_15 = vector.shape_cast %swap3A_14 : vector<1x2000x64xf32> to vector<2000x64xf32>
    %swap3A_16 = vector.shape_cast %slice3A : vector<2000x64xf32> to vector<1x2000x64xf32>
    tpu.vector_store %arg4[%swap3A_11, %swap3A_12, %swap3A_13], %swap3A_16 {strides = array<i32>} : memref<2x2000x64xf32, #tpu.memory_space<vmem>>, vector<1x2000x64xf32>,
    %slice3A_17 = vector.extract_strided_slice %mul3A_10 {offsets = [0, 64], sizes = [2000, 64], strides = [1, 1]} : vector<2000x128xf32> to vector<2000x64xf32>
    %swap3A_18 = arith.constant 1 : index
    %swap3A_19 = arith.constant 0 : index
    %swap3A_20 = arith.constant 0 : index
    %swap3A_21 = vector.load %arg4[%swap3A_18, %swap3A_19, %swap3A_20] : memref<2x2000x64xf32, #tpu.memory_space<vmem>>, vector<1x2000x64xf32>
    %swap3A_22 = vector.shape_cast %swap3A_21 : vector<1x2000x64xf32> to vector<2000x64xf32>
    %swap3A_23 = vector.shape_cast %slice3A_17 : vector<2000x64xf32> to vector<1x2000x64xf32>
    tpu.vector_store %arg4[%swap3A_18, %swap3A_19, %swap3A_20], %swap3A_23 {strides = array<i32>} : memref<2x2000x64xf32, #tpu.memory_space<vmem>>, vector<1x2000x64xf32>,
    return
  }
  func.func @transform_0(%arg0: i32) -> (i32, i32) {
    %c0_i32 = arith.constant 0 : i32
    %c0_i32_0 = arith.constant 0 : i32
    return %arg0, %c0_i32 : i32, i32
  }
  func.func @transform_1(%arg0: i32) -> (i32, i32) {
    %c0_i32 = arith.constant 0 : i32
    %c0_i32_0 = arith.constant 0 : i32
    return %arg0, %c0_i32 : i32, i32
  }
  func.func @transform_2(%arg0: i32) -> (i32, i32) {
    %c0_i32 = arith.constant 0 : i32
    %c0_i32_0 = arith.constant 0 : i32
    return %arg0, %c0_i32 : i32, i32
  }
  func.func @transform_3(%arg0: i32) -> (i32, i32, i32) {
    %c0_i32 = arith.constant 0 : i32
    %c0_i32_0 = arith.constant 0 : i32
    %c0_i32_1 = arith.constant 0 : i32
    return %c0_i32, %arg0, %c0_i32_0 : i32, i32, i32
  }
}

module attributes {stable_mosaic.version = 14 : i64} {
  func.func @_mid_body(%arg0: i32, %arg1: memref<2000x128xf32, #tpu.memory_space<vmem>>, %arg2: memref<2000x1xf32, #tpu.memory_space<vmem>>, %arg3: memref<128x128xf32, #tpu.memory_space<vmem>>, %arg4: memref<1x128xf32, #tpu.memory_space<vmem>>, %arg5: memref<2x2000x64xf32, #tpu.memory_space<vmem>>) attributes {dimension_semantics = [#tpu.dimension_semantics<arbitrary>], iteration_bounds = array<i64: 5>, scalar_prefetch = 0 : i64, scratch_operands = 0 : i64, tpu.core_type = #tpu.core_type<tc>, window_params = [{transform_indices = @transform_0, window_bounds = array<i64: 2000, 128>}, {transform_indices = @transform_1, window_bounds = array<i64: 2000, 1>}, {pipeline_mode = #tpu.pipeline_mode<synchronous>, transform_indices = @transform_2, window_bounds = array<i64: 128, 128>}, {pipeline_mode = #tpu.pipeline_mode<synchronous>, transform_indices = @transform_3, window_bounds = array<i64: 1, 128>}, {transform_indices = @transform_4, window_bounds = array<i64: 2, 2000, 64>}]} {
    %get3A = arith.constant 0 : index
    %get3A_0 = arith.constant 0 : index
    %get3A_1 = vector.load %arg1[%get3A, %get3A_0] : memref<2000x128xf32, #tpu.memory_space<vmem>>, vector<2000x128xf32>
    %get3A_2 = arith.constant 0 : index
    %get3A_3 = arith.constant 0 : index
    %get3A_4 = vector.load %arg2[%get3A_2, %get3A_3] : memref<2000x1xf32, #tpu.memory_space<vmem>>, vector<2000x1xf32>
    %mul3A = vector.broadcast %get3A_4 : vector<2000x1xf32> to vector<2000x128xf32>
    %mul3A_5 = arith.mulf %get3A_1, %mul3A : vector<2000x128xf32>
    %get3A_6 = arith.constant 0 : index
    %get3A_7 = arith.constant 0 : index
    %get3A_8 = vector.load %arg3[%get3A_6, %get3A_7] : memref<128x128xf32, #tpu.memory_space<vmem>>, vector<128x128xf32>
    %dot_general3A = arith.constant dense<0.000000e+00> : vector<2000x128xf32>
    %dot_general3A_9 = tpu.matmul %mul3A_5, %get3A_8, %dot_general3A {dimension_numbers = #tpu.dot_dimension_numbers<[1], [0], [0], [1], [0, 0, 1, 1], [], []>, transpose_lhs_hint = false} : vector<2000x128xf32>, vector<128x128xf32>, vector<2000x128xf32> -> vector<2000x128xf32>
    %get3A_10 = arith.constant 0 : index
    %get3A_11 = arith.constant 0 : index
    %get3A_12 = vector.load %arg4[%get3A_10, %get3A_11] : memref<1x128xf32, #tpu.memory_space<vmem>>, vector<1x128xf32>
    %add3A = vector.broadcast %get3A_12 : vector<1x128xf32> to vector<2000x128xf32>
    %add3A_13 = arith.addf %dot_general3A_9, %add3A : vector<2000x128xf32>
    %max3A = arith.constant 0.000000e+00 : f32
    %max3A_14 = vector.broadcast %max3A : f32 to vector<2000x128xf32>
    %max3A_15 = arith.maximumf %add3A_13, %max3A_14 : vector<2000x128xf32>
    %get3A_16 = arith.constant 0 : index
    %get3A_17 = arith.constant 0 : index
    %get3A_18 = vector.load %arg2[%get3A_16, %get3A_17] : memref<2000x1xf32, #tpu.memory_space<vmem>>, vector<2000x1xf32>
    %mul3A_19 = vector.broadcast %get3A_18 : vector<2000x1xf32> to vector<2000x128xf32>
    %mul3A_20 = arith.mulf %max3A_15, %mul3A_19 : vector<2000x128xf32>
    %slice3A = vector.extract_strided_slice %mul3A_20 {offsets = [0, 0], sizes = [2000, 64], strides = [1, 1]} : vector<2000x128xf32> to vector<2000x64xf32>
    %swap3A = arith.constant 0 : index
    %swap3A_21 = arith.constant 0 : index
    %swap3A_22 = arith.constant 0 : index
    %swap3A_23 = vector.load %arg5[%swap3A, %swap3A_21, %swap3A_22] : memref<2x2000x64xf32, #tpu.memory_space<vmem>>, vector<1x2000x64xf32>
    %swap3A_24 = vector.shape_cast %swap3A_23 : vector<1x2000x64xf32> to vector<2000x64xf32>
    %swap3A_25 = vector.shape_cast %slice3A : vector<2000x64xf32> to vector<1x2000x64xf32>
    tpu.vector_store %arg5[%swap3A, %swap3A_21, %swap3A_22], %swap3A_25 {strides = array<i32>} : memref<2x2000x64xf32, #tpu.memory_space<vmem>>, vector<1x2000x64xf32>,
    %slice3A_26 = vector.extract_strided_slice %mul3A_20 {offsets = [0, 64], sizes = [2000, 64], strides = [1, 1]} : vector<2000x128xf32> to vector<2000x64xf32>
    %swap3A_27 = arith.constant 1 : index
    %swap3A_28 = arith.constant 0 : index
    %swap3A_29 = arith.constant 0 : index
    %swap3A_30 = vector.load %arg5[%swap3A_27, %swap3A_28, %swap3A_29] : memref<2x2000x64xf32, #tpu.memory_space<vmem>>, vector<1x2000x64xf32>
    %swap3A_31 = vector.shape_cast %swap3A_30 : vector<1x2000x64xf32> to vector<2000x64xf32>
    %swap3A_32 = vector.shape_cast %slice3A_26 : vector<2000x64xf32> to vector<1x2000x64xf32>
    tpu.vector_store %arg5[%swap3A_27, %swap3A_28, %swap3A_29], %swap3A_32 {strides = array<i32>} : memref<2x2000x64xf32, #tpu.memory_space<vmem>>, vector<1x2000x64xf32>,
    return
  }
  func.func @transform_0(%arg0: i32) -> (i32, i32) {
    %c0_i32 = arith.constant 0 : i32
    %c0_i32_0 = arith.constant 0 : i32
    return %arg0, %c0_i32 : i32, i32
  }
  func.func @transform_1(%arg0: i32) -> (i32, i32) {
    %c0_i32 = arith.constant 0 : i32
    %c0_i32_0 = arith.constant 0 : i32
    return %arg0, %c0_i32 : i32, i32
  }
  func.func @transform_2(%arg0: i32) -> (i32, i32) {
    %c0_i32 = arith.constant 0 : i32
    %c0_i32_0 = arith.constant 0 : i32
    %c0_i32_1 = arith.constant 0 : i32
    return %c0_i32, %c0_i32_0 : i32, i32
  }
  func.func @transform_3(%arg0: i32) -> (i32, i32) {
    %c0_i32 = arith.constant 0 : i32
    %c0_i32_0 = arith.constant 0 : i32
    %c0_i32_1 = arith.constant 0 : i32
    return %c0_i32, %c0_i32_0 : i32, i32
  }
  func.func @transform_4(%arg0: i32) -> (i32, i32, i32) {
    %c0_i32 = arith.constant 0 : i32
    %c0_i32_0 = arith.constant 0 : i32
    %c0_i32_1 = arith.constant 0 : i32
    return %c0_i32, %arg0, %c0_i32_0 : i32, i32, i32
  }
}

module attributes {stable_mosaic.version = 14 : i64} {
  func.func @_final_body(%arg0: i32, %arg1: memref<2000x128xf32, #tpu.memory_space<vmem>>, %arg2: memref<2000x1xf32, #tpu.memory_space<vmem>>, %arg3: memref<2000x1xi32, #tpu.memory_space<vmem>>, %arg4: memref<128x256xf32, #tpu.memory_space<vmem>>, %arg5: memref<1x256xf32, #tpu.memory_space<vmem>>, %arg6: memref<16x128xf32, #tpu.memory_space<vmem>>, %arg7: memref<256x1028xf32, #tpu.memory_space<vmem>>, %arg8: memref<1x1028xf32, #tpu.memory_space<vmem>>, %arg9: memref<1028x32xf32, #tpu.memory_space<vmem>>, %arg10: memref<1x32xf32, #tpu.memory_space<vmem>>, %arg11: memref<128x64xf32, #tpu.memory_space<vmem>>, %arg12: memref<1x64xf32, #tpu.memory_space<vmem>>, %arg13: memref<64x16xf32, #tpu.memory_space<vmem>>, %arg14: memref<1x16xf32, #tpu.memory_space<vmem>>, %arg15: memref<16x1xf32, #tpu.memory_space<vmem>>, %arg16: memref<1x1xf32, #tpu.memory_space<vmem>>, %arg17: memref<16x256xf32, #tpu.memory_space<vmem>>, %arg18: memref<16x33xf32, #tpu.memory_space<vmem>>) attributes {dimension_semantics = [#tpu.dimension_semantics<arbitrary>], iteration_bounds = array<i64: 5>, scalar_prefetch = 0 : i64, scratch_operands = 0 : i64, tpu.core_type = #tpu.core_type<tc>, window_params = [{transform_indices = @transform_0, window_bounds = array<i64: 2000, 128>}, {transform_indices = @transform_1, window_bounds = array<i64: 2000, 1>}, {transform_indices = @transform_2, window_bounds = array<i64: 2000, 1>}, {pipeline_mode = #tpu.pipeline_mode<synchronous>, transform_indices = @transform_3, window_bounds = array<i64: 128, 256>}, {pipeline_mode = #tpu.pipeline_mode<synchronous>, transform_indices = @transform_4, window_bounds = array<i64: 1, 256>}, {pipeline_mode = #tpu.pipeline_mode<synchronous>, transform_indices = @transform_5, window_bounds = array<i64: 16, 128>}, {pipeline_mode = #tpu.pipeline_mode<synchronous>, transform_indices = @transform_6, window_bounds = array<i64: 256, 1028>}, {pipeline_mode = #tpu.pipeline_mode<synchronous>, transform_indices = @transform_7, window_bounds = array<i64: 1, 1028>}, {pipeline_mode = #tpu.pipeline_mode<synchronous>, transform_indices = @transform_8, window_bounds = array<i64: 1028, 32>}, {pipeline_mode = #tpu.pipeline_mode<synchronous>, transform_indices = @transform_9, window_bounds = array<i64: 1, 32>}, {pipeline_mode = #tpu.pipeline_mode<synchronous>, transform_indices = @transform_10, window_bounds = array<i64: 128, 64>}, {pipeline_mode = #tpu.pipeline_mode<synchronous>, transform_indices = @transform_11, window_bounds = array<i64: 1, 64>}, {pipeline_mode = #tpu.pipeline_mode<synchronous>, transform_indices = @transform_12, window_bounds = array<i64: 64, 16>}, {pipeline_mode = #tpu.pipeline_mode<synchronous>, transform_indices = @transform_13, window_bounds = array<i64: 1, 16>}, {pipeline_mode = #tpu.pipeline_mode<synchronous>, transform_indices = @transform_14, window_bounds = array<i64: 16, 1>}, {pipeline_mode = #tpu.pipeline_mode<synchronous>, transform_indices = @transform_15, window_bounds = array<i64: 1, 1>}, {pipeline_mode = #tpu.pipeline_mode<synchronous>, transform_indices = @transform_16, window_bounds = array<i64: 16, 256>}, {pipeline_mode = #tpu.pipeline_mode<synchronous>, transform_indices = @transform_17, window_bounds = array<i64: 16, 33>}]} {
    %get3A = arith.constant 0 : index
    %get3A_0 = arith.constant 0 : index
    %get3A_1 = vector.load %arg1[%get3A, %get3A_0] : memref<2000x128xf32, #tpu.memory_space<vmem>>, vector<2000x128xf32>
    %get3A_2 = arith.constant 0 : index
    %get3A_3 = arith.constant 0 : index
    %get3A_4 = vector.load %arg2[%get3A_2, %get3A_3] : memref<2000x1xf32, #tpu.memory_space<vmem>>, vector<2000x1xf32>
    %mul3A = vector.broadcast %get3A_4 : vector<2000x1xf32> to vector<2000x128xf32>
    %mul3A_5 = arith.mulf %get3A_1, %mul3A : vector<2000x128xf32>
    %get3A_6 = arith.constant 0 : index
    %get3A_7 = arith.constant 0 : index
    %get3A_8 = vector.load %arg4[%get3A_6, %get3A_7] : memref<128x256xf32, #tpu.memory_space<vmem>>, vector<128x256xf32>
    %dot_general3A = arith.constant dense<0.000000e+00> : vector<2000x256xf32>
    %dot_general3A_9 = tpu.matmul %mul3A_5, %get3A_8, %dot_general3A {dimension_numbers = #tpu.dot_dimension_numbers<[1], [0], [0], [1], [0, 0, 1, 1], [], []>, transpose_lhs_hint = false} : vector<2000x128xf32>, vector<128x256xf32>, vector<2000x256xf32> -> vector<2000x256xf32>
    %get3A_10 = arith.constant 0 : index
    %get3A_11 = arith.constant 0 : index
    %get3A_12 = vector.load %arg5[%get3A_10, %get3A_11] : memref<1x256xf32, #tpu.memory_space<vmem>>, vector<1x256xf32>
    %add3A = vector.broadcast %get3A_12 : vector<1x256xf32> to vector<2000x256xf32>
    %add3A_13 = arith.addf %dot_general3A_9, %add3A : vector<2000x256xf32>
    %max3A = arith.constant 0.000000e+00 : f32
    %max3A_14 = vector.broadcast %max3A : f32 to vector<2000x256xf32>
    %max3A_15 = arith.maximumf %add3A_13, %max3A_14 : vector<2000x256xf32>
    %eq3A = arith.constant 0 : i32
    %eq3A_16 = arith.cmpi eq, %arg0, %eq3A : i32
    %convert_element_type3A = arith.extui %eq3A_16 : i1 to i32
    %cond3A = arith.constant 0xFF800000 : f32
    %cond3A_17 = arith.constant 0 : i32
    %cond3A_18 = arith.cmpi ne, %convert_element_type3A, %cond3A_17 : i32
    scf.if %cond3A_18 {
      %broadcast_in_dim3A_310 = vector.broadcast %cond3A : f32 to vector<16x256xf32>
      %swap3A_311 = arith.constant 0 : index
      %swap3A_312 = arith.constant 0 : index
      %swap3A_313 = vector.load %arg17[%swap3A_311, %swap3A_312] : memref<16x256xf32, #tpu.memory_space<vmem>>, vector<16x256xf32>
      tpu.vector_store %arg17[%swap3A_311, %swap3A_312], %broadcast_in_dim3A_310 {strides = array<i32>} : memref<16x256xf32, #tpu.memory_space<vmem>>, vector<16x256xf32>,
      %broadcast_in_dim3A_314 = arith.constant 0.000000e+00 : f32
      %broadcast_in_dim3A_315 = vector.broadcast %broadcast_in_dim3A_314 : f32 to vector<16x33xf32>
      %swap3A_316 = arith.constant 0 : index
      %swap3A_317 = arith.constant 0 : index
      %swap3A_318 = vector.load %arg18[%swap3A_316, %swap3A_317] : memref<16x33xf32, #tpu.memory_space<vmem>>, vector<16x33xf32>
      tpu.vector_store %arg18[%swap3A_316, %swap3A_317], %broadcast_in_dim3A_315 {strides = array<i32>} : memref<16x33xf32, #tpu.memory_space<vmem>>, vector<16x33xf32>,
    } else {
    }
    %get3A_19 = arith.constant 0 : index
    %get3A_20 = arith.constant 0 : index
    %get3A_21 = vector.load %arg3[%get3A_19, %get3A_20] : memref<2000x1xi32, #tpu.memory_space<vmem>>, vector<2000x1xi32>
    %eq3A_22 = arith.constant 0 : i32
    %eq3A_23 = vector.broadcast %eq3A_22 : i32 to vector<2000x1xi32>
    %eq3A_24 = arith.cmpi eq, %get3A_21, %eq3A_23 : vector<2000x1xi32>
    %jit3A = arith.constant 0xFF800000 : f32
    %broadcast_in_dim3A = vector.shape_cast %eq3A_24 : vector<2000x1xi1> to vector<2000x1xi1>
    %broadcast_in_dim3A_25 = vector.broadcast %broadcast_in_dim3A : vector<2000x1xi1> to vector<2000x256xi1>
    %broadcast_in_dim3A_26 = vector.broadcast %jit3A : f32 to vector<2000x256xf32>
    %select_n3A = arith.select %broadcast_in_dim3A_25, %max3A_15, %broadcast_in_dim3A_26 : vector<2000x256xi1>, vector<2000x256xf32>
    %reduce_max3A = arith.constant dense<0xFF800000> : vector<256xf32>
    %reduce_max3A_27 = vector.multi_reduction <maximumf>, %select_n3A, %reduce_max3A [0] : vector<2000x256xf32> to vector<256xf32>
    %broadcast_in_dim3A_28 = vector.shape_cast %reduce_max3A_27 : vector<256xf32> to vector<1x256xf32>
    %get3A_29 = arith.constant 0 : index
    %get3A_30 = arith.constant 0 : index
    %get3A_31 = vector.load %arg17[%get3A_29, %get3A_30] : memref<16x256xf32, #tpu.memory_space<vmem>>, vector<1x256xf32>
    %max3A_32 = arith.maximumf %get3A_31, %broadcast_in_dim3A_28 : vector<1x256xf32>
    %swap3A = arith.constant 0 : index
    %swap3A_33 = arith.constant 0 : index
    %swap3A_34 = vector.load %arg17[%swap3A, %swap3A_33] : memref<16x256xf32, #tpu.memory_space<vmem>>, vector<1x256xf32>
    tpu.vector_store %arg17[%swap3A, %swap3A_33], %max3A_32 {strides = array<i32>} : memref<16x256xf32, #tpu.memory_space<vmem>>, vector<1x256xf32>,
    %eq3A_35 = arith.constant 1 : i32
    %eq3A_36 = vector.broadcast %eq3A_35 : i32 to vector<2000x1xi32>
    %eq3A_37 = arith.cmpi eq, %get3A_21, %eq3A_36 : vector<2000x1xi32>
    %jit3A_38 = arith.constant 0xFF800000 : f32
    %broadcast_in_dim3A_39 = vector.shape_cast %eq3A_37 : vector<2000x1xi1> to vector<2000x1xi1>
    %broadcast_in_dim3A_40 = vector.broadcast %broadcast_in_dim3A_39 : vector<2000x1xi1> to vector<2000x256xi1>
    %broadcast_in_dim3A_41 = vector.broadcast %jit3A_38 : f32 to vector<2000x256xf32>
    %select_n3A_42 = arith.select %broadcast_in_dim3A_40, %max3A_15, %broadcast_in_dim3A_41 : vector<2000x256xi1>, vector<2000x256xf32>
    %reduce_max3A_43 = arith.constant dense<0xFF800000> : vector<256xf32>
    %reduce_max3A_44 = vector.multi_reduction <maximumf>, %select_n3A_42, %reduce_max3A_43 [0] : vector<2000x256xf32> to vector<256xf32>
    %broadcast_in_dim3A_45 = vector.shape_cast %reduce_max3A_44 : vector<256xf32> to vector<1x256xf32>
    %get3A_46 = arith.constant 1 : index
    %get3A_47 = arith.constant 0 : index
    %get3A_48 = vector.load %arg17[%get3A_46, %get3A_47] : memref<16x256xf32, #tpu.memory_space<vmem>>, vector<1x256xf32>
    %max3A_49 = arith.maximumf %get3A_48, %broadcast_in_dim3A_45 : vector<1x256xf32>
    %swap3A_50 = arith.constant 1 : index
    %swap3A_51 = arith.constant 0 : index
    %swap3A_52 = vector.load %arg17[%swap3A_50, %swap3A_51] : memref<16x256xf32, #tpu.memory_space<vmem>>, vector<1x256xf32>
    tpu.vector_store %arg17[%swap3A_50, %swap3A_51], %max3A_49 {strides = array<i32>} : memref<16x256xf32, #tpu.memory_space<vmem>>, vector<1x256xf32>,
    %eq3A_53 = arith.constant 2 : i32
    %eq3A_54 = vector.broadcast %eq3A_53 : i32 to vector<2000x1xi32>
    %eq3A_55 = arith.cmpi eq, %get3A_21, %eq3A_54 : vector<2000x1xi32>
    %jit3A_56 = arith.constant 0xFF800000 : f32
    %broadcast_in_dim3A_57 = vector.shape_cast %eq3A_55 : vector<2000x1xi1> to vector<2000x1xi1>
    %broadcast_in_dim3A_58 = vector.broadcast %broadcast_in_dim3A_57 : vector<2000x1xi1> to vector<2000x256xi1>
    %broadcast_in_dim3A_59 = vector.broadcast %jit3A_56 : f32 to vector<2000x256xf32>
    %select_n3A_60 = arith.select %broadcast_in_dim3A_58, %max3A_15, %broadcast_in_dim3A_59 : vector<2000x256xi1>, vector<2000x256xf32>
    %reduce_max3A_61 = arith.constant dense<0xFF800000> : vector<256xf32>
    %reduce_max3A_62 = vector.multi_reduction <maximumf>, %select_n3A_60, %reduce_max3A_61 [0] : vector<2000x256xf32> to vector<256xf32>
    %broadcast_in_dim3A_63 = vector.shape_cast %reduce_max3A_62 : vector<256xf32> to vector<1x256xf32>
    %get3A_64 = arith.constant 2 : index
    %get3A_65 = arith.constant 0 : index
    %get3A_66 = vector.load %arg17[%get3A_64, %get3A_65] : memref<16x256xf32, #tpu.memory_space<vmem>>, vector<1x256xf32>
    %max3A_67 = arith.maximumf %get3A_66, %broadcast_in_dim3A_63 : vector<1x256xf32>
    %swap3A_68 = arith.constant 2 : index
    %swap3A_69 = arith.constant 0 : index
    %swap3A_70 = vector.load %arg17[%swap3A_68, %swap3A_69] : memref<16x256xf32, #tpu.memory_space<vmem>>, vector<1x256xf32>
    tpu.vector_store %arg17[%swap3A_68, %swap3A_69], %max3A_67 {strides = array<i32>} : memref<16x256xf32, #tpu.memory_space<vmem>>, vector<1x256xf32>,
    %eq3A_71 = arith.constant 3 : i32
    %eq3A_72 = vector.broadcast %eq3A_71 : i32 to vector<2000x1xi32>
    %eq3A_73 = arith.cmpi eq, %get3A_21, %eq3A_72 : vector<2000x1xi32>
    %jit3A_74 = arith.constant 0xFF800000 : f32
    %broadcast_in_dim3A_75 = vector.shape_cast %eq3A_73 : vector<2000x1xi1> to vector<2000x1xi1>
    %broadcast_in_dim3A_76 = vector.broadcast %broadcast_in_dim3A_75 : vector<2000x1xi1> to vector<2000x256xi1>
    %broadcast_in_dim3A_77 = vector.broadcast %jit3A_74 : f32 to vector<2000x256xf32>
    %select_n3A_78 = arith.select %broadcast_in_dim3A_76, %max3A_15, %broadcast_in_dim3A_77 : vector<2000x256xi1>, vector<2000x256xf32>
    %reduce_max3A_79 = arith.constant dense<0xFF800000> : vector<256xf32>
    %reduce_max3A_80 = vector.multi_reduction <maximumf>, %select_n3A_78, %reduce_max3A_79 [0] : vector<2000x256xf32> to vector<256xf32>
    %broadcast_in_dim3A_81 = vector.shape_cast %reduce_max3A_80 : vector<256xf32> to vector<1x256xf32>
    %get3A_82 = arith.constant 3 : index
    %get3A_83 = arith.constant 0 : index
    %get3A_84 = vector.load %arg17[%get3A_82, %get3A_83] : memref<16x256xf32, #tpu.memory_space<vmem>>, vector<1x256xf32>
    %max3A_85 = arith.maximumf %get3A_84, %broadcast_in_dim3A_81 : vector<1x256xf32>
    %swap3A_86 = arith.constant 3 : index
    %swap3A_87 = arith.constant 0 : index
    %swap3A_88 = vector.load %arg17[%swap3A_86, %swap3A_87] : memref<16x256xf32, #tpu.memory_space<vmem>>, vector<1x256xf32>
    tpu.vector_store %arg17[%swap3A_86, %swap3A_87], %max3A_85 {strides = array<i32>} : memref<16x256xf32, #tpu.memory_space<vmem>>, vector<1x256xf32>,
    %eq3A_89 = arith.constant 4 : i32
    %eq3A_90 = vector.broadcast %eq3A_89 : i32 to vector<2000x1xi32>
    %eq3A_91 = arith.cmpi eq, %get3A_21, %eq3A_90 : vector<2000x1xi32>
    %jit3A_92 = arith.constant 0xFF800000 : f32
    %broadcast_in_dim3A_93 = vector.shape_cast %eq3A_91 : vector<2000x1xi1> to vector<2000x1xi1>
    %broadcast_in_dim3A_94 = vector.broadcast %broadcast_in_dim3A_93 : vector<2000x1xi1> to vector<2000x256xi1>
    %broadcast_in_dim3A_95 = vector.broadcast %jit3A_92 : f32 to vector<2000x256xf32>
    %select_n3A_96 = arith.select %broadcast_in_dim3A_94, %max3A_15, %broadcast_in_dim3A_95 : vector<2000x256xi1>, vector<2000x256xf32>
    %reduce_max3A_97 = arith.constant dense<0xFF800000> : vector<256xf32>
    %reduce_max3A_98 = vector.multi_reduction <maximumf>, %select_n3A_96, %reduce_max3A_97 [0] : vector<2000x256xf32> to vector<256xf32>
    %broadcast_in_dim3A_99 = vector.shape_cast %reduce_max3A_98 : vector<256xf32> to vector<1x256xf32>
    %get3A_100 = arith.constant 4 : index
    %get3A_101 = arith.constant 0 : index
    %get3A_102 = vector.load %arg17[%get3A_100, %get3A_101] : memref<16x256xf32, #tpu.memory_space<vmem>>, vector<1x256xf32>
    %max3A_103 = arith.maximumf %get3A_102, %broadcast_in_dim3A_99 : vector<1x256xf32>
    %swap3A_104 = arith.constant 4 : index
    %swap3A_105 = arith.constant 0 : index
    %swap3A_106 = vector.load %arg17[%swap3A_104, %swap3A_105] : memref<16x256xf32, #tpu.memory_space<vmem>>, vector<1x256xf32>
    tpu.vector_store %arg17[%swap3A_104, %swap3A_105], %max3A_103 {strides = array<i32>} : memref<16x256xf32, #tpu.memory_space<vmem>>, vector<1x256xf32>,
    %eq3A_107 = arith.constant 5 : i32
    %eq3A_108 = vector.broadcast %eq3A_107 : i32 to vector<2000x1xi32>
    %eq3A_109 = arith.cmpi eq, %get3A_21, %eq3A_108 : vector<2000x1xi32>
    %jit3A_110 = arith.constant 0xFF800000 : f32
    %broadcast_in_dim3A_111 = vector.shape_cast %eq3A_109 : vector<2000x1xi1> to vector<2000x1xi1>
    %broadcast_in_dim3A_112 = vector.broadcast %broadcast_in_dim3A_111 : vector<2000x1xi1> to vector<2000x256xi1>
    %broadcast_in_dim3A_113 = vector.broadcast %jit3A_110 : f32 to vector<2000x256xf32>
    %select_n3A_114 = arith.select %broadcast_in_dim3A_112, %max3A_15, %broadcast_in_dim3A_113 : vector<2000x256xi1>, vector<2000x256xf32>
    %reduce_max3A_115 = arith.constant dense<0xFF800000> : vector<256xf32>
    %reduce_max3A_116 = vector.multi_reduction <maximumf>, %select_n3A_114, %reduce_max3A_115 [0] : vector<2000x256xf32> to vector<256xf32>
    %broadcast_in_dim3A_117 = vector.shape_cast %reduce_max3A_116 : vector<256xf32> to vector<1x256xf32>
    %get3A_118 = arith.constant 5 : index
    %get3A_119 = arith.constant 0 : index
    %get3A_120 = vector.load %arg17[%get3A_118, %get3A_119] : memref<16x256xf32, #tpu.memory_space<vmem>>, vector<1x256xf32>
    %max3A_121 = arith.maximumf %get3A_120, %broadcast_in_dim3A_117 : vector<1x256xf32>
    %swap3A_122 = arith.constant 5 : index
    %swap3A_123 = arith.constant 0 : index
    %swap3A_124 = vector.load %arg17[%swap3A_122, %swap3A_123] : memref<16x256xf32, #tpu.memory_space<vmem>>, vector<1x256xf32>
    tpu.vector_store %arg17[%swap3A_122, %swap3A_123], %max3A_121 {strides = array<i32>} : memref<16x256xf32, #tpu.memory_space<vmem>>, vector<1x256xf32>,
    %eq3A_125 = arith.constant 6 : i32
    %eq3A_126 = vector.broadcast %eq3A_125 : i32 to vector<2000x1xi32>
    %eq3A_127 = arith.cmpi eq, %get3A_21, %eq3A_126 : vector<2000x1xi32>
    %jit3A_128 = arith.constant 0xFF800000 : f32
    %broadcast_in_dim3A_129 = vector.shape_cast %eq3A_127 : vector<2000x1xi1> to vector<2000x1xi1>
    %broadcast_in_dim3A_130 = vector.broadcast %broadcast_in_dim3A_129 : vector<2000x1xi1> to vector<2000x256xi1>
    %broadcast_in_dim3A_131 = vector.broadcast %jit3A_128 : f32 to vector<2000x256xf32>
    %select_n3A_132 = arith.select %broadcast_in_dim3A_130, %max3A_15, %broadcast_in_dim3A_131 : vector<2000x256xi1>, vector<2000x256xf32>
    %reduce_max3A_133 = arith.constant dense<0xFF800000> : vector<256xf32>
    %reduce_max3A_134 = vector.multi_reduction <maximumf>, %select_n3A_132, %reduce_max3A_133 [0] : vector<2000x256xf32> to vector<256xf32>
    %broadcast_in_dim3A_135 = vector.shape_cast %reduce_max3A_134 : vector<256xf32> to vector<1x256xf32>
    %get3A_136 = arith.constant 6 : index
    %get3A_137 = arith.constant 0 : index
    %get3A_138 = vector.load %arg17[%get3A_136, %get3A_137] : memref<16x256xf32, #tpu.memory_space<vmem>>, vector<1x256xf32>
    %max3A_139 = arith.maximumf %get3A_138, %broadcast_in_dim3A_135 : vector<1x256xf32>
    %swap3A_140 = arith.constant 6 : index
    %swap3A_141 = arith.constant 0 : index
    %swap3A_142 = vector.load %arg17[%swap3A_140, %swap3A_141] : memref<16x256xf32, #tpu.memory_space<vmem>>, vector<1x256xf32>
    tpu.vector_store %arg17[%swap3A_140, %swap3A_141], %max3A_139 {strides = array<i32>} : memref<16x256xf32, #tpu.memory_space<vmem>>, vector<1x256xf32>,
    %eq3A_143 = arith.constant 7 : i32
    %eq3A_144 = vector.broadcast %eq3A_143 : i32 to vector<2000x1xi32>
    %eq3A_145 = arith.cmpi eq, %get3A_21, %eq3A_144 : vector<2000x1xi32>
    %jit3A_146 = arith.constant 0xFF800000 : f32
    %broadcast_in_dim3A_147 = vector.shape_cast %eq3A_145 : vector<2000x1xi1> to vector<2000x1xi1>
    %broadcast_in_dim3A_148 = vector.broadcast %broadcast_in_dim3A_147 : vector<2000x1xi1> to vector<2000x256xi1>
    %broadcast_in_dim3A_149 = vector.broadcast %jit3A_146 : f32 to vector<2000x256xf32>
    %select_n3A_150 = arith.select %broadcast_in_dim3A_148, %max3A_15, %broadcast_in_dim3A_149 : vector<2000x256xi1>, vector<2000x256xf32>
    %reduce_max3A_151 = arith.constant dense<0xFF800000> : vector<256xf32>
    %reduce_max3A_152 = vector.multi_reduction <maximumf>, %select_n3A_150, %reduce_max3A_151 [0] : vector<2000x256xf32> to vector<256xf32>
    %broadcast_in_dim3A_153 = vector.shape_cast %reduce_max3A_152 : vector<256xf32> to vector<1x256xf32>
    %get3A_154 = arith.constant 7 : index
    %get3A_155 = arith.constant 0 : index
    %get3A_156 = vector.load %arg17[%get3A_154, %get3A_155] : memref<16x256xf32, #tpu.memory_space<vmem>>, vector<1x256xf32>
    %max3A_157 = arith.maximumf %get3A_156, %broadcast_in_dim3A_153 : vector<1x256xf32>
    %swap3A_158 = arith.constant 7 : index
    %swap3A_159 = arith.constant 0 : index
    %swap3A_160 = vector.load %arg17[%swap3A_158, %swap3A_159] : memref<16x256xf32, #tpu.memory_space<vmem>>, vector<1x256xf32>
    tpu.vector_store %arg17[%swap3A_158, %swap3A_159], %max3A_157 {strides = array<i32>} : memref<16x256xf32, #tpu.memory_space<vmem>>, vector<1x256xf32>,
    %eq3A_161 = arith.constant 8 : i32
    %eq3A_162 = vector.broadcast %eq3A_161 : i32 to vector<2000x1xi32>
    %eq3A_163 = arith.cmpi eq, %get3A_21, %eq3A_162 : vector<2000x1xi32>
    %jit3A_164 = arith.constant 0xFF800000 : f32
    %broadcast_in_dim3A_165 = vector.shape_cast %eq3A_163 : vector<2000x1xi1> to vector<2000x1xi1>
    %broadcast_in_dim3A_166 = vector.broadcast %broadcast_in_dim3A_165 : vector<2000x1xi1> to vector<2000x256xi1>
    %broadcast_in_dim3A_167 = vector.broadcast %jit3A_164 : f32 to vector<2000x256xf32>
    %select_n3A_168 = arith.select %broadcast_in_dim3A_166, %max3A_15, %broadcast_in_dim3A_167 : vector<2000x256xi1>, vector<2000x256xf32>
    %reduce_max3A_169 = arith.constant dense<0xFF800000> : vector<256xf32>
    %reduce_max3A_170 = vector.multi_reduction <maximumf>, %select_n3A_168, %reduce_max3A_169 [0] : vector<2000x256xf32> to vector<256xf32>
    %broadcast_in_dim3A_171 = vector.shape_cast %reduce_max3A_170 : vector<256xf32> to vector<1x256xf32>
    %get3A_172 = arith.constant 8 : index
    %get3A_173 = arith.constant 0 : index
    %get3A_174 = vector.load %arg17[%get3A_172, %get3A_173] : memref<16x256xf32, #tpu.memory_space<vmem>>, vector<1x256xf32>
    %max3A_175 = arith.maximumf %get3A_174, %broadcast_in_dim3A_171 : vector<1x256xf32>
    %swap3A_176 = arith.constant 8 : index
    %swap3A_177 = arith.constant 0 : index
    %swap3A_178 = vector.load %arg17[%swap3A_176, %swap3A_177] : memref<16x256xf32, #tpu.memory_space<vmem>>, vector<1x256xf32>
    tpu.vector_store %arg17[%swap3A_176, %swap3A_177], %max3A_175 {strides = array<i32>} : memref<16x256xf32, #tpu.memory_space<vmem>>, vector<1x256xf32>,
    %eq3A_179 = arith.constant 9 : i32
    %eq3A_180 = vector.broadcast %eq3A_179 : i32 to vector<2000x1xi32>
    %eq3A_181 = arith.cmpi eq, %get3A_21, %eq3A_180 : vector<2000x1xi32>
    %jit3A_182 = arith.constant 0xFF800000 : f32
    %broadcast_in_dim3A_183 = vector.shape_cast %eq3A_181 : vector<2000x1xi1> to vector<2000x1xi1>
    %broadcast_in_dim3A_184 = vector.broadcast %broadcast_in_dim3A_183 : vector<2000x1xi1> to vector<2000x256xi1>
    %broadcast_in_dim3A_185 = vector.broadcast %jit3A_182 : f32 to vector<2000x256xf32>
    %select_n3A_186 = arith.select %broadcast_in_dim3A_184, %max3A_15, %broadcast_in_dim3A_185 : vector<2000x256xi1>, vector<2000x256xf32>
    %reduce_max3A_187 = arith.constant dense<0xFF800000> : vector<256xf32>
    %reduce_max3A_188 = vector.multi_reduction <maximumf>, %select_n3A_186, %reduce_max3A_187 [0] : vector<2000x256xf32> to vector<256xf32>
    %broadcast_in_dim3A_189 = vector.shape_cast %reduce_max3A_188 : vector<256xf32> to vector<1x256xf32>
    %get3A_190 = arith.constant 9 : index
    %get3A_191 = arith.constant 0 : index
    %get3A_192 = vector.load %arg17[%get3A_190, %get3A_191] : memref<16x256xf32, #tpu.memory_space<vmem>>, vector<1x256xf32>
    %max3A_193 = arith.maximumf %get3A_192, %broadcast_in_dim3A_189 : vector<1x256xf32>
    %swap3A_194 = arith.constant 9 : index
    %swap3A_195 = arith.constant 0 : index
    %swap3A_196 = vector.load %arg17[%swap3A_194, %swap3A_195] : memref<16x256xf32, #tpu.memory_space<vmem>>, vector<1x256xf32>
    tpu.vector_store %arg17[%swap3A_194, %swap3A_195], %max3A_193 {strides = array<i32>} : memref<16x256xf32, #tpu.memory_space<vmem>>, vector<1x256xf32>,
    %eq3A_197 = arith.constant 10 : i32
    %eq3A_198 = vector.broadcast %eq3A_197 : i32 to vector<2000x1xi32>
    %eq3A_199 = arith.cmpi eq, %get3A_21, %eq3A_198 : vector<2000x1xi32>
    %jit3A_200 = arith.constant 0xFF800000 : f32
    %broadcast_in_dim3A_201 = vector.shape_cast %eq3A_199 : vector<2000x1xi1> to vector<2000x1xi1>
    %broadcast_in_dim3A_202 = vector.broadcast %broadcast_in_dim3A_201 : vector<2000x1xi1> to vector<2000x256xi1>
    %broadcast_in_dim3A_203 = vector.broadcast %jit3A_200 : f32 to vector<2000x256xf32>
    %select_n3A_204 = arith.select %broadcast_in_dim3A_202, %max3A_15, %broadcast_in_dim3A_203 : vector<2000x256xi1>, vector<2000x256xf32>
    %reduce_max3A_205 = arith.constant dense<0xFF800000> : vector<256xf32>
    %reduce_max3A_206 = vector.multi_reduction <maximumf>, %select_n3A_204, %reduce_max3A_205 [0] : vector<2000x256xf32> to vector<256xf32>
    %broadcast_in_dim3A_207 = vector.shape_cast %reduce_max3A_206 : vector<256xf32> to vector<1x256xf32>
    %get3A_208 = arith.constant 10 : index
    %get3A_209 = arith.constant 0 : index
    %get3A_210 = vector.load %arg17[%get3A_208, %get3A_209] : memref<16x256xf32, #tpu.memory_space<vmem>>, vector<1x256xf32>
    %max3A_211 = arith.maximumf %get3A_210, %broadcast_in_dim3A_207 : vector<1x256xf32>
    %swap3A_212 = arith.constant 10 : index
    %swap3A_213 = arith.constant 0 : index
    %swap3A_214 = vector.load %arg17[%swap3A_212, %swap3A_213] : memref<16x256xf32, #tpu.memory_space<vmem>>, vector<1x256xf32>
    tpu.vector_store %arg17[%swap3A_212, %swap3A_213], %max3A_211 {strides = array<i32>} : memref<16x256xf32, #tpu.memory_space<vmem>>, vector<1x256xf32>,
    %eq3A_215 = arith.constant 11 : i32
    %eq3A_216 = vector.broadcast %eq3A_215 : i32 to vector<2000x1xi32>
    %eq3A_217 = arith.cmpi eq, %get3A_21, %eq3A_216 : vector<2000x1xi32>
    %jit3A_218 = arith.constant 0xFF800000 : f32
    %broadcast_in_dim3A_219 = vector.shape_cast %eq3A_217 : vector<2000x1xi1> to vector<2000x1xi1>
    %broadcast_in_dim3A_220 = vector.broadcast %broadcast_in_dim3A_219 : vector<2000x1xi1> to vector<2000x256xi1>
    %broadcast_in_dim3A_221 = vector.broadcast %jit3A_218 : f32 to vector<2000x256xf32>
    %select_n3A_222 = arith.select %broadcast_in_dim3A_220, %max3A_15, %broadcast_in_dim3A_221 : vector<2000x256xi1>, vector<2000x256xf32>
    %reduce_max3A_223 = arith.constant dense<0xFF800000> : vector<256xf32>
    %reduce_max3A_224 = vector.multi_reduction <maximumf>, %select_n3A_222, %reduce_max3A_223 [0] : vector<2000x256xf32> to vector<256xf32>
    %broadcast_in_dim3A_225 = vector.shape_cast %reduce_max3A_224 : vector<256xf32> to vector<1x256xf32>
    %get3A_226 = arith.constant 11 : index
    %get3A_227 = arith.constant 0 : index
    %get3A_228 = vector.load %arg17[%get3A_226, %get3A_227] : memref<16x256xf32, #tpu.memory_space<vmem>>, vector<1x256xf32>
    %max3A_229 = arith.maximumf %get3A_228, %broadcast_in_dim3A_225 : vector<1x256xf32>
    %swap3A_230 = arith.constant 11 : index
    %swap3A_231 = arith.constant 0 : index
    %swap3A_232 = vector.load %arg17[%swap3A_230, %swap3A_231] : memref<16x256xf32, #tpu.memory_space<vmem>>, vector<1x256xf32>
    tpu.vector_store %arg17[%swap3A_230, %swap3A_231], %max3A_229 {strides = array<i32>} : memref<16x256xf32, #tpu.memory_space<vmem>>, vector<1x256xf32>,
    %eq3A_233 = arith.constant 12 : i32
    %eq3A_234 = vector.broadcast %eq3A_233 : i32 to vector<2000x1xi32>
    %eq3A_235 = arith.cmpi eq, %get3A_21, %eq3A_234 : vector<2000x1xi32>
    %jit3A_236 = arith.constant 0xFF800000 : f32
    %broadcast_in_dim3A_237 = vector.shape_cast %eq3A_235 : vector<2000x1xi1> to vector<2000x1xi1>
    %broadcast_in_dim3A_238 = vector.broadcast %broadcast_in_dim3A_237 : vector<2000x1xi1> to vector<2000x256xi1>
    %broadcast_in_dim3A_239 = vector.broadcast %jit3A_236 : f32 to vector<2000x256xf32>
    %select_n3A_240 = arith.select %broadcast_in_dim3A_238, %max3A_15, %broadcast_in_dim3A_239 : vector<2000x256xi1>, vector<2000x256xf32>
    %reduce_max3A_241 = arith.constant dense<0xFF800000> : vector<256xf32>
    %reduce_max3A_242 = vector.multi_reduction <maximumf>, %select_n3A_240, %reduce_max3A_241 [0] : vector<2000x256xf32> to vector<256xf32>
    %broadcast_in_dim3A_243 = vector.shape_cast %reduce_max3A_242 : vector<256xf32> to vector<1x256xf32>
    %get3A_244 = arith.constant 12 : index
    %get3A_245 = arith.constant 0 : index
    %get3A_246 = vector.load %arg17[%get3A_244, %get3A_245] : memref<16x256xf32, #tpu.memory_space<vmem>>, vector<1x256xf32>
    %max3A_247 = arith.maximumf %get3A_246, %broadcast_in_dim3A_243 : vector<1x256xf32>
    %swap3A_248 = arith.constant 12 : index
    %swap3A_249 = arith.constant 0 : index
    %swap3A_250 = vector.load %arg17[%swap3A_248, %swap3A_249] : memref<16x256xf32, #tpu.memory_space<vmem>>, vector<1x256xf32>
    tpu.vector_store %arg17[%swap3A_248, %swap3A_249], %max3A_247 {strides = array<i32>} : memref<16x256xf32, #tpu.memory_space<vmem>>, vector<1x256xf32>,
    %eq3A_251 = arith.constant 13 : i32
    %eq3A_252 = vector.broadcast %eq3A_251 : i32 to vector<2000x1xi32>
    %eq3A_253 = arith.cmpi eq, %get3A_21, %eq3A_252 : vector<2000x1xi32>
    %jit3A_254 = arith.constant 0xFF800000 : f32
    %broadcast_in_dim3A_255 = vector.shape_cast %eq3A_253 : vector<2000x1xi1> to vector<2000x1xi1>
    %broadcast_in_dim3A_256 = vector.broadcast %broadcast_in_dim3A_255 : vector<2000x1xi1> to vector<2000x256xi1>
    %broadcast_in_dim3A_257 = vector.broadcast %jit3A_254 : f32 to vector<2000x256xf32>
    %select_n3A_258 = arith.select %broadcast_in_dim3A_256, %max3A_15, %broadcast_in_dim3A_257 : vector<2000x256xi1>, vector<2000x256xf32>
    %reduce_max3A_259 = arith.constant dense<0xFF800000> : vector<256xf32>
    %reduce_max3A_260 = vector.multi_reduction <maximumf>, %select_n3A_258, %reduce_max3A_259 [0] : vector<2000x256xf32> to vector<256xf32>
    %broadcast_in_dim3A_261 = vector.shape_cast %reduce_max3A_260 : vector<256xf32> to vector<1x256xf32>
    %get3A_262 = arith.constant 13 : index
    %get3A_263 = arith.constant 0 : index
    %get3A_264 = vector.load %arg17[%get3A_262, %get3A_263] : memref<16x256xf32, #tpu.memory_space<vmem>>, vector<1x256xf32>
    %max3A_265 = arith.maximumf %get3A_264, %broadcast_in_dim3A_261 : vector<1x256xf32>
    %swap3A_266 = arith.constant 13 : index
    %swap3A_267 = arith.constant 0 : index
    %swap3A_268 = vector.load %arg17[%swap3A_266, %swap3A_267] : memref<16x256xf32, #tpu.memory_space<vmem>>, vector<1x256xf32>
    tpu.vector_store %arg17[%swap3A_266, %swap3A_267], %max3A_265 {strides = array<i32>} : memref<16x256xf32, #tpu.memory_space<vmem>>, vector<1x256xf32>,
    %eq3A_269 = arith.constant 14 : i32
    %eq3A_270 = vector.broadcast %eq3A_269 : i32 to vector<2000x1xi32>
    %eq3A_271 = arith.cmpi eq, %get3A_21, %eq3A_270 : vector<2000x1xi32>
    %jit3A_272 = arith.constant 0xFF800000 : f32
    %broadcast_in_dim3A_273 = vector.shape_cast %eq3A_271 : vector<2000x1xi1> to vector<2000x1xi1>
    %broadcast_in_dim3A_274 = vector.broadcast %broadcast_in_dim3A_273 : vector<2000x1xi1> to vector<2000x256xi1>
    %broadcast_in_dim3A_275 = vector.broadcast %jit3A_272 : f32 to vector<2000x256xf32>
    %select_n3A_276 = arith.select %broadcast_in_dim3A_274, %max3A_15, %broadcast_in_dim3A_275 : vector<2000x256xi1>, vector<2000x256xf32>
    %reduce_max3A_277 = arith.constant dense<0xFF800000> : vector<256xf32>
    %reduce_max3A_278 = vector.multi_reduction <maximumf>, %select_n3A_276, %reduce_max3A_277 [0] : vector<2000x256xf32> to vector<256xf32>
    %broadcast_in_dim3A_279 = vector.shape_cast %reduce_max3A_278 : vector<256xf32> to vector<1x256xf32>
    %get3A_280 = arith.constant 14 : index
    %get3A_281 = arith.constant 0 : index
    %get3A_282 = vector.load %arg17[%get3A_280, %get3A_281] : memref<16x256xf32, #tpu.memory_space<vmem>>, vector<1x256xf32>
    %max3A_283 = arith.maximumf %get3A_282, %broadcast_in_dim3A_279 : vector<1x256xf32>
    %swap3A_284 = arith.constant 14 : index
    %swap3A_285 = arith.constant 0 : index
    %swap3A_286 = vector.load %arg17[%swap3A_284, %swap3A_285] : memref<16x256xf32, #tpu.memory_space<vmem>>, vector<1x256xf32>
    tpu.vector_store %arg17[%swap3A_284, %swap3A_285], %max3A_283 {strides = array<i32>} : memref<16x256xf32, #tpu.memory_space<vmem>>, vector<1x256xf32>,
    %eq3A_287 = arith.constant 15 : i32
    %eq3A_288 = vector.broadcast %eq3A_287 : i32 to vector<2000x1xi32>
    %eq3A_289 = arith.cmpi eq, %get3A_21, %eq3A_288 : vector<2000x1xi32>
    %jit3A_290 = arith.constant 0xFF800000 : f32
    %broadcast_in_dim3A_291 = vector.shape_cast %eq3A_289 : vector<2000x1xi1> to vector<2000x1xi1>
    %broadcast_in_dim3A_292 = vector.broadcast %broadcast_in_dim3A_291 : vector<2000x1xi1> to vector<2000x256xi1>
    %broadcast_in_dim3A_293 = vector.broadcast %jit3A_290 : f32 to vector<2000x256xf32>
    %select_n3A_294 = arith.select %broadcast_in_dim3A_292, %max3A_15, %broadcast_in_dim3A_293 : vector<2000x256xi1>, vector<2000x256xf32>
    %reduce_max3A_295 = arith.constant dense<0xFF800000> : vector<256xf32>
    %reduce_max3A_296 = vector.multi_reduction <maximumf>, %select_n3A_294, %reduce_max3A_295 [0] : vector<2000x256xf32> to vector<256xf32>
    %broadcast_in_dim3A_297 = vector.shape_cast %reduce_max3A_296 : vector<256xf32> to vector<1x256xf32>
    %get3A_298 = arith.constant 15 : index
    %get3A_299 = arith.constant 0 : index
    %get3A_300 = vector.load %arg17[%get3A_298, %get3A_299] : memref<16x256xf32, #tpu.memory_space<vmem>>, vector<1x256xf32>
    %max3A_301 = arith.maximumf %get3A_300, %broadcast_in_dim3A_297 : vector<1x256xf32>
    %swap3A_302 = arith.constant 15 : index
    %swap3A_303 = arith.constant 0 : index
    %swap3A_304 = vector.load %arg17[%swap3A_302, %swap3A_303] : memref<16x256xf32, #tpu.memory_space<vmem>>, vector<1x256xf32>
    tpu.vector_store %arg17[%swap3A_302, %swap3A_303], %max3A_301 {strides = array<i32>} : memref<16x256xf32, #tpu.memory_space<vmem>>, vector<1x256xf32>,
    %eq3A_305 = arith.constant 4 : i32
    %eq3A_306 = arith.cmpi eq, %arg0, %eq3A_305 : i32
    %convert_element_type3A_307 = arith.extui %eq3A_306 : i1 to i32
    %cond3A_308 = arith.constant 0 : i32
    %cond3A_309 = arith.cmpi ne, %convert_element_type3A_307, %cond3A_308 : i32
    scf.if %cond3A_309 {
      %get3A_310 = arith.constant 0 : index
      %get3A_311 = arith.constant 0 : index
      %get3A_312 = vector.load %arg17[%get3A_310, %get3A_311] : memref<16x256xf32, #tpu.memory_space<vmem>>, vector<16x256xf32>
      %get3A_313 = arith.constant 0 : index
      %get3A_314 = arith.constant 0 : index
      %get3A_315 = vector.load %arg7[%get3A_313, %get3A_314] : memref<256x1028xf32, #tpu.memory_space<vmem>>, vector<256x1028xf32>
      %dot_general3A_316 = arith.constant dense<0.000000e+00> : vector<16x1028xf32>
      %dot_general3A_317 = tpu.matmul %get3A_312, %get3A_315, %dot_general3A_316 {dimension_numbers = #tpu.dot_dimension_numbers<[1], [0], [0], [1], [0, 0, 1, 1], [], []>, transpose_lhs_hint = false} : vector<16x256xf32>, vector<256x1028xf32>, vector<16x1028xf32> -> vector<16x1028xf32>
      %get3A_318 = arith.constant 0 : index
      %get3A_319 = arith.constant 0 : index
      %get3A_320 = vector.load %arg8[%get3A_318, %get3A_319] : memref<1x1028xf32, #tpu.memory_space<vmem>>, vector<1x1028xf32>
      %add3A_321 = vector.broadcast %get3A_320 : vector<1x1028xf32> to vector<16x1028xf32>
      %add3A_322 = arith.addf %dot_general3A_317, %add3A_321 : vector<16x1028xf32>
      %max3A_323 = arith.constant 0.000000e+00 : f32
      %max3A_324 = vector.broadcast %max3A_323 : f32 to vector<16x1028xf32>
      %max3A_325 = arith.maximumf %add3A_322, %max3A_324 : vector<16x1028xf32>
      %get3A_326 = arith.constant 0 : index
      %get3A_327 = arith.constant 0 : index
      %get3A_328 = vector.load %arg9[%get3A_326, %get3A_327] : memref<1028x32xf32, #tpu.memory_space<vmem>>, vector<1028x32xf32>
      %dot_general3A_329 = arith.constant dense<0.000000e+00> : vector<16x32xf32>
      %dot_general3A_330 = tpu.matmul %max3A_325, %get3A_328, %dot_general3A_329 {dimension_numbers = #tpu.dot_dimension_numbers<[1], [0], [0], [1], [0, 0, 1, 1], [], []>, transpose_lhs_hint = false} : vector<16x1028xf32>, vector<1028x32xf32>, vector<16x32xf32> -> vector<16x32xf32>
      %get3A_331 = arith.constant 0 : index
      %get3A_332 = arith.constant 0 : index
      %get3A_333 = vector.load %arg10[%get3A_331, %get3A_332] : memref<1x32xf32, #tpu.memory_space<vmem>>, vector<1x32xf32>
      %add3A_334 = vector.broadcast %get3A_333 : vector<1x32xf32> to vector<16x32xf32>
      %add3A_335 = arith.addf %dot_general3A_330, %add3A_334 : vector<16x32xf32>
      %get3A_336 = arith.constant 0 : index
      %get3A_337 = arith.constant 0 : index
      %get3A_338 = vector.load %arg6[%get3A_336, %get3A_337] : memref<16x128xf32, #tpu.memory_space<vmem>>, vector<16x128xf32>
      %get3A_339 = arith.constant 0 : index
      %get3A_340 = arith.constant 0 : index
      %get3A_341 = vector.load %arg11[%get3A_339, %get3A_340] : memref<128x64xf32, #tpu.memory_space<vmem>>, vector<128x64xf32>
      %dot_general3A_342 = arith.constant dense<0.000000e+00> : vector<16x64xf32>
      %dot_general3A_343 = tpu.matmul %get3A_338, %get3A_341, %dot_general3A_342 {dimension_numbers = #tpu.dot_dimension_numbers<[1], [0], [0], [1], [0, 0, 1, 1], [], []>, transpose_lhs_hint = false} : vector<16x128xf32>, vector<128x64xf32>, vector<16x64xf32> -> vector<16x64xf32>
      %get3A_344 = arith.constant 0 : index
      %get3A_345 = arith.constant 0 : index
      %get3A_346 = vector.load %arg12[%get3A_344, %get3A_345] : memref<1x64xf32, #tpu.memory_space<vmem>>, vector<1x64xf32>
      %add3A_347 = vector.broadcast %get3A_346 : vector<1x64xf32> to vector<16x64xf32>
      %add3A_348 = arith.addf %dot_general3A_343, %add3A_347 : vector<16x64xf32>
      %max3A_349 = arith.constant 0.000000e+00 : f32
      %max3A_350 = vector.broadcast %max3A_349 : f32 to vector<16x64xf32>
      %max3A_351 = arith.maximumf %add3A_348, %max3A_350 : vector<16x64xf32>
      %get3A_352 = arith.constant 0 : index
      %get3A_353 = arith.constant 0 : index
      %get3A_354 = vector.load %arg13[%get3A_352, %get3A_353] : memref<64x16xf32, #tpu.memory_space<vmem>>, vector<64x16xf32>
      %dot_general3A_355 = arith.constant dense<0.000000e+00> : vector<16x16xf32>
      %dot_general3A_356 = tpu.matmul %max3A_351, %get3A_354, %dot_general3A_355 {dimension_numbers = #tpu.dot_dimension_numbers<[1], [0], [0], [1], [0, 0, 1, 1], [], []>, transpose_lhs_hint = false} : vector<16x64xf32>, vector<64x16xf32>, vector<16x16xf32> -> vector<16x16xf32>
      %get3A_357 = arith.constant 0 : index
      %get3A_358 = arith.constant 0 : index
      %get3A_359 = vector.load %arg14[%get3A_357, %get3A_358] : memref<1x16xf32, #tpu.memory_space<vmem>>, vector<1x16xf32>
      %add3A_360 = vector.broadcast %get3A_359 : vector<1x16xf32> to vector<16x16xf32>
      %add3A_361 = arith.addf %dot_general3A_356, %add3A_360 : vector<16x16xf32>
      %max3A_362 = arith.constant 0.000000e+00 : f32
      %max3A_363 = vector.broadcast %max3A_362 : f32 to vector<16x16xf32>
      %max3A_364 = arith.maximumf %add3A_361, %max3A_363 : vector<16x16xf32>
      %get3A_365 = arith.constant 0 : index
      %get3A_366 = arith.constant 0 : index
      %get3A_367 = vector.load %arg15[%get3A_365, %get3A_366] : memref<16x1xf32, #tpu.memory_space<vmem>>, vector<16x1xf32>
      %dot_general3A_368 = arith.constant dense<0.000000e+00> : vector<16x1xf32>
      %dot_general3A_369 = tpu.matmul %max3A_364, %get3A_367, %dot_general3A_368 {dimension_numbers = #tpu.dot_dimension_numbers<[1], [0], [0], [1], [0, 0, 1, 1], [], []>, transpose_lhs_hint = false} : vector<16x16xf32>, vector<16x1xf32>, vector<16x1xf32> -> vector<16x1xf32>
      %get3A_370 = arith.constant 0 : index
      %get3A_371 = arith.constant 0 : index
      %get3A_372 = vector.load %arg16[%get3A_370, %get3A_371] : memref<1x1xf32, #tpu.memory_space<vmem>>, vector<1x1xf32>
      %add3A_373 = vector.broadcast %get3A_372 : vector<1x1xf32> to vector<16x1xf32>
      %add3A_374 = arith.addf %dot_general3A_369, %add3A_373 : vector<16x1xf32>
      %max3A_375 = arith.constant 0.000000e+00 : f32
      %max3A_376 = vector.broadcast %max3A_375 : f32 to vector<16x1xf32>
      %max3A_377 = arith.maximumf %add3A_374, %max3A_376 : vector<16x1xf32>
      %swap3A_378 = arith.constant 0 : index
      %swap3A_379 = arith.constant 0 : index
      %swap3A_380 = vector.load %arg18[%swap3A_378, %swap3A_379] : memref<16x33xf32, #tpu.memory_space<vmem>>, vector<16x32xf32>
      tpu.vector_store %arg18[%swap3A_378, %swap3A_379], %add3A_335 {strides = array<i32>} : memref<16x33xf32, #tpu.memory_space<vmem>>, vector<16x32xf32>,
      %swap3A_381 = arith.constant 0 : index
      %swap3A_382 = arith.constant 32 : index
      %swap3A_383 = vector.load %arg18[%swap3A_381, %swap3A_382] : memref<16x33xf32, #tpu.memory_space<vmem>>, vector<16x1xf32>
      tpu.vector_store %arg18[%swap3A_381, %swap3A_382], %max3A_377 {strides = array<i32>} : memref<16x33xf32, #tpu.memory_space<vmem>>, vector<16x1xf32>,
    } else {
    }
    return
  }
  func.func @transform_0(%arg0: i32) -> (i32, i32) {
    %c0_i32 = arith.constant 0 : i32
    %c0_i32_0 = arith.constant 0 : i32
    return %arg0, %c0_i32 : i32, i32
  }
  func.func @transform_1(%arg0: i32) -> (i32, i32) {
    %c0_i32 = arith.constant 0 : i32
    %c0_i32_0 = arith.constant 0 : i32
    return %arg0, %c0_i32 : i32, i32
  }
  func.func @transform_2(%arg0: i32) -> (i32, i32) {
    %c0_i32 = arith.constant 0 : i32
    %c0_i32_0 = arith.constant 0 : i32
    return %arg0, %c0_i32 : i32, i32
  }
  func.func @transform_3(%arg0: i32) -> (i32, i32) {
    %c0_i32 = arith.constant 0 : i32
    %c0_i32_0 = arith.constant 0 : i32
    %c0_i32_1 = arith.constant 0 : i32
    return %c0_i32, %c0_i32_0 : i32, i32
  }
  func.func @transform_4(%arg0: i32) -> (i32, i32) {
    %c0_i32 = arith.constant 0 : i32
    %c0_i32_0 = arith.constant 0 : i32
    %c0_i32_1 = arith.constant 0 : i32
    return %c0_i32, %c0_i32_0 : i32, i32
  }
  func.func @transform_5(%arg0: i32) -> (i32, i32) {
    %c0_i32 = arith.constant 0 : i32
    %c0_i32_0 = arith.constant 0 : i32
    %c0_i32_1 = arith.constant 0 : i32
    return %c0_i32, %c0_i32_0 : i32, i32
  }
  func.func @transform_6(%arg0: i32) -> (i32, i32) {
    %c0_i32 = arith.constant 0 : i32
    %c0_i32_0 = arith.constant 0 : i32
    %c0_i32_1 = arith.constant 0 : i32
    return %c0_i32, %c0_i32_0 : i32, i32
  }
  func.func @transform_7(%arg0: i32) -> (i32, i32) {
    %c0_i32 = arith.constant 0 : i32
    %c0_i32_0 = arith.constant 0 : i32
    %c0_i32_1 = arith.constant 0 : i32
    return %c0_i32, %c0_i32_0 : i32, i32
  }
  func.func @transform_8(%arg0: i32) -> (i32, i32) {
    %c0_i32 = arith.constant 0 : i32
    %c0_i32_0 = arith.constant 0 : i32
    %c0_i32_1 = arith.constant 0 : i32
    return %c0_i32, %c0_i32_0 : i32, i32
  }
  func.func @transform_9(%arg0: i32) -> (i32, i32) {
    %c0_i32 = arith.constant 0 : i32
    %c0_i32_0 = arith.constant 0 : i32
    %c0_i32_1 = arith.constant 0 : i32
    return %c0_i32, %c0_i32_0 : i32, i32
  }
  func.func @transform_10(%arg0: i32) -> (i32, i32) {
    %c0_i32 = arith.constant 0 : i32
    %c0_i32_0 = arith.constant 0 : i32
    %c0_i32_1 = arith.constant 0 : i32
    return %c0_i32, %c0_i32_0 : i32, i32
  }
  func.func @transform_11(%arg0: i32) -> (i32, i32) {
    %c0_i32 = arith.constant 0 : i32
    %c0_i32_0 = arith.constant 0 : i32
    %c0_i32_1 = arith.constant 0 : i32
    return %c0_i32, %c0_i32_0 : i32, i32
  }
  func.func @transform_12(%arg0: i32) -> (i32, i32) {
    %c0_i32 = arith.constant 0 : i32
    %c0_i32_0 = arith.constant 0 : i32
    %c0_i32_1 = arith.constant 0 : i32
    return %c0_i32, %c0_i32_0 : i32, i32
  }
  func.func @transform_13(%arg0: i32) -> (i32, i32) {
    %c0_i32 = arith.constant 0 : i32
    %c0_i32_0 = arith.constant 0 : i32
    %c0_i32_1 = arith.constant 0 : i32
    return %c0_i32, %c0_i32_0 : i32, i32
  }
  func.func @transform_14(%arg0: i32) -> (i32, i32) {
    %c0_i32 = arith.constant 0 : i32
    %c0_i32_0 = arith.constant 0 : i32
    %c0_i32_1 = arith.constant 0 : i32
    return %c0_i32, %c0_i32_0 : i32, i32
  }
  func.func @transform_15(%arg0: i32) -> (i32, i32) {
    %c0_i32 = arith.constant 0 : i32
    %c0_i32_0 = arith.constant 0 : i32
    %c0_i32_1 = arith.constant 0 : i32
    return %c0_i32, %c0_i32_0 : i32, i32
  }
  func.func @transform_16(%arg0: i32) -> (i32, i32) {
    %c0_i32 = arith.constant 0 : i32
    %c0_i32_0 = arith.constant 0 : i32
    %c0_i32_1 = arith.constant 0 : i32
    return %c0_i32, %c0_i32_0 : i32, i32
  }
  func.func @transform_17(%arg0: i32) -> (i32, i32) {
    %c0_i32 = arith.constant 0 : i32
    %c0_i32_0 = arith.constant 0 : i32
    %c0_i32_1 = arith.constant 0 : i32
    return %c0_i32, %c0_i32_0 : i32, i32
  }
}

</mosaic_0001>

<sc_bundles>
// kernel: kernel.11.cloned.1.call-start
scs
__scs_entry_jumppad:
0x0: {  	(pc) =	sbr.rel $0x88, $3  }
0x1: {  	(tag) =	ssettag $0x0;
	lr =	simm.s32 $0x1  }
0x2: {  	[smem:$0x3F8F] =	sst lr;
	_ =	strace $0xD0000000  }
0x3: {  	_ = 	snop  }
0x4: {  	_ = 	snop  }
0x5: {  	_ = 	snop  }
0x6: {  	_ = 	snop  }
0x7: {  	_ = 	snop  }
__scs_overlays_trampoline_lowered:
0x8: {  	[smem:$0x3F9E] =	sst s0  }
0x9: {  	[smem:$0x3F9F] =	sst s1  }
0xa: {  	[smem:$0x3FA0] =	sst s2  }
0xb: {  	[smem:$0x3FA1] =	sst s3  }
0xc: {  	[smem:$0x3FA2] =	sst s4  }
0xd: {  	[smem:$0x3FA3] =	sst s5  }
0xe: {  	[smem:$0x3FA4] =	sst s6  }
0xf: {  	[smem:$0x3FA5] =	sst s7  }
0x10: {  	[smem:$0x3FA6] =	sst s8  }
0x11: {  	[smem:$0x3FA7] =	sst s9;
	s0 =	simm.s32 @!p0 $0x0  }
0x12: {  	s1 =	sld [smem:$0x3F8D];
	s0 =	simm.s32 @p0 $0x1  }
0x13: {  	[smem:$0x3FA8] =	sst s0;
	s0 =	simm.s32 @!p1 $0x0  }
0x14: {  	s2 =	sld [smem:$0x3F8C];
	s0 =	simm.s32 @p1 $0x1  }
0x15: {  	[smem:$0x3FA9] =	sst s0;
	s0 =	simm.s32 @!p2 $0x0  }
0x16: {  	s3 =	sld [smem:$0x3FDB];
	s0 =	simm.s32 @p2 $0x1  }
0x17: {  	s4 =	simm.s32 $0x1BF5;
	[smem:$0x3FAB] =	sst s0  }
0x18: {  	s0 =	sld [smem:$0x3F8E];
	_ =	swait.ge [sflag:s4], $0x0  }
0x19: {  	s7 =	sld [smem:$0x3F8F]  }
0x1a: {  	s8 =	sadd.s32 $0xFFFFE003, lr  }
0x1b: {  	s9 =	sadd.s32 $0xFFFFFEF7, lr;
	s5 =	simm.s32 $0xFFFFFFFF;
	p2 =	slt.u32 s8, $0xFFFFF086  }
0x1c: {  	p1 =	slt.u32 s9, $0xF7A;
	s5 =	simm.s32 @!p2 $0x0  }
0x1d: {  	s5 =	simm.s32 @p1 $0x1;
	p0 =	seq.s32 s7, s2  }
0x1e: {  	s7 =	smul.u32 @!p0 $0xF7A, s2;
	p2 =	seq.s32 @!p0 s5, $0x0  }
0x1f: {  	s9 =	smul.u32 $0xF7A, s1;
	s8 =	simm.s32 @!p0 $0x1BF5;
	p2 =	por !p2, p0  }
0x20: {  	[sflag:s8] =	ssyncset.s32 @!p0 $0xFFFFF086;
	s6 =	sadd.s32 @!p0 s3, s7;
	s7 =	simm.s32 @!p0 $0x108  }
0x21: {  	s3 =	sadd.s32 s3, s9;
	s6 =	sadd.s32 @!p0 $0x88, s6;
	s7 =	simm.s32 @p2 $0x1082  }
0x22: {  	[simem:s7], [sflag:s8] =	dma.local @!p0 [hbm:s6], $0xF7A  }
0x23: {  	s9 =	sor.u32 $0xD0000000, s2;
	s6 =	simm.s32 $0x108;
	_ =	swait.ge @!p0 [sflag:s8], $0x0  }
0x24: {  	s3 =	sadd.s32 $0x88, s3;
	s6 =	simm.s32 @!p1 $0x1082;
	[sflag:s4] =	ssyncset.s32 $0xFFFFF086  }
0x25: {  	[simem:s6], [sflag:s4] =	dma.local [hbm:s3], $0xF7A  }
0x26: {  	[smem:$0x3F8F] =	sst s1;
	(tag) =	ssettag s2;
	_ =	strace s9  }
0x27: {  	s1 =	sld [smem:$0x3F9F]  }
0x28: {  	s2 =	sld [smem:$0x3FA0]  }
0x29: {  	s4 =	sld [smem:$0x3FA2]  }
0x2a: {  	p0 =	seq.s32 s5, $0x0;
	s5 =	sld [smem:$0x3FA3]  }
0x2b: {  	s6 =	sld [smem:$0x3FA4]  }
0x2c: {  	s7 =	sld [smem:$0x3FA5]  }
0x2d: {  	s3 =	simm.s32 $0x108;
	s8 =	sld [smem:$0x3FA6]  }
0x2e: {  	s3 =	simm.s32 @!p0 $0x1082;
	s9 =	sld [smem:$0x3FA7]  }
0x2f: {  	lr =	sadd.s32 s0, s3;
	s0 =	sld [smem:$0x3F9E]  }
0x30: {  	s3 =	sld [smem:$0x3FA1]  }
0x31: {  	[smem:$0x3FAA] =	sst s10  }
0x32: {  	s10 =	sld [smem:$0x3FA8];
	_ =	sdelay $0x3  }
0x33: {  	p0 =	seq.s32 s10, $0x1;
	s10 =	sld [smem:$0x3FAA];
	_ =	sdelay $0x3  }
0x34: {  	[smem:$0x3FAA] =	sst s10  }
0x35: {  	s10 =	sld [smem:$0x3FA9];
	_ =	sdelay $0x3  }
0x36: {  	p1 =	seq.s32 s10, $0x1;
	s10 =	sld [smem:$0x3FAA];
	_ =	sdelay $0x3  }
0x37: {  	[smem:$0x3FAA] =	sst s10  }
0x38: {  	s10 =	sld [smem:$0x3FAB]  }
0x39: {  	_ = 	snop;
	(pc) =	sbr.ind lr, $3  }
0x3a: {  	_ = 	snop  }
0x3b: {  	_ = 	snop  }
0x3c: {  	p2 =	seq.s32 s10, $0x1;
	s10 =	sld [smem:$0x3FAA]  }
0x3d: {  	_ =	shalt  }
0x3e: {  	_ =	shalt  }
0x3f: {  	_ =	shalt  }
0x40: {  	_ =	shalt  }
0x41: {  	_ =	shalt  }
0x42: {  	_ =	shalt  }
0x43: {  	_ =	shalt  }
0x44: {  	_ =	shalt  }
0x45: {  	_ =	shalt  }
0x46: {  	_ =	shalt  }
0x47: {  	_ =	shalt  }
0x48: {  	_ =	shalt  }
0x49: {  	_ =	shalt  }
0x4a: {  	_ =	shalt  }
0x4b: {  	_ =	shalt  }
0x4c: {  	_ =	shalt  }
0x4d: {  	_ =	shalt  }
0x4e: {  	_ =	shalt  }
0x4f: {  	_ =	shalt  }
0x50: {  	_ =	shalt  }
0x51: {  	_ =	shalt  }
0x52: {  	_ =	shalt  }
0x53: {  	_ =	shalt  }
0x54: {  	_ =	shalt  }
0x55: {  	_ =	shalt  }
0x56: {  	_ =	shalt  }
0x57: {  	_ =	shalt  }
0x58: {  	_ =	shalt  }
0x59: {  	_ =	shalt  }
0x5a: {  	_ =	shalt  }
0x5b: {  	_ =	shalt  }
0x5c: {  	_ =	shalt  }
0x5d: {  	_ =	shalt  }
0x5e: {  	_ =	shalt  }
0x5f: {  	_ =	shalt  }
0x60: {  	_ =	shalt  }
0x61: {  	_ =	shalt  }
0x62: {  	_ =	shalt  }
0x63: {  	_ =	shalt  }
0x64: {  	_ =	shalt  }
0x65: {  	_ =	shalt  }
0x66: {  	_ =	shalt  }
0x67: {  	_ =	shalt  }
0x68: {  	_ =	shalt  }
0x69: {  	_ =	shalt  }
0x6a: {  	_ =	shalt  }
0x6b: {  	_ =	shalt  }
0x6c: {  	_ =	shalt  }
0x6d: {  	_ =	shalt  }
0x6e: {  	_ =	shalt  }
0x6f: {  	_ =	shalt  }
0x70: {  	_ =	shalt  }
0x71: {  	_ =	shalt  }
0x72: {  	_ =	shalt  }
0x73: {  	_ =	shalt  }
0x74: {  	_ =	shalt  }
0x75: {  	_ =	shalt  }
0x76: {  	_ =	shalt  }
0x77: {  	_ =	shalt  }
0x78: {  	_ =	shalt  }
0x79: {  	_ =	shalt  }
0x7a: {  	_ =	shalt  }
0x7b: {  	_ =	shalt  }
0x7c: {  	_ =	shalt  }
0x7d: {  	_ =	shalt  }
0x7e: {  	_ =	shalt  }
0x7f: {  	_ =	shalt  }
0x80: {  	_ =	shalt  }
0x81: {  	_ =	shalt  }
0x82: {  	_ =	shalt  }
0x83: {  	_ =	shalt  }
0x84: {  	_ =	shalt  }
0x85: {  	_ =	shalt  }
0x86: {  	_ =	shalt  }
0x87: {  	_ =	shalt  }
.Lfunc_end0:
.L_simem_size_0:
called_computation.1_lowered:
.L_overlay_start_0:
0x88: {  	s2 =	sld [smem:$0x3FD9]  }
0x89: {  	s3 =	sld [smem:$0x3FFE];
	_ =	sdelay $0x1  }
0x8a: {  	s1 =	srdreg.scid  }
0x8b: {  	s0 =	sand.u32 $0x1, s1  }
0x8c: {  	s16 =	sshll.u32 s0, $0xA;
	s2 =	sadd.s32 s3, s2  }
0x8d: {  	s2 =	sadd.s32 s2, s16  }
0x8e: {  	[smem:$0x3FB6] =	sst s2  }
0x8f: {  	_ = 	snop  }
0x90: {  	(tm) =	ssettm $0x1  }
0x91: {  	s17 =	sld [smem:$0x3FFB];
	_ =	sdelay $0x3  }
0x92: {  	_ =	strace s17  }
0x93: {  	s2 =	sld [smem:$0x3FFC];
	_ =	sdelay $0x3  }
0x94: {  	_ =	strace s2  }
0x95: {  	s2 =	sld [smem:$0x3FFD];
	_ =	sdelay $0x3  }
0x96: {  	_ =	strace s2  }
0x97: {  	_ =	strace $0x8FFFFFFF  }
0x98: {  	s18 =	sld [smem:$0x3FDB];
	_ =	sdelay $0x1  }
0x99: {  	s19 =	simm.s32 $_scs_section_size  }
0x9a: {  	s4 =	simm.s32 $_size__tile_overlayer_lowered;
	s5 =	simm.s32 $_tile_overlayer_lowered  }
0x9b: {  	s22 =	simm.s32 $0x1BFF;
	s21 =	sshll.u32 s5, $0x1;
	s2 =	sadd.s32 s19, s18  }
0x9c: {  	s6 =	simm.s32 $0x0;
	s20 =	sshll.u32 s4, $0x1;
	s4 =	sadd.s32 s21, s2  }
0x9d: {  	[timem:s6], [sflag:s22] =	dma.local [hbm:s4], s20  }
0x9e: {  	_ =	swait.ge [sflag:s22], s20  }
0x9f: {  	s3 =	ssub.s32 $0x0, s20;
	[sflag:s22] =	ssyncset.done $0x0  }
0xa0: {  	[sflag:s22] =	ssyncadd.s32 s3;
	_ =	sdelay $0x1  }
0xa1: {  	s23 =	simm.s32 $0x1B8B  }
0xa2: {  	_ =	swait.ge [sflag:s23], $0x1  }
0xa3: {  	[sflag:s23] =	ssyncset.done $0x0  }
0xa4: {  	s25 =	simm.s32 $0x1B8E;
	s24 =	sld [smem:$0x3FFE];
	[sflag:s23] =	ssyncadd.s32 $0xFFFFFFFF  }
0xa5: {  	s26 =	simm.s32 $execute0_lowered;
	[smem:$0x3FD2] =	sst s25  }
0xa6: {  	s4 =	sshll.u32 s26, $0x1;
	_ =	strace $0x80000049;
	[dreg:$0x1] =	wrdreg $0xFFFFFFFF  }
0xa7: {  	s28 =	simm.s32 $_size_execute0_lowered;
	s2 =	sadd.s32 s2, s4;
	[dreg:$0x0] =	wrdreg $0x0  }
0xa8: {  	s4 =	sshll.u32 s28, $0x1;
	[dreg:$0x2] =	wrdreg s2  }
0xa9: {  	[dreg:$0x3] =	wrdreg s4  }
0xaa: {  	[dreg:$0x4] =	wrdreg $0xC0  }
0xab: {  	_ =	task [dreg:s6], $0x5FFFF  }
0xac: {  	[dreg:$0x1] =	wrdreg $0xFFFFFFFF  }
0xad: {  	[dreg:$0x0] =	wrdreg $0x60  }
0xae: {  	[dreg:$0x2] =	wrdreg s24  }
0xaf: {  	[dreg:$0x3] =	wrdreg $0x120000  }
0xb0: {  	[dreg:$0x4] =	wrdreg $0x9  }
0xb1: {  	_ =	task.clear_ibuf [dreg:s6], $0x5FFFF;
	_ =	strace $0x90000049  }
0xb2: {  	s29 =	simm.s32 $0x9;
	_ =	strace $0x8000004B  }
0xb3: {  	_ =	swait.ge [sflag:s29], $0x1  }
0xb4: {  	[sflag:s29] =	ssyncadd.s32 $0xFFFFFFFF  }
0xb5: {  	_ =	strace $0x9000004B  }
0xb6: {  	_ =	sfence  }
0xb7: {  	s30 =	sld [smem:$0x0];
	_ =	sdelay $0x2  }
0xb8: {  	s31 =	sshll.u32 s1, $0xD;
	s1 =	sshrl.u32 s1, $0x2  }
0xb9: {  	s3 =	sand.u32 $0x4000, s31;
	s1 =	sadd.s32 s1, s30  }
0xba: {  	s0 =	sor.u32 s3, s0;
	s1 =	sshll.u32 s1, $0x11  }
0xbb: {  	s0 =	sor.u32 s1, s0  }
0xbc: {  	s0 =	sadd.s32 $0x8F2B, s0  }
0xbd: {  	[sflag:s0] =	ssyncadd.remote.s32 $0x1  }
0xbe: {  	_ =	sfence.sel $0xFFFF  }
0xbf: {  	[dreg:$0x0] =	wrdreg $0xFFFFFFFF;
	(pc) =	sbr.abs _section_cstart, $3  }
0xc0: {  	[dreg:$0x1] =	wrdreg $0xFFFFFFFF  }
0xc1: {  	_ =	task.clear_ibuf [dreg:s6], $0x2FFFF;
	_ =	strace $0x9FFFFFFF  }
0xc2: {  	(tm) =	ssettm $0x7FFFFFFF  }
0xc3: {  	_ =	shalt  }
tec
execute0_lowered:
.L_overlay_start_1:
0x0: {  	(tag) =	ssettag $0x1  }
0x1: {  	s0 =	rddreg [dreg:$0x0]  }
0x2: {  	s2 =	rddreg [dreg:$0x1];
	s18 =	stileid.u32;
	s3 =	simm.s32 $0x0  }
0x3: {  	s4 =	srdreg.scid;
	s9 =	simm.s32 $0x4;
	s28 =	simm.s32 $0x1  }
0x4: {  	s29 =	simm.s32 $0x2;
	s30 =	simm.s32 $0x3;
	s1 =	smul.u32 $0x271, s18  }
0x5: {  	[smem:$0x7FF] =	sst s3;
	s5 =	sand.u32 $0x7, s18;
	s8 =	sand.u32 $0x1, s4  }
0x6: {  	s14 =	sadd.s32 $0x65000, s0;
	s10 =	sadd.s32 $0x3200, s0;
	s7 =	smul.u32 $0x980, s18  }
0x7: {  	s11 =	sadd.s32 $0xD000, s0;
	p0 =	slt.u32 s18, $0x8;
	p1 =	seq.s32 s18, $0x8  }
0x8: {  	s24 =	sshll.u32 s18, $0x7;
	s31 =	sshll.u32 s18, $0x6;
	_ =	strace $0x8000004A  }
0x9: {  	s21 =	sshll.u32 s8, $0x6;
	s22 =	ssub.s32 $0x2, s8;
	s9 =	simm.s32 @!p1 $0x0  }
0xa: {  	s12 =	smul.u32 $0x9C400, s8;
	s8 =	sadd.s32 $0xCE00, s0;
	s13 =	sor.u32 $0x9800, s24  }
0xb: {  	s19 =	sor.u32 $0x1C05, s31;
	s24 =	simm.s32 $0xE000;
	s1 =	ssub.s32 s1, s5  }
0xc: {  	s6 =	sshrl.u32 s22, $0x1;
	s23 =	sadd.s32 s10, s7;
	s5 =	sadd.s32 s11, s7  }
0xd: {  	s7 =	simm.s32 $0xA0;
	s10 =	sadd.s32 s10, s13;
	s11 =	sadd.s32 s11, s13  }
0xe: {  	s20 =	sshll.u32 s1, $0x7;
	s16 =	ssub.s32 s22, s6;
	[dreg:$0x4] =	wrdreg s23  }
0xf: {  	s7 =	simm.s32 @!p0 $0x98;
	s6 =	simm.s32 $0x4;
	s1 =	sshll.u32 s1, $0x6  }
0x10: {  	s17 =	sshrl.u32 s12, $0x3;
	p0 =	sgt.u32 s18, $0x7;
	s22 =	simm.s32 $0xC000  }
0x11: {  	s4 =	sor.u32 s21, s20;
	s7 =	sor.u32 s9, s7;
	s9 =	sadd.s32 $0x16C00, s0  }
0x12: {  	s25 =	sadd.s32 s12, s1;
	s12 =	sadd.s32 s1, s2;
	s16 =	smax.u32 s16, $0x1  }
0x13: {  	p1 =	sne.s32 @p0 s18, $0x8;
	s20 =	simm.s32 $0x80;
	s21 =	simm.s32 $0xA000  }
0x14: {  	s1 =	simm.s32 $0x0;
	s4 =	sshrl.u32 s4, $0x3;
	s26 =	sshll.u32 s7, $0x9  }
0x15: {  	p1 =	por p1, !p0;
	s15 =	sadd.s32 s4, s0;
	s0 =	sshrl.u32 s25, $0x3  }
0x16: {  	[dreg:$0x3] =	wrdreg s26;
	s26 =	simm.s32 $0x10000;
	s13 =	sadd.s32 s14, s0  }
0x17: {  	s14 =	sadd.s32 s14, s17;
	s15 =	sadd.s32 $0x16E00, s15;
	s17 =	simm.s32 $0x5  }
.LBB2_1:
0x18: {  	s0 =	rddreg [dreg:$0x4]  }
0x19: {  	[tilespmem:s3], [sflag:$0x5] =	stream.linear.gather [hbm4b:s0+s3], $0x4C00, $0x38;
	[tilespmem:$0x1BC40] =	vst v63  }
0x1a: {  	_ =	swait.ge [sflag:s17], $0x4C00  }
0x1b: {  	[sflag:s17] =	ssyncset.done $0x0  }
0x1c: {  	s18 =	simm.s32 $0x5000;
	[sflag:s17] =	ssyncadd.s32 $0xFFFFB400  }
0x1d: {  	[tilespmem:s18], [sflag:$0x5] =	stream.linear.gather [hbm4b:s5+s3], $0x4C00, $0x38;
	[tilespmem:$0x1BC40] =	vst v63  }
0x1e: {  	_ =	swait.ge [sflag:s17], $0x4C00  }
0x1f: {  	[sflag:s17] =	ssyncset.done $0x0  }
0x20: {  	s23 =	simm.s32 @!p1 $0x4C00;
	s18 =	simm.s32 @!p1 $0x0;
	[sflag:s17] =	ssyncadd.s32 $0xFFFFB400  }
0x21: {  	[tilespmem:s23], [sflag:$0x5] =	stream.linear.gather @!p1 [hbm4b:s8+s18], $0x200, $0x38;
	[tilespmem:$0x1BC40] =	vst v63  }
0x22: {  	s23 =	simm.s32 @!p1 $0x5  }
0x23: {  	_ =	swait.ge @!p1 [sflag:s23], $0x200  }
0x24: {  	[sflag:s23] =	ssyncset.done @!p1 $0x0  }
0x25: {  	s25 =	simm.s32 @!p1 $0x9C00;
	[sflag:s23] =	ssyncadd.s32 @!p1 $0xFFFFFE00  }
0x26: {  	[tilespmem:s25], [sflag:$0x5] =	stream.linear.gather @!p1 [hbm4b:s9+s18], $0x200, $0x38;
	[tilespmem:$0x1BC40] =	vst v63  }
0x27: {  	_ =	swait.ge @!p1 [sflag:s23], $0x200  }
0x28: {  	[sflag:s23] =	ssyncset.done @!p1 $0x0  }
0x29: {  	s18 =	simm.s32 @!p0 $0x0;
	[sflag:s23] =	ssyncadd.s32 @!p1 $0xFFFFFE00;
	s23 =	simm.s32 @!p0 $0x4C00  }
0x2a: {  	[tilespmem:s23], [sflag:$0x5] =	stream.linear.gather @!p0 [hbm4b:s10+s18], $0x400, $0x38;
	[tilespmem:$0x1BC40] =	vst v63  }
0x2b: {  	s23 =	simm.s32 @!p0 $0x5  }
0x2c: {  	_ =	swait.ge @!p0 [sflag:s23], $0x400  }
0x2d: {  	[sflag:s23] =	ssyncset.done @!p0 $0x0  }
0x2e: {  	s25 =	simm.s32 @!p0 $0x9C00;
	[sflag:s23] =	ssyncadd.s32 @!p0 $0xFFFFFC00  }
0x2f: {  	[tilespmem:s25], [sflag:$0x5] =	stream.linear.gather @!p0 [hbm4b:s11+s18], $0x400, $0x38;
	[tilespmem:$0x1BC40] =	vst v63  }
0x30: {  	_ =	swait.ge @!p0 [sflag:s23], $0x400  }
0x31: {  	[sflag:s23] =	ssyncset.done @!p0 $0x0  }
0x32: {  	s18 =	sshrl.u32 s12, $0x3;
	[sflag:s23] =	ssyncadd.s32 @!p0 $0xFFFFFC00  }
0x33: {  	[spmem:s18], [sflag:s19] =	dma.local [hbm:s13], $0x13C0  }
0x34: {  	_ =	swait.ge [sflag:s17], $0x13C0  }
0x35: {  	[sflag:s17] =	ssyncset.done $0x0  }
0x36: {  	[sflag:s17] =	ssyncadd.s32 $0xFFFFEC40  }
0x37: {  	[bflag:$0x0] =	sbarrier.arrive $0xFFFF  }
0x38: {  	[tilespmem:s21], [sflag:$0x1] =	stream.indirect.gather [hbm4b:s14+s20], $0x40, s3, s20, $0xb8;
	[tilespmem:$0x1BC40] =	vst v63  }
0x39: {  	_ = 	snop  }
0x3a: {  	[tilespmem:s22], [sflag:$0x2] =	stream.indirect.gather [hbm4b:s14+s20], $0x40, s20, s20, $0xb8;
	[tilespmem:$0x1BC40] =	vst v63  }
0x3b: {  	s23 =	simm.s32 $0x100  }
0x3c: {  	[tilespmem:s24], [sflag:$0x3] =	stream.indirect.gather [hbm4b:s14+s20], $0x40, s23, s20, $0xb8;
	[tilespmem:$0x1BC40] =	vst v63  }
0x3d: {  	s25 =	simm.s32 $0x180  }
0x3e: {  	[tilespmem:s26], [sflag:$0x4] =	stream.indirect.gather [hbm4b:s14+s20], $0x40, s25, s20, $0xb8;
	[tilespmem:$0x1BC40] =	vst v63  }
0x3f: {  	s31 =	simm.s32 $0x0;
	s23 =	simm.s32 $0x200;
	s25 =	simm.s32 $0x4  }
.LBB2_2:
0x40: {  	_ =	swait.ge [sflag:s28], $0x2000  }
0x41: {  	s0 =	sshra.s32 s31, $0x2;
	[sflag:s28] =	ssyncset.done $0x0  }
0x42: {  	s4 =	sadd.s32 $0x5000, s0;
	[sflag:s28] =	ssyncadd.s32 $0xFFFFE000  }
0x43: {  	[spmem:s2] =	stream.indirect.scatter.add.f32 [tilespmem:s21], [sflag:$0x5], $0x40, s4, s20, $0xb8;
	[tilespmem:$0x1BC40] =	vst v63  }
0x44: {  	_ =	swait.ge [sflag:s17], $0x2000  }
0x45: {  	p2 =	slt.u32 s25, s7;
	s4 =	smov.u32 s23;
	[sflag:s17] =	ssyncset.done $0x0  }
0x46: {  	s4 =	simm.s32 @!p2 $0x0;
	[sflag:s17] =	ssyncadd.s32 $0xFFFFE000  }
0x47: {  	[tilespmem:s21], [sflag:$0x1] =	stream.indirect.gather [hbm4b:s14+s20], $0x40, s4, s20, $0xb8;
	[tilespmem:$0x1BC40] =	vst v63  }
0x48: {  	_ =	swait.ge [sflag:s29], $0x2000  }
0x49: {  	[sflag:s29] =	ssyncset.done $0x0  }
0x4a: {  	s4 =	sadd.s32 $0x5080, s0;
	[sflag:s29] =	ssyncadd.s32 $0xFFFFE000  }
0x4b: {  	[spmem:s2] =	stream.indirect.scatter.add.f32 [tilespmem:s22], [sflag:$0x5], $0x40, s4, s20, $0xb8;
	[tilespmem:$0x1BC40] =	vst v63  }
0x4c: {  	s4 =	sadd.s32 $0x1, s25;
	_ =	swait.ge [sflag:s17], $0x2000  }
0x4d: {  	p2 =	slt.u32 s4, s7;
	s4 =	sadd.s32 $0x80, s23;
	[sflag:s17] =	ssyncset.done $0x0  }
0x4e: {  	s4 =	simm.s32 @!p2 $0x80;
	[sflag:s17] =	ssyncadd.s32 $0xFFFFE000  }
0x4f: {  	[tilespmem:s22], [sflag:$0x2] =	stream.indirect.gather [hbm4b:s14+s20], $0x40, s4, s20, $0xb8;
	[tilespmem:$0x1BC40] =	vst v63  }
0x50: {  	_ =	swait.ge [sflag:s30], $0x2000  }
0x51: {  	[sflag:s30] =	ssyncset.done $0x0  }
0x52: {  	s4 =	sadd.s32 $0x5100, s0;
	[sflag:s30] =	ssyncadd.s32 $0xFFFFE000  }
0x53: {  	[spmem:s2] =	stream.indirect.scatter.add.f32 [tilespmem:s24], [sflag:$0x5], $0x40, s4, s20, $0xb8;
	[tilespmem:$0x1BC40] =	vst v63  }
0x54: {  	s4 =	sadd.s32 $0x2, s25;
	_ =	swait.ge [sflag:s17], $0x2000  }
0x55: {  	p2 =	slt.u32 s4, s7;
	s4 =	sadd.s32 $0x100, s23;
	[sflag:s17] =	ssyncset.done $0x0  }
0x56: {  	s4 =	simm.s32 @!p2 $0x100;
	[sflag:s17] =	ssyncadd.s32 $0xFFFFE000  }
0x57: {  	[tilespmem:s24], [sflag:$0x3] =	stream.indirect.gather [hbm4b:s14+s20], $0x40, s4, s20, $0xb8;
	[tilespmem:$0x1BC40] =	vst v63  }
0x58: {  	_ =	swait.ge [sflag:s6], $0x2000  }
0x59: {  	[sflag:s6] =	ssyncset.done $0x0  }
0x5a: {  	s0 =	sadd.s32 $0x5180, s0;
	[sflag:s6] =	ssyncadd.s32 $0xFFFFE000  }
0x5b: {  	[spmem:s2] =	stream.indirect.scatter.add.f32 [tilespmem:s26], [sflag:$0x5], $0x40, s0, s20, $0xb8;
	[tilespmem:$0x1BC40] =	vst v63  }
0x5c: {  	s31 =	sadd.s32 $0x800, s31;
	s4 =	sadd.s32 $0x3, s25;
	_ =	swait.ge [sflag:s17], $0x2000  }
0x5d: {  	p2 =	slt.u32 s4, s7;
	s0 =	sadd.s32 $0x180, s23;
	s4 =	rddreg [dreg:$0x3]  }
0x5e: {  	s0 =	simm.s32 @!p2 $0x180;
	p2 =	sne.s32 s4, s31  }
.Ltmp0:
0x5f: {  	_ = 	snop;
	(pc) =	sbr.rel @p2 .LBB2_2-.Ltmp0, $4  }
0x60: {  	_ = 	snop  }
0x61: {  	[sflag:s17] =	ssyncset.done $0x0  }
0x62: {  	s25 =	sadd.s32 $0x4, s25;
	s23 =	sadd.s32 $0x200, s23;
	[sflag:s17] =	ssyncadd.s32 $0xFFFFE000  }
0x63: {  	[tilespmem:s26], [sflag:$0x4] =	stream.indirect.gather [hbm4b:s14+s20], $0x40, s0, s20, $0xb8;
	[tilespmem:$0x1BC40] =	vst v63  }
0x64: {  	_ =	swait.ge [sflag:s28], $0x2000  }
0x65: {  	[sflag:s28] =	ssyncset.done $0x0  }
0x66: {  	[sflag:s28] =	ssyncadd.s32 $0xFFFFE000  }
0x67: {  	_ =	swait.ge [sflag:s29], $0x2000  }
0x68: {  	[sflag:s29] =	ssyncset.done $0x0  }
0x69: {  	[sflag:s29] =	ssyncadd.s32 $0xFFFFE000  }
0x6a: {  	_ =	swait.ge [sflag:s30], $0x2000  }
0x6b: {  	[sflag:s30] =	ssyncset.done $0x0  }
0x6c: {  	[sflag:s30] =	ssyncadd.s32 $0xFFFFE000  }
0x6d: {  	_ =	swait.ge [sflag:s6], $0x2000  }
0x6e: {  	s1 =	sadd.s32 $0x1, s1;
	[sflag:s6] =	ssyncset.done $0x0  }
0x6f: {  	s0 =	simm.s32 $0x10;
	p2 =	sne.s32 s1, s16;
	[sflag:s6] =	ssyncadd.s32 $0xFFFFE000  }
.Ltmp1:
0x70: {  	s4 =	simm.s32 $0x8;
	[bflag:$0x0] =	sbarrier.arrive $0xFFFF;
	(pc) =	sbr.rel @p2 .LBB2_1-.Ltmp1, $4  }
0x71: {  	[hbm:s15@s0], [sflag:s19] =	dma.strided [spmem:s18@s4], $0x13C0, s28, $0x8   }
0x72: {  	_ =	swait.ge [sflag:s17], $0x13C0  }
0x73: {  	[sflag:s17] =	ssyncset.done $0x0  }
0x74: {  	[sflag:s17] =	ssyncadd.s32 $0xFFFFEC40  }
0x75: {  	_ =	sfence.sel $0x180000  }
0x76: {  	[bflag:$0x0] =	sbarrier.arrive $0xFFFF  }
0x77: {  	_ =	strace $0x9000004A  }
0x78: {  	s0 =	stileid.u32;
	[bflag:$0x2] =	sbarrier.arrive $0xFFFF  }
0x79: {  	p0 =	sne.s32 s0, $0x0;
	s0 =	rddreg [dreg:$0x2]  }
0x7a: {  	s0 =	sadd.s32 @!p0 $0x100000, s0  }
0x7b: {  	[sflag:s0] =	ssyncadd.tile.s32 @!p0 $0x1;
	_ =	shalt  }
.Lfunc_end2:
_tile_overlayer_lowered:
.L_overlay_start_2:
0x7c: {  	(tag) =	ssettag $0x2  }
0x7d: {  	s0 =	rddreg [dreg:$0x0];
	s2 =	stileid.u32  }
0x7e: {  	s1 =	rddreg [dreg:$0x1];
	p0 =	sne.s32 s2, $0x0  }
0x7f: {  	s3 =	rddreg [dreg:$0x2];
	[bflag:$0x3] =	sbarrier.arrive $0xFFFF;
	s2 =	simm.s32 @!p0 $0x1C05  }
0x80: {  	[timem:s3], [sflag:s2] =	dma.local @!p0 [hbm:s0], s1  }
0x81: {  	s0 =	simm.s32 @!p0 $0x5  }
0x82: {  	_ =	swait.ge @!p0 [sflag:s0], s1  }
0x83: {  	s1 =	ssub.s32 @!p0 $0x0, s1;
	[sflag:s0] =	ssyncset.done @!p0 $0x0  }
0x84: {  	[sflag:s0] =	ssyncadd.s32 @!p0 s1  }
0x85: {  	[bflag:$0x3] =	sbarrier.arrive $0xFFFF  }
0x86: {  	_ =	shalt  }

// kernel: kernel.14.cloned.1.call-start
scs
__scs_entry_jumppad:
0x0: {  	(pc) =	sbr.rel $0x88, $3  }
0x1: {  	(tag) =	ssettag $0x0;
	lr =	simm.s32 $0x1  }
0x2: {  	[smem:$0x3F8F] =	sst lr;
	_ =	strace $0xD0000000  }
0x3: {  	_ = 	snop  }
0x4: {  	_ = 	snop  }
0x5: {  	_ = 	snop  }
0x6: {  	_ = 	snop  }
0x7: {  	_ = 	snop  }
__scs_overlays_trampoline_lowered:
0x8: {  	[smem:$0x3F9E] =	sst s0  }
0x9: {  	[smem:$0x3F9F] =	sst s1  }
0xa: {  	[smem:$0x3FA0] =	sst s2  }
0xb: {  	[smem:$0x3FA1] =	sst s3  }
0xc: {  	[smem:$0x3FA2] =	sst s4  }
0xd: {  	[smem:$0x3FA3] =	sst s5  }
0xe: {  	[smem:$0x3FA4] =	sst s6  }
0xf: {  	[smem:$0x3FA5] =	sst s7  }
0x10: {  	[smem:$0x3FA6] =	sst s8  }
0x11: {  	[smem:$0x3FA7] =	sst s9;
	s0 =	simm.s32 @!p0 $0x0  }
0x12: {  	s1 =	sld [smem:$0x3F8D];
	s0 =	simm.s32 @p0 $0x1  }
0x13: {  	[smem:$0x3FA8] =	sst s0;
	s0 =	simm.s32 @!p1 $0x0  }
0x14: {  	s2 =	sld [smem:$0x3F8C];
	s0 =	simm.s32 @p1 $0x1  }
0x15: {  	[smem:$0x3FA9] =	sst s0;
	s0 =	simm.s32 @!p2 $0x0  }
0x16: {  	s3 =	sld [smem:$0x3FDB];
	s0 =	simm.s32 @p2 $0x1  }
0x17: {  	s4 =	simm.s32 $0x1BF5;
	[smem:$0x3FAB] =	sst s0  }
0x18: {  	s0 =	sld [smem:$0x3F8E];
	_ =	swait.ge [sflag:s4], $0x0  }
0x19: {  	s7 =	sld [smem:$0x3F8F]  }
0x1a: {  	s8 =	sadd.s32 $0xFFFFE003, lr  }
0x1b: {  	s9 =	sadd.s32 $0xFFFFFEF7, lr;
	s5 =	simm.s32 $0xFFFFFFFF;
	p2 =	slt.u32 s8, $0xFFFFF086  }
0x1c: {  	p1 =	slt.u32 s9, $0xF7A;
	s5 =	simm.s32 @!p2 $0x0  }
0x1d: {  	s5 =	simm.s32 @p1 $0x1;
	p0 =	seq.s32 s7, s2  }
0x1e: {  	s7 =	smul.u32 @!p0 $0xF7A, s2;
	p2 =	seq.s32 @!p0 s5, $0x0  }
0x1f: {  	s9 =	smul.u32 $0xF7A, s1;
	s8 =	simm.s32 @!p0 $0x1BF5;
	p2 =	por !p2, p0  }
0x20: {  	[sflag:s8] =	ssyncset.s32 @!p0 $0xFFFFF086;
	s6 =	sadd.s32 @!p0 s3, s7;
	s7 =	simm.s32 @!p0 $0x108  }
0x21: {  	s3 =	sadd.s32 s3, s9;
	s6 =	sadd.s32 @!p0 $0x88, s6;
	s7 =	simm.s32 @p2 $0x1082  }
0x22: {  	[simem:s7], [sflag:s8] =	dma.local @!p0 [hbm:s6], $0xF7A  }
0x23: {  	s9 =	sor.u32 $0xD0000000, s2;
	s6 =	simm.s32 $0x108;
	_ =	swait.ge @!p0 [sflag:s8], $0x0  }
0x24: {  	s3 =	sadd.s32 $0x88, s3;
	s6 =	simm.s32 @!p1 $0x1082;
	[sflag:s4] =	ssyncset.s32 $0xFFFFF086  }
0x25: {  	[simem:s6], [sflag:s4] =	dma.local [hbm:s3], $0xF7A  }
0x26: {  	[smem:$0x3F8F] =	sst s1;
	(tag) =	ssettag s2;
	_ =	strace s9  }
0x27: {  	s1 =	sld [smem:$0x3F9F]  }
0x28: {  	s2 =	sld [smem:$0x3FA0]  }
0x29: {  	s4 =	sld [smem:$0x3FA2]  }
0x2a: {  	p0 =	seq.s32 s5, $0x0;
	s5 =	sld [smem:$0x3FA3]  }
0x2b: {  	s6 =	sld [smem:$0x3FA4]  }
0x2c: {  	s7 =	sld [smem:$0x3FA5]  }
0x2d: {  	s3 =	simm.s32 $0x108;
	s8 =	sld [smem:$0x3FA6]  }
0x2e: {  	s3 =	simm.s32 @!p0 $0x1082;
	s9 =	sld [smem:$0x3FA7]  }
0x2f: {  	lr =	sadd.s32 s0, s3;
	s0 =	sld [smem:$0x3F9E]  }
0x30: {  	s3 =	sld [smem:$0x3FA1]  }
0x31: {  	[smem:$0x3FAA] =	sst s10  }
0x32: {  	s10 =	sld [smem:$0x3FA8];
	_ =	sdelay $0x3  }
0x33: {  	p0 =	seq.s32 s10, $0x1;
	s10 =	sld [smem:$0x3FAA];
	_ =	sdelay $0x3  }
0x34: {  	[smem:$0x3FAA] =	sst s10  }
0x35: {  	s10 =	sld [smem:$0x3FA9];
	_ =	sdelay $0x3  }
0x36: {  	p1 =	seq.s32 s10, $0x1;
	s10 =	sld [smem:$0x3FAA];
	_ =	sdelay $0x3  }
0x37: {  	[smem:$0x3FAA] =	sst s10  }
0x38: {  	s10 =	sld [smem:$0x3FAB]  }
0x39: {  	_ = 	snop;
	(pc) =	sbr.ind lr, $3  }
0x3a: {  	_ = 	snop  }
0x3b: {  	_ = 	snop  }
0x3c: {  	p2 =	seq.s32 s10, $0x1;
	s10 =	sld [smem:$0x3FAA]  }
0x3d: {  	_ =	shalt  }
0x3e: {  	_ =	shalt  }
0x3f: {  	_ =	shalt  }
0x40: {  	_ =	shalt  }
0x41: {  	_ =	shalt  }
0x42: {  	_ =	shalt  }
0x43: {  	_ =	shalt  }
0x44: {  	_ =	shalt  }
0x45: {  	_ =	shalt  }
0x46: {  	_ =	shalt  }
0x47: {  	_ =	shalt  }
0x48: {  	_ =	shalt  }
0x49: {  	_ =	shalt  }
0x4a: {  	_ =	shalt  }
0x4b: {  	_ =	shalt  }
0x4c: {  	_ =	shalt  }
0x4d: {  	_ =	shalt  }
0x4e: {  	_ =	shalt  }
0x4f: {  	_ =	shalt  }
0x50: {  	_ =	shalt  }
0x51: {  	_ =	shalt  }
0x52: {  	_ =	shalt  }
0x53: {  	_ =	shalt  }
0x54: {  	_ =	shalt  }
0x55: {  	_ =	shalt  }
0x56: {  	_ =	shalt  }
0x57: {  	_ =	shalt  }
0x58: {  	_ =	shalt  }
0x59: {  	_ =	shalt  }
0x5a: {  	_ =	shalt  }
0x5b: {  	_ =	shalt  }
0x5c: {  	_ =	shalt  }
0x5d: {  	_ =	shalt  }
0x5e: {  	_ =	shalt  }
0x5f: {  	_ =	shalt  }
0x60: {  	_ =	shalt  }
0x61: {  	_ =	shalt  }
0x62: {  	_ =	shalt  }
0x63: {  	_ =	shalt  }
0x64: {  	_ =	shalt  }
0x65: {  	_ =	shalt  }
0x66: {  	_ =	shalt  }
0x67: {  	_ =	shalt  }
0x68: {  	_ =	shalt  }
0x69: {  	_ =	shalt  }
0x6a: {  	_ =	shalt  }
0x6b: {  	_ =	shalt  }
0x6c: {  	_ =	shalt  }
0x6d: {  	_ =	shalt  }
0x6e: {  	_ =	shalt  }
0x6f: {  	_ =	shalt  }
0x70: {  	_ =	shalt  }
0x71: {  	_ =	shalt  }
0x72: {  	_ =	shalt  }
0x73: {  	_ =	shalt  }
0x74: {  	_ =	shalt  }
0x75: {  	_ =	shalt  }
0x76: {  	_ =	shalt  }
0x77: {  	_ =	shalt  }
0x78: {  	_ =	shalt  }
0x79: {  	_ =	shalt  }
0x7a: {  	_ =	shalt  }
0x7b: {  	_ =	shalt  }
0x7c: {  	_ =	shalt  }
0x7d: {  	_ =	shalt  }
0x7e: {  	_ =	shalt  }
0x7f: {  	_ =	shalt  }
0x80: {  	_ =	shalt  }
0x81: {  	_ =	shalt  }
0x82: {  	_ =	shalt  }
0x83: {  	_ =	shalt  }
0x84: {  	_ =	shalt  }
0x85: {  	_ =	shalt  }
0x86: {  	_ =	shalt  }
0x87: {  	_ =	shalt  }
.Lfunc_end0:
.L_simem_size_0:
called_computation.2_lowered:
.L_overlay_start_0:
0x88: {  	s2 =	sld [smem:$0x3FD9]  }
0x89: {  	s3 =	sld [smem:$0x3FFE];
	_ =	sdelay $0x1  }
0x8a: {  	s1 =	srdreg.scid  }
0x8b: {  	s0 =	sand.u32 $0x1, s1  }
0x8c: {  	s16 =	sshll.u32 s0, $0xA;
	s2 =	sadd.s32 s3, s2  }
0x8d: {  	s2 =	sadd.s32 s2, s16  }
0x8e: {  	[smem:$0x3FB6] =	sst s2  }
0x8f: {  	_ = 	snop  }
0x90: {  	(tm) =	ssettm $0x1  }
0x91: {  	s17 =	sld [smem:$0x3FFB];
	_ =	sdelay $0x3  }
0x92: {  	_ =	strace s17  }
0x93: {  	s2 =	sld [smem:$0x3FFC];
	_ =	sdelay $0x3  }
0x94: {  	_ =	strace s2  }
0x95: {  	s2 =	sld [smem:$0x3FFD];
	_ =	sdelay $0x3  }
0x96: {  	_ =	strace s2  }
0x97: {  	_ =	strace $0x8FFFFFFF  }
0x98: {  	s18 =	sld [smem:$0x3FDB];
	_ =	sdelay $0x1  }
0x99: {  	s19 =	simm.s32 $_scs_section_size  }
0x9a: {  	s4 =	simm.s32 $_size__tile_overlayer_lowered;
	s5 =	simm.s32 $_tile_overlayer_lowered  }
0x9b: {  	s22 =	simm.s32 $0x1BFF;
	s21 =	sshll.u32 s5, $0x1;
	s2 =	sadd.s32 s19, s18  }
0x9c: {  	s6 =	simm.s32 $0x0;
	s20 =	sshll.u32 s4, $0x1;
	s4 =	sadd.s32 s21, s2  }
0x9d: {  	[timem:s6], [sflag:s22] =	dma.local [hbm:s4], s20  }
0x9e: {  	_ =	swait.ge [sflag:s22], s20  }
0x9f: {  	s3 =	ssub.s32 $0x0, s20;
	[sflag:s22] =	ssyncset.done $0x0  }
0xa0: {  	[sflag:s22] =	ssyncadd.s32 s3;
	_ =	sdelay $0x1  }
0xa1: {  	s23 =	simm.s32 $0x1B8B  }
0xa2: {  	_ =	swait.ge [sflag:s23], $0x1  }
0xa3: {  	[sflag:s23] =	ssyncset.done $0x0  }
0xa4: {  	s25 =	simm.s32 $0x1B8E;
	s24 =	sld [smem:$0x3FFE];
	[sflag:s23] =	ssyncadd.s32 $0xFFFFFFFF  }
0xa5: {  	s26 =	simm.s32 $execute0_lowered;
	[smem:$0x3FD2] =	sst s25  }
0xa6: {  	s4 =	sshll.u32 s26, $0x1;
	_ =	strace $0x8000004C;
	[dreg:$0x1] =	wrdreg $0xFFFFFFFF  }
0xa7: {  	s28 =	simm.s32 $_size_execute0_lowered;
	s2 =	sadd.s32 s2, s4;
	[dreg:$0x0] =	wrdreg $0x0  }
0xa8: {  	s4 =	sshll.u32 s28, $0x1;
	[dreg:$0x2] =	wrdreg s2  }
0xa9: {  	[dreg:$0x3] =	wrdreg s4  }
0xaa: {  	[dreg:$0x4] =	wrdreg $0xC0  }
0xab: {  	_ =	task [dreg:s6], $0x5FFFF  }
0xac: {  	[dreg:$0x1] =	wrdreg $0xFFFFFFFF  }
0xad: {  	[dreg:$0x0] =	wrdreg $0x60  }
0xae: {  	[dreg:$0x2] =	wrdreg s24  }
0xaf: {  	[dreg:$0x3] =	wrdreg $0x120000  }
0xb0: {  	[dreg:$0x4] =	wrdreg $0x9  }
0xb1: {  	_ =	task.clear_ibuf [dreg:s6], $0x5FFFF;
	_ =	strace $0x9000004C  }
0xb2: {  	s29 =	simm.s32 $0x9;
	_ =	strace $0x8000004E  }
0xb3: {  	_ =	swait.ge [sflag:s29], $0x1  }
0xb4: {  	[sflag:s29] =	ssyncadd.s32 $0xFFFFFFFF  }
0xb5: {  	_ =	strace $0x9000004E  }
0xb6: {  	_ =	sfence  }
0xb7: {  	s30 =	sld [smem:$0x0];
	_ =	sdelay $0x2  }
0xb8: {  	s31 =	sshll.u32 s1, $0xD;
	s1 =	sshrl.u32 s1, $0x2  }
0xb9: {  	s3 =	sand.u32 $0x4000, s31;
	s1 =	sadd.s32 s1, s30  }
0xba: {  	s0 =	sor.u32 s3, s0;
	s1 =	sshll.u32 s1, $0x11  }
0xbb: {  	s0 =	sor.u32 s1, s0  }
0xbc: {  	s0 =	sadd.s32 $0x8F2B, s0  }
0xbd: {  	[sflag:s0] =	ssyncadd.remote.s32 $0x1  }
0xbe: {  	_ =	sfence.sel $0xFFFF  }
0xbf: {  	[dreg:$0x0] =	wrdreg $0xFFFFFFFF;
	(pc) =	sbr.abs _section_cstart, $3  }
0xc0: {  	[dreg:$0x1] =	wrdreg $0xFFFFFFFF  }
0xc1: {  	_ =	task.clear_ibuf [dreg:s6], $0x2FFFF;
	_ =	strace $0x9FFFFFFF  }
0xc2: {  	(tm) =	ssettm $0x7FFFFFFF  }
0xc3: {  	_ =	shalt  }
tec
execute0_lowered:
.L_overlay_start_1:
0x0: {  	(tag) =	ssettag $0x1  }
0x1: {  	s0 =	rddreg [dreg:$0x0]  }
0x2: {  	s2 =	rddreg [dreg:$0x1];
	s18 =	stileid.u32;
	s3 =	simm.s32 $0x0  }
0x3: {  	s4 =	srdreg.scid;
	s9 =	simm.s32 $0x4;
	s28 =	simm.s32 $0x1  }
0x4: {  	s29 =	simm.s32 $0x2;
	s30 =	simm.s32 $0x3;
	s1 =	smul.u32 $0x271, s18  }
0x5: {  	[smem:$0x7FF] =	sst s3;
	s5 =	sand.u32 $0x7, s18;
	s8 =	sand.u32 $0x1, s4  }
0x6: {  	s14 =	sadd.s32 $0x16E00, s0;
	s10 =	sadd.s32 $0x3200, s0;
	s7 =	smul.u32 $0x980, s18  }
0x7: {  	s11 =	sadd.s32 $0xD000, s0;
	p0 =	slt.u32 s18, $0x8;
	p1 =	seq.s32 s18, $0x8  }
0x8: {  	s24 =	sshll.u32 s18, $0x7;
	s31 =	sshll.u32 s18, $0x6;
	_ =	strace $0x8000004D  }
0x9: {  	s21 =	sshll.u32 s8, $0x6;
	s22 =	ssub.s32 $0x2, s8;
	s9 =	simm.s32 @!p1 $0x0  }
0xa: {  	s12 =	smul.u32 $0x9C400, s8;
	s8 =	sadd.s32 $0xCE00, s0;
	s13 =	sor.u32 $0x9800, s24  }
0xb: {  	s19 =	sor.u32 $0x1C05, s31;
	s24 =	simm.s32 $0xE000;
	s1 =	ssub.s32 s1, s5  }
0xc: {  	s6 =	sshrl.u32 s22, $0x1;
	s23 =	sadd.s32 s10, s7;
	s5 =	sadd.s32 s11, s7  }
0xd: {  	s7 =	simm.s32 $0xA0;
	s10 =	sadd.s32 s10, s13;
	s11 =	sadd.s32 s11, s13  }
0xe: {  	s20 =	sshll.u32 s1, $0x7;
	s16 =	ssub.s32 s22, s6;
	[dreg:$0x4] =	wrdreg s23  }
0xf: {  	s7 =	simm.s32 @!p0 $0x98;
	s6 =	simm.s32 $0x4;
	s1 =	sshll.u32 s1, $0x6  }
0x10: {  	s17 =	sshrl.u32 s12, $0x3;
	p0 =	sgt.u32 s18, $0x7;
	s22 =	simm.s32 $0xC000  }
0x11: {  	s4 =	sor.u32 s21, s20;
	s7 =	sor.u32 s9, s7;
	s9 =	sadd.s32 $0x16C00, s0  }
0x12: {  	s25 =	sadd.s32 s12, s1;
	s12 =	sadd.s32 s1, s2;
	s16 =	smax.u32 s16, $0x1  }
0x13: {  	p1 =	sne.s32 @p0 s18, $0x8;
	s20 =	simm.s32 $0x80;
	s21 =	simm.s32 $0xA000  }
0x14: {  	s1 =	simm.s32 $0x0;
	s4 =	sshrl.u32 s4, $0x3;
	s26 =	sshll.u32 s7, $0x9  }
0x15: {  	p1 =	por p1, !p0;
	s15 =	sadd.s32 s4, s0;
	s0 =	sshrl.u32 s25, $0x3  }
0x16: {  	[dreg:$0x3] =	wrdreg s26;
	s26 =	simm.s32 $0x10000;
	s13 =	sadd.s32 s14, s0  }
0x17: {  	s14 =	sadd.s32 s14, s17;
	s15 =	sadd.s32 $0x3E000, s15;
	s17 =	simm.s32 $0x5  }
.LBB2_1:
0x18: {  	s0 =	rddreg [dreg:$0x4]  }
0x19: {  	[tilespmem:s3], [sflag:$0x5] =	stream.linear.gather [hbm4b:s0+s3], $0x4C00, $0x38;
	[tilespmem:$0x1BC40] =	vst v63  }
0x1a: {  	_ =	swait.ge [sflag:s17], $0x4C00  }
0x1b: {  	[sflag:s17] =	ssyncset.done $0x0  }
0x1c: {  	s18 =	simm.s32 $0x5000;
	[sflag:s17] =	ssyncadd.s32 $0xFFFFB400  }
0x1d: {  	[tilespmem:s18], [sflag:$0x5] =	stream.linear.gather [hbm4b:s5+s3], $0x4C00, $0x38;
	[tilespmem:$0x1BC40] =	vst v63  }
0x1e: {  	_ =	swait.ge [sflag:s17], $0x4C00  }
0x1f: {  	[sflag:s17] =	ssyncset.done $0x0  }
0x20: {  	s23 =	simm.s32 @!p1 $0x4C00;
	s18 =	simm.s32 @!p1 $0x0;
	[sflag:s17] =	ssyncadd.s32 $0xFFFFB400  }
0x21: {  	[tilespmem:s23], [sflag:$0x5] =	stream.linear.gather @!p1 [hbm4b:s8+s18], $0x200, $0x38;
	[tilespmem:$0x1BC40] =	vst v63  }
0x22: {  	s23 =	simm.s32 @!p1 $0x5  }
0x23: {  	_ =	swait.ge @!p1 [sflag:s23], $0x200  }
0x24: {  	[sflag:s23] =	ssyncset.done @!p1 $0x0  }
0x25: {  	s25 =	simm.s32 @!p1 $0x9C00;
	[sflag:s23] =	ssyncadd.s32 @!p1 $0xFFFFFE00  }
0x26: {  	[tilespmem:s25], [sflag:$0x5] =	stream.linear.gather @!p1 [hbm4b:s9+s18], $0x200, $0x38;
	[tilespmem:$0x1BC40] =	vst v63  }
0x27: {  	_ =	swait.ge @!p1 [sflag:s23], $0x200  }
0x28: {  	[sflag:s23] =	ssyncset.done @!p1 $0x0  }
0x29: {  	s18 =	simm.s32 @!p0 $0x0;
	[sflag:s23] =	ssyncadd.s32 @!p1 $0xFFFFFE00;
	s23 =	simm.s32 @!p0 $0x4C00  }
0x2a: {  	[tilespmem:s23], [sflag:$0x5] =	stream.linear.gather @!p0 [hbm4b:s10+s18], $0x400, $0x38;
	[tilespmem:$0x1BC40] =	vst v63  }
0x2b: {  	s23 =	simm.s32 @!p0 $0x5  }
0x2c: {  	_ =	swait.ge @!p0 [sflag:s23], $0x400  }
0x2d: {  	[sflag:s23] =	ssyncset.done @!p0 $0x0  }
0x2e: {  	s25 =	simm.s32 @!p0 $0x9C00;
	[sflag:s23] =	ssyncadd.s32 @!p0 $0xFFFFFC00  }
0x2f: {  	[tilespmem:s25], [sflag:$0x5] =	stream.linear.gather @!p0 [hbm4b:s11+s18], $0x400, $0x38;
	[tilespmem:$0x1BC40] =	vst v63  }
0x30: {  	_ =	swait.ge @!p0 [sflag:s23], $0x400  }
0x31: {  	[sflag:s23] =	ssyncset.done @!p0 $0x0  }
0x32: {  	s18 =	sshrl.u32 s12, $0x3;
	[sflag:s23] =	ssyncadd.s32 @!p0 $0xFFFFFC00  }
0x33: {  	[spmem:s18], [sflag:s19] =	dma.local [hbm:s13], $0x13C0  }
0x34: {  	_ =	swait.ge [sflag:s17], $0x13C0  }
0x35: {  	[sflag:s17] =	ssyncset.done $0x0  }
0x36: {  	[sflag:s17] =	ssyncadd.s32 $0xFFFFEC40  }
0x37: {  	[bflag:$0x0] =	sbarrier.arrive $0xFFFF  }
0x38: {  	[tilespmem:s21], [sflag:$0x1] =	stream.indirect.gather [hbm4b:s14+s20], $0x40, s3, s20, $0xb8;
	[tilespmem:$0x1BC40] =	vst v63  }
0x39: {  	_ = 	snop  }
0x3a: {  	[tilespmem:s22], [sflag:$0x2] =	stream.indirect.gather [hbm4b:s14+s20], $0x40, s20, s20, $0xb8;
	[tilespmem:$0x1BC40] =	vst v63  }
0x3b: {  	s23 =	simm.s32 $0x100  }
0x3c: {  	[tilespmem:s24], [sflag:$0x3] =	stream.indirect.gather [hbm4b:s14+s20], $0x40, s23, s20, $0xb8;
	[tilespmem:$0x1BC40] =	vst v63  }
0x3d: {  	s25 =	simm.s32 $0x180  }
0x3e: {  	[tilespmem:s26], [sflag:$0x4] =	stream.indirect.gather [hbm4b:s14+s20], $0x40, s25, s20, $0xb8;
	[tilespmem:$0x1BC40] =	vst v63  }
0x3f: {  	s31 =	simm.s32 $0x0;
	s23 =	simm.s32 $0x200;
	s25 =	simm.s32 $0x4  }
.LBB2_2:
0x40: {  	_ =	swait.ge [sflag:s28], $0x2000  }
0x41: {  	s0 =	sshra.s32 s31, $0x2;
	[sflag:s28] =	ssyncset.done $0x0  }
0x42: {  	s4 =	sadd.s32 $0x5000, s0;
	[sflag:s28] =	ssyncadd.s32 $0xFFFFE000  }
0x43: {  	[spmem:s2] =	stream.indirect.scatter.add.f32 [tilespmem:s21], [sflag:$0x5], $0x40, s4, s20, $0xb8;
	[tilespmem:$0x1BC40] =	vst v63  }
0x44: {  	_ =	swait.ge [sflag:s17], $0x2000  }
0x45: {  	p2 =	slt.u32 s25, s7;
	s4 =	smov.u32 s23;
	[sflag:s17] =	ssyncset.done $0x0  }
0x46: {  	s4 =	simm.s32 @!p2 $0x0;
	[sflag:s17] =	ssyncadd.s32 $0xFFFFE000  }
0x47: {  	[tilespmem:s21], [sflag:$0x1] =	stream.indirect.gather [hbm4b:s14+s20], $0x40, s4, s20, $0xb8;
	[tilespmem:$0x1BC40] =	vst v63  }
0x48: {  	_ =	swait.ge [sflag:s29], $0x2000  }
0x49: {  	[sflag:s29] =	ssyncset.done $0x0  }
0x4a: {  	s4 =	sadd.s32 $0x5080, s0;
	[sflag:s29] =	ssyncadd.s32 $0xFFFFE000  }
0x4b: {  	[spmem:s2] =	stream.indirect.scatter.add.f32 [tilespmem:s22], [sflag:$0x5], $0x40, s4, s20, $0xb8;
	[tilespmem:$0x1BC40] =	vst v63  }
0x4c: {  	s4 =	sadd.s32 $0x1, s25;
	_ =	swait.ge [sflag:s17], $0x2000  }
0x4d: {  	p2 =	slt.u32 s4, s7;
	s4 =	sadd.s32 $0x80, s23;
	[sflag:s17] =	ssyncset.done $0x0  }
0x4e: {  	s4 =	simm.s32 @!p2 $0x80;
	[sflag:s17] =	ssyncadd.s32 $0xFFFFE000  }
0x4f: {  	[tilespmem:s22], [sflag:$0x2] =	stream.indirect.gather [hbm4b:s14+s20], $0x40, s4, s20, $0xb8;
	[tilespmem:$0x1BC40] =	vst v63  }
0x50: {  	_ =	swait.ge [sflag:s30], $0x2000  }
0x51: {  	[sflag:s30] =	ssyncset.done $0x0  }
0x52: {  	s4 =	sadd.s32 $0x5100, s0;
	[sflag:s30] =	ssyncadd.s32 $0xFFFFE000  }
0x53: {  	[spmem:s2] =	stream.indirect.scatter.add.f32 [tilespmem:s24], [sflag:$0x5], $0x40, s4, s20, $0xb8;
	[tilespmem:$0x1BC40] =	vst v63  }
0x54: {  	s4 =	sadd.s32 $0x2, s25;
	_ =	swait.ge [sflag:s17], $0x2000  }
0x55: {  	p2 =	slt.u32 s4, s7;
	s4 =	sadd.s32 $0x100, s23;
	[sflag:s17] =	ssyncset.done $0x0  }
0x56: {  	s4 =	simm.s32 @!p2 $0x100;
	[sflag:s17] =	ssyncadd.s32 $0xFFFFE000  }
0x57: {  	[tilespmem:s24], [sflag:$0x3] =	stream.indirect.gather [hbm4b:s14+s20], $0x40, s4, s20, $0xb8;
	[tilespmem:$0x1BC40] =	vst v63  }
0x58: {  	_ =	swait.ge [sflag:s6], $0x2000  }
0x59: {  	[sflag:s6] =	ssyncset.done $0x0  }
0x5a: {  	s0 =	sadd.s32 $0x5180, s0;
	[sflag:s6] =	ssyncadd.s32 $0xFFFFE000  }
0x5b: {  	[spmem:s2] =	stream.indirect.scatter.add.f32 [tilespmem:s26], [sflag:$0x5], $0x40, s0, s20, $0xb8;
	[tilespmem:$0x1BC40] =	vst v63  }
0x5c: {  	s31 =	sadd.s32 $0x800, s31;
	s4 =	sadd.s32 $0x3, s25;
	_ =	swait.ge [sflag:s17], $0x2000  }
0x5d: {  	p2 =	slt.u32 s4, s7;
	s0 =	sadd.s32 $0x180, s23;
	s4 =	rddreg [dreg:$0x3]  }
0x5e: {  	s0 =	simm.s32 @!p2 $0x180;
	p2 =	sne.s32 s4, s31  }
.Ltmp0:
0x5f: {  	_ = 	snop;
	(pc) =	sbr.rel @p2 .LBB2_2-.Ltmp0, $4  }
0x60: {  	_ = 	snop  }
0x61: {  	[sflag:s17] =	ssyncset.done $0x0  }
0x62: {  	s25 =	sadd.s32 $0x4, s25;
	s23 =	sadd.s32 $0x200, s23;
	[sflag:s17] =	ssyncadd.s32 $0xFFFFE000  }
0x63: {  	[tilespmem:s26], [sflag:$0x4] =	stream.indirect.gather [hbm4b:s14+s20], $0x40, s0, s20, $0xb8;
	[tilespmem:$0x1BC40] =	vst v63  }
0x64: {  	_ =	swait.ge [sflag:s28], $0x2000  }
0x65: {  	[sflag:s28] =	ssyncset.done $0x0  }
0x66: {  	[sflag:s28] =	ssyncadd.s32 $0xFFFFE000  }
0x67: {  	_ =	swait.ge [sflag:s29], $0x2000  }
0x68: {  	[sflag:s29] =	ssyncset.done $0x0  }
0x69: {  	[sflag:s29] =	ssyncadd.s32 $0xFFFFE000  }
0x6a: {  	_ =	swait.ge [sflag:s30], $0x2000  }
0x6b: {  	[sflag:s30] =	ssyncset.done $0x0  }
0x6c: {  	[sflag:s30] =	ssyncadd.s32 $0xFFFFE000  }
0x6d: {  	_ =	swait.ge [sflag:s6], $0x2000  }
0x6e: {  	s1 =	sadd.s32 $0x1, s1;
	[sflag:s6] =	ssyncset.done $0x0  }
0x6f: {  	s0 =	simm.s32 $0x10;
	p2 =	sne.s32 s1, s16;
	[sflag:s6] =	ssyncadd.s32 $0xFFFFE000  }
.Ltmp1:
0x70: {  	s4 =	simm.s32 $0x8;
	[bflag:$0x0] =	sbarrier.arrive $0xFFFF;
	(pc) =	sbr.rel @p2 .LBB2_1-.Ltmp1, $4  }
0x71: {  	[hbm:s15@s0], [sflag:s19] =	dma.strided [spmem:s18@s4], $0x13C0, s28, $0x8   }
0x72: {  	_ =	swait.ge [sflag:s17], $0x13C0  }
0x73: {  	[sflag:s17] =	ssyncset.done $0x0  }
0x74: {  	[sflag:s17] =	ssyncadd.s32 $0xFFFFEC40  }
0x75: {  	_ =	sfence.sel $0x180000  }
0x76: {  	[bflag:$0x0] =	sbarrier.arrive $0xFFFF  }
0x77: {  	_ =	strace $0x9000004D  }
0x78: {  	s0 =	stileid.u32;
	[bflag:$0x2] =	sbarrier.arrive $0xFFFF  }
0x79: {  	p0 =	sne.s32 s0, $0x0;
	s0 =	rddreg [dreg:$0x2]  }
0x7a: {  	s0 =	sadd.s32 @!p0 $0x100000, s0  }
0x7b: {  	[sflag:s0] =	ssyncadd.tile.s32 @!p0 $0x1;
	_ =	shalt  }
.Lfunc_end2:
_tile_overlayer_lowered:
.L_overlay_start_2:
0x7c: {  	(tag) =	ssettag $0x2  }
0x7d: {  	s0 =	rddreg [dreg:$0x0];
	s2 =	stileid.u32  }
0x7e: {  	s1 =	rddreg [dreg:$0x1];
	p0 =	sne.s32 s2, $0x0  }
0x7f: {  	s3 =	rddreg [dreg:$0x2];
	[bflag:$0x3] =	sbarrier.arrive $0xFFFF;
	s2 =	simm.s32 @!p0 $0x1C05  }
0x80: {  	[timem:s3], [sflag:s2] =	dma.local @!p0 [hbm:s0], s1  }
0x81: {  	s0 =	simm.s32 @!p0 $0x5  }
0x82: {  	_ =	swait.ge @!p0 [sflag:s0], s1  }
0x83: {  	s1 =	ssub.s32 @!p0 $0x0, s1;
	[sflag:s0] =	ssyncset.done @!p0 $0x0  }
0x84: {  	[sflag:s0] =	ssyncadd.s32 @!p0 s1  }
0x85: {  	[bflag:$0x3] =	sbarrier.arrive $0xFFFF  }
0x86: {  	_ =	shalt  }

// kernel: kernel.8.cloned.1.call-start
scs
__scs_entry_jumppad:
0x0: {  	(pc) =	sbr.rel $0x88, $3  }
0x1: {  	(tag) =	ssettag $0x0;
	lr =	simm.s32 $0x1  }
0x2: {  	[smem:$0x3F8F] =	sst lr;
	_ =	strace $0xD0000000  }
0x3: {  	_ = 	snop  }
0x4: {  	_ = 	snop  }
0x5: {  	_ = 	snop  }
0x6: {  	_ = 	snop  }
0x7: {  	_ = 	snop  }
__scs_overlays_trampoline_lowered:
0x8: {  	[smem:$0x3F9E] =	sst s0  }
0x9: {  	[smem:$0x3F9F] =	sst s1  }
0xa: {  	[smem:$0x3FA0] =	sst s2  }
0xb: {  	[smem:$0x3FA1] =	sst s3  }
0xc: {  	[smem:$0x3FA2] =	sst s4  }
0xd: {  	[smem:$0x3FA3] =	sst s5  }
0xe: {  	[smem:$0x3FA4] =	sst s6  }
0xf: {  	[smem:$0x3FA5] =	sst s7  }
0x10: {  	[smem:$0x3FA6] =	sst s8  }
0x11: {  	[smem:$0x3FA7] =	sst s9;
	s0 =	simm.s32 @!p0 $0x0  }
0x12: {  	s1 =	sld [smem:$0x3F8D];
	s0 =	simm.s32 @p0 $0x1  }
0x13: {  	[smem:$0x3FA8] =	sst s0;
	s0 =	simm.s32 @!p1 $0x0  }
0x14: {  	s2 =	sld [smem:$0x3F8C];
	s0 =	simm.s32 @p1 $0x1  }
0x15: {  	[smem:$0x3FA9] =	sst s0;
	s0 =	simm.s32 @!p2 $0x0  }
0x16: {  	s3 =	sld [smem:$0x3FDB];
	s0 =	simm.s32 @p2 $0x1  }
0x17: {  	s4 =	simm.s32 $0x1BF5;
	[smem:$0x3FAB] =	sst s0  }
0x18: {  	s0 =	sld [smem:$0x3F8E];
	_ =	swait.ge [sflag:s4], $0x0  }
0x19: {  	s7 =	sld [smem:$0x3F8F]  }
0x1a: {  	s8 =	sadd.s32 $0xFFFFE003, lr  }
0x1b: {  	s9 =	sadd.s32 $0xFFFFFEF7, lr;
	s5 =	simm.s32 $0xFFFFFFFF;
	p2 =	slt.u32 s8, $0xFFFFF086  }
0x1c: {  	p1 =	slt.u32 s9, $0xF7A;
	s5 =	simm.s32 @!p2 $0x0  }
0x1d: {  	s5 =	simm.s32 @p1 $0x1;
	p0 =	seq.s32 s7, s2  }
0x1e: {  	s7 =	smul.u32 @!p0 $0xF7A, s2;
	p2 =	seq.s32 @!p0 s5, $0x0  }
0x1f: {  	s9 =	smul.u32 $0xF7A, s1;
	s8 =	simm.s32 @!p0 $0x1BF5;
	p2 =	por !p2, p0  }
0x20: {  	[sflag:s8] =	ssyncset.s32 @!p0 $0xFFFFF086;
	s6 =	sadd.s32 @!p0 s3, s7;
	s7 =	simm.s32 @!p0 $0x108  }
0x21: {  	s3 =	sadd.s32 s3, s9;
	s6 =	sadd.s32 @!p0 $0x88, s6;
	s7 =	simm.s32 @p2 $0x1082  }
0x22: {  	[simem:s7], [sflag:s8] =	dma.local @!p0 [hbm:s6], $0xF7A  }
0x23: {  	s9 =	sor.u32 $0xD0000000, s2;
	s6 =	simm.s32 $0x108;
	_ =	swait.ge @!p0 [sflag:s8], $0x0  }
0x24: {  	s3 =	sadd.s32 $0x88, s3;
	s6 =	simm.s32 @!p1 $0x1082;
	[sflag:s4] =	ssyncset.s32 $0xFFFFF086  }
0x25: {  	[simem:s6], [sflag:s4] =	dma.local [hbm:s3], $0xF7A  }
0x26: {  	[smem:$0x3F8F] =	sst s1;
	(tag) =	ssettag s2;
	_ =	strace s9  }
0x27: {  	s1 =	sld [smem:$0x3F9F]  }
0x28: {  	s2 =	sld [smem:$0x3FA0]  }
0x29: {  	s4 =	sld [smem:$0x3FA2]  }
0x2a: {  	p0 =	seq.s32 s5, $0x0;
	s5 =	sld [smem:$0x3FA3]  }
0x2b: {  	s6 =	sld [smem:$0x3FA4]  }
0x2c: {  	s7 =	sld [smem:$0x3FA5]  }
0x2d: {  	s3 =	simm.s32 $0x108;
	s8 =	sld [smem:$0x3FA6]  }
0x2e: {  	s3 =	simm.s32 @!p0 $0x1082;
	s9 =	sld [smem:$0x3FA7]  }
0x2f: {  	lr =	sadd.s32 s0, s3;
	s0 =	sld [smem:$0x3F9E]  }
0x30: {  	s3 =	sld [smem:$0x3FA1]  }
0x31: {  	[smem:$0x3FAA] =	sst s10  }
0x32: {  	s10 =	sld [smem:$0x3FA8];
	_ =	sdelay $0x3  }
0x33: {  	p0 =	seq.s32 s10, $0x1;
	s10 =	sld [smem:$0x3FAA];
	_ =	sdelay $0x3  }
0x34: {  	[smem:$0x3FAA] =	sst s10  }
0x35: {  	s10 =	sld [smem:$0x3FA9];
	_ =	sdelay $0x3  }
0x36: {  	p1 =	seq.s32 s10, $0x1;
	s10 =	sld [smem:$0x3FAA];
	_ =	sdelay $0x3  }
0x37: {  	[smem:$0x3FAA] =	sst s10  }
0x38: {  	s10 =	sld [smem:$0x3FAB]  }
0x39: {  	_ = 	snop;
	(pc) =	sbr.ind lr, $3  }
0x3a: {  	_ = 	snop  }
0x3b: {  	_ = 	snop  }
0x3c: {  	p2 =	seq.s32 s10, $0x1;
	s10 =	sld [smem:$0x3FAA]  }
0x3d: {  	_ =	shalt  }
0x3e: {  	_ =	shalt  }
0x3f: {  	_ =	shalt  }
0x40: {  	_ =	shalt  }
0x41: {  	_ =	shalt  }
0x42: {  	_ =	shalt  }
0x43: {  	_ =	shalt  }
0x44: {  	_ =	shalt  }
0x45: {  	_ =	shalt  }
0x46: {  	_ =	shalt  }
0x47: {  	_ =	shalt  }
0x48: {  	_ =	shalt  }
0x49: {  	_ =	shalt  }
0x4a: {  	_ =	shalt  }
0x4b: {  	_ =	shalt  }
0x4c: {  	_ =	shalt  }
0x4d: {  	_ =	shalt  }
0x4e: {  	_ =	shalt  }
0x4f: {  	_ =	shalt  }
0x50: {  	_ =	shalt  }
0x51: {  	_ =	shalt  }
0x52: {  	_ =	shalt  }
0x53: {  	_ =	shalt  }
0x54: {  	_ =	shalt  }
0x55: {  	_ =	shalt  }
0x56: {  	_ =	shalt  }
0x57: {  	_ =	shalt  }
0x58: {  	_ =	shalt  }
0x59: {  	_ =	shalt  }
0x5a: {  	_ =	shalt  }
0x5b: {  	_ =	shalt  }
0x5c: {  	_ =	shalt  }
0x5d: {  	_ =	shalt  }
0x5e: {  	_ =	shalt  }
0x5f: {  	_ =	shalt  }
0x60: {  	_ =	shalt  }
0x61: {  	_ =	shalt  }
0x62: {  	_ =	shalt  }
0x63: {  	_ =	shalt  }
0x64: {  	_ =	shalt  }
0x65: {  	_ =	shalt  }
0x66: {  	_ =	shalt  }
0x67: {  	_ =	shalt  }
0x68: {  	_ =	shalt  }
0x69: {  	_ =	shalt  }
0x6a: {  	_ =	shalt  }
0x6b: {  	_ =	shalt  }
0x6c: {  	_ =	shalt  }
0x6d: {  	_ =	shalt  }
0x6e: {  	_ =	shalt  }
0x6f: {  	_ =	shalt  }
0x70: {  	_ =	shalt  }
0x71: {  	_ =	shalt  }
0x72: {  	_ =	shalt  }
0x73: {  	_ =	shalt  }
0x74: {  	_ =	shalt  }
0x75: {  	_ =	shalt  }
0x76: {  	_ =	shalt  }
0x77: {  	_ =	shalt  }
0x78: {  	_ =	shalt  }
0x79: {  	_ =	shalt  }
0x7a: {  	_ =	shalt  }
0x7b: {  	_ =	shalt  }
0x7c: {  	_ =	shalt  }
0x7d: {  	_ =	shalt  }
0x7e: {  	_ =	shalt  }
0x7f: {  	_ =	shalt  }
0x80: {  	_ =	shalt  }
0x81: {  	_ =	shalt  }
0x82: {  	_ =	shalt  }
0x83: {  	_ =	shalt  }
0x84: {  	_ =	shalt  }
0x85: {  	_ =	shalt  }
0x86: {  	_ =	shalt  }
0x87: {  	_ =	shalt  }
.Lfunc_end0:
.L_simem_size_0:
called_computation_lowered:
.L_overlay_start_0:
0x88: {  	s2 =	sld [smem:$0x3FD9]  }
0x89: {  	s3 =	sld [smem:$0x3FFE];
	_ =	sdelay $0x1  }
0x8a: {  	s1 =	srdreg.scid  }
0x8b: {  	s0 =	sand.u32 $0x1, s1  }
0x8c: {  	s16 =	sshll.u32 s0, $0xA;
	s2 =	sadd.s32 s3, s2  }
0x8d: {  	s2 =	sadd.s32 s2, s16  }
0x8e: {  	[smem:$0x3FB6] =	sst s2  }
0x8f: {  	_ = 	snop  }
0x90: {  	(tm) =	ssettm $0x1  }
0x91: {  	s17 =	sld [smem:$0x3FFB];
	_ =	sdelay $0x3  }
0x92: {  	_ =	strace s17  }
0x93: {  	s2 =	sld [smem:$0x3FFC];
	_ =	sdelay $0x3  }
0x94: {  	_ =	strace s2  }
0x95: {  	s2 =	sld [smem:$0x3FFD];
	_ =	sdelay $0x3  }
0x96: {  	_ =	strace s2  }
0x97: {  	_ =	strace $0x8FFFFFFF  }
0x98: {  	s18 =	sld [smem:$0x3FDB];
	_ =	sdelay $0x1  }
0x99: {  	s19 =	simm.s32 $_scs_section_size  }
0x9a: {  	s4 =	simm.s32 $_size__tile_overlayer_lowered;
	s5 =	simm.s32 $_tile_overlayer_lowered  }
0x9b: {  	s22 =	simm.s32 $0x1BFF;
	s21 =	sshll.u32 s5, $0x1;
	s2 =	sadd.s32 s19, s18  }
0x9c: {  	s6 =	simm.s32 $0x0;
	s20 =	sshll.u32 s4, $0x1;
	s4 =	sadd.s32 s21, s2  }
0x9d: {  	[timem:s6], [sflag:s22] =	dma.local [hbm:s4], s20  }
0x9e: {  	_ =	swait.ge [sflag:s22], s20  }
0x9f: {  	s3 =	ssub.s32 $0x0, s20;
	[sflag:s22] =	ssyncset.done $0x0  }
0xa0: {  	[sflag:s22] =	ssyncadd.s32 s3;
	_ =	sdelay $0x1  }
0xa1: {  	s23 =	simm.s32 $0x1B8B  }
0xa2: {  	_ =	swait.ge [sflag:s23], $0x1  }
0xa3: {  	[sflag:s23] =	ssyncset.done $0x0  }
0xa4: {  	s25 =	simm.s32 $0x1B8E;
	s24 =	sld [smem:$0x3FFE];
	[sflag:s23] =	ssyncadd.s32 $0xFFFFFFFF  }
0xa5: {  	s26 =	simm.s32 $execute0_lowered;
	[smem:$0x3FD2] =	sst s25  }
0xa6: {  	s4 =	sshll.u32 s26, $0x1;
	_ =	strace $0x80000046;
	[dreg:$0x1] =	wrdreg $0xFFFFFFFF  }
0xa7: {  	s28 =	simm.s32 $_size_execute0_lowered;
	s2 =	sadd.s32 s2, s4;
	[dreg:$0x0] =	wrdreg $0x0  }
0xa8: {  	s4 =	sshll.u32 s28, $0x1;
	[dreg:$0x2] =	wrdreg s2  }
0xa9: {  	[dreg:$0x3] =	wrdreg s4  }
0xaa: {  	[dreg:$0x4] =	wrdreg $0xC0  }
0xab: {  	_ =	task [dreg:s6], $0x5FFFF  }
0xac: {  	[dreg:$0x1] =	wrdreg $0xFFFFFFFF  }
0xad: {  	[dreg:$0x0] =	wrdreg $0x60  }
0xae: {  	[dreg:$0x2] =	wrdreg s24  }
0xaf: {  	[dreg:$0x3] =	wrdreg $0x2D000  }
0xb0: {  	[dreg:$0x4] =	wrdreg $0x9  }
0xb1: {  	_ =	task.clear_ibuf [dreg:s6], $0x5FFFF;
	_ =	strace $0x90000046  }
0xb2: {  	s29 =	simm.s32 $0x9;
	_ =	strace $0x80000048  }
0xb3: {  	_ =	swait.ge [sflag:s29], $0x1  }
0xb4: {  	[sflag:s29] =	ssyncadd.s32 $0xFFFFFFFF  }
0xb5: {  	_ =	strace $0x90000048  }
0xb6: {  	_ =	sfence  }
0xb7: {  	s30 =	sld [smem:$0x0];
	_ =	sdelay $0x2  }
0xb8: {  	s31 =	sshll.u32 s1, $0xD;
	s1 =	sshrl.u32 s1, $0x2  }
0xb9: {  	s3 =	sand.u32 $0x4000, s31;
	s1 =	sadd.s32 s1, s30  }
0xba: {  	s0 =	sor.u32 s3, s0;
	s1 =	sshll.u32 s1, $0x11  }
0xbb: {  	s0 =	sor.u32 s1, s0  }
0xbc: {  	s0 =	sadd.s32 $0x8F2B, s0  }
0xbd: {  	[sflag:s0] =	ssyncadd.remote.s32 $0x1  }
0xbe: {  	_ =	sfence.sel $0xFFFF  }
0xbf: {  	[dreg:$0x0] =	wrdreg $0xFFFFFFFF;
	(pc) =	sbr.abs _section_cstart, $3  }
0xc0: {  	[dreg:$0x1] =	wrdreg $0xFFFFFFFF  }
0xc1: {  	_ =	task.clear_ibuf [dreg:s6], $0x2FFFF;
	_ =	strace $0x9FFFFFFF  }
0xc2: {  	(tm) =	ssettm $0x7FFFFFFF  }
0xc3: {  	_ =	shalt  }
tec
execute0_lowered:
.L_overlay_start_1:
0x0: {  	(tag) =	ssettag $0x1  }
0x1: {  	s6 =	rddreg [dreg:$0x0]  }
0x2: {  	s2 =	rddreg [dreg:$0x1]  }
0x3: {  	s0 =	rddreg [dreg:$0x2]  }
0x4: {  	s4 =	srdreg.scid;
	s1 =	stileid.u32  }
0x5: {  	s3 =	simm.s32 $0x0;
	s13 =	simm.s32 $0x50;
	s14 =	simm.s32 $0x4  }
0x6: {  	s17 =	simm.f32 $1.000000000e+00;
	s18 =	simm.s32 $0x10;
	s19 =	simm.s32 $0x0  }
0x7: {  	s7 =	sand.u32 $0x1, s4;
	s25 =	smul.u32 $0x500, s1;
	[smem:$0x7FF] =	sst s3  }
0x8: {  	s8 =	sshll.u32 s1, $0x1;
	s9 =	sadd.s32 $0xD000, s6;
	p0 =	slt.u32 s1, $0xC  }
0x9: {  	s30 =	smul.u32 $0xA00, s1;
	s15 =	sshll.u32 s1, $0x6;
	s5 =	sshll.u32 s7, $0x7  }
0xa: {  	_ =	strace $0x80000047;
	s12 =	sor.u32 s7, s8;
	s26 =	ssub.s32 $0x2, s7  }
0xb: {  	s13 =	simm.s32 @!p0 $0x48;
	p0 =	seq.s32 s7, $0x0;
	s15 =	sor.u32 $0x1C01, s15  }
0xc: {  	s4 =	sor.u32 s5, s25;
	s8 =	smul.u32 $0x480, s12;
	s28 =	sshrl.u32 s26, $0x1  }
0xd: {  	p1 =	seq.s32 s12, $0x18;
	s29 =	sshll.u32 s12, $0x7;
	s31 =	sshrl.u32 s30, $0x2  }
0xe: {  	s17 =	simm.s32 @!p0 $0x0;
	p0 =	sgt.u32 s1, $0xB;
	s4 =	sshrl.u32 s4, $0x3  }
0xf: {  	s11 =	ssub.s32 s26, s28;
	s5 =	sadd.s32 s29, s9;
	s14 =	simm.s32 @!p1 $0x0  }
0x10: {  	s7 =	sadd.s32 s31, s2;
	p1 =	sne.s32 s12, $0x18;
	s12 =	simm.s32 $0x2A80  }
0x11: {  	v0 =	vmov s17;
	s17 =	simm.s32 $0x20;
	s10 =	sadd.s32 s4, s6;
	s4 =	sadd.s32 s9, s8  }
0x12: {  	s5 =	sadd.s32 $0x9000, s5;
	s6 =	sadd.s32 $0x16C00, s6;
	s9 =	smax.u32 s11, $0x1  }
0x13: {  	s11 =	simm.s32 $0x1;
	s16 =	sshrl.u32 s7, $0x3;
	s8 =	sadd.s32 $0x16E00, s10  }
0x14: {  	v1 =	vimm.f32 $1.000000000e+00;
	s10 =	sor.u32 s13, s14;
	s13 =	simm.s32 $0x80;
	s14 =	simm.s32 $0x2800  }
.LBB2_1:
0x15: {  	[tilespmem:s3], [sflag:$0x1] =	stream.linear.gather [hbm4b:s4+s3], $0x2400, $0x38;
	[tilespmem:$0x2F80] =	vst v63  }
0x16: {  	_ =	swait.ge [sflag:s11], $0x2400  }
0x17: {  	[sflag:s11] =	ssyncset.done $0x0  }
0x18: {  	s20 =	simm.s32 @!p0 $0x0;
	s21 =	simm.s32 @!p0 $0x2400;
	[sflag:s11] =	ssyncadd.s32 $0xFFFFDC00  }
0x19: {  	[tilespmem:s21], [sflag:$0x1] =	stream.linear.gather @!p0 [hbm4b:s5+s20], $0x400, $0x38;
	[tilespmem:$0x2F80] =	vst v63  }
0x1a: {  	s20 =	simm.s32 @!p0 $0x1  }
0x1b: {  	_ =	swait.ge @!p0 [sflag:s20], $0x400  }
0x1c: {  	[sflag:s20] =	ssyncset.done @!p0 $0x0  }
0x1d: {  	s21 =	simm.s32 @!p1 $0x2400;
	[sflag:s20] =	ssyncadd.s32 @!p0 $0xFFFFFC00;
	s20 =	simm.s32 @!p1 $0x0  }
0x1e: {  	[tilespmem:s21], [sflag:$0x1] =	stream.linear.gather @!p1 [hbm4b:s6+s20], $0x200, $0x38;
	[tilespmem:$0x2F80] =	vst v63  }
0x1f: {  	s20 =	simm.s32 @!p1 $0x1  }
0x20: {  	_ =	swait.ge @!p1 [sflag:s20], $0x200  }
0x21: {  	[sflag:s20] =	ssyncset.done @!p1 $0x0  }
0x22: {  	s21 =	simm.s32 $0x0;
	[sflag:s20] =	ssyncadd.s32 @!p1 $0xFFFFFE00;
	s20 =	simm.s32 $0x40  }
.LBB2_2:
0x23: {  	p2 =	sne.s32 s20, $0x9C0;
	[tilespmem:s21+$0x2800] =	vst v1;
	s22 =	smov.u32 s20;
	s20 =	sadd.s32 $0x40, s20  }
.Ltmp0:
0x24: {  	[tilespmem:s21+$0x2A80] =	vst v0;
	(pc) =	sbr.rel @p2 .LBB2_2-.Ltmp0, $2  }
0x25: {  	_ =	sdelay $0x2  }
0x26: {  	s21 =	sshra.s32 s22, $0x2  }
0x27: {  	[tilespmem:s21+$0x2800] =	vst v1  }
0x28: {  	[tilespmem:s21+$0x2A80] =	vst v0  }
0x29: {  	[spmem:s7] =	stream.linear.scatter [tilespmem:s12], [sflag:$0x1], $0x280, $0x38;
	[tilespmem:$0x2F80] =	vst v63  }
0x2a: {  	_ =	swait.ge [sflag:s11], $0x280  }
0x2b: {  	p2 =	sne.s32 s10, $0x1;
	[sflag:s11] =	ssyncset.done $0x0  }
.Ltmp1:
0x2c: {  	[sflag:s11] =	ssyncadd.s32 $0xFFFFFD80;
	(pc) =	sbr.rel @!p2 .LBB2_5-.Ltmp1, $4  }
0x2d: {  	s20 =	simm.s32 $0x0;
	[bflag:$0x0] =	sbarrier.arrive $0xFFFF  }
0x2e: {  	[spmem:s2] =	stream.indirect.scatter.add.f32 [tilespmem:s14], [sflag:$0x1], $0x1, s20, s13, $0xb8;
	[tilespmem:$0x2F80] =	vst v63  }
0x2f: {  	_ =	swait.ge [sflag:s11], $0x80  }
0x30: {  	s21 =	sadd.s32 $0xFFFFFFFF, s10;
	[sflag:s11] =	ssyncset.done $0x0  }
.LBB2_4:
0x31: {  	p2 =	sne.s32 s21, $0x1;
	[sflag:s11] =	ssyncadd.s32 $0xFFFFFF80;
	s20 =	sadd.s32 $0x80, s20  }
.Ltmp2:
0x32: {  	s21 =	sadd.s32 $0xFFFFFFFF, s21;
	(pc) =	sbr.rel @p2 .LBB2_4-.Ltmp2, $4  }
0x33: {  	_ = 	snop  }
0x34: {  	[spmem:s2] =	stream.indirect.scatter.add.f32 [tilespmem:s14], [sflag:$0x1], $0x1, s20, s13, $0xb8;
	[tilespmem:$0x2F80] =	vst v63  }
0x35: {  	_ =	swait.ge [sflag:s11], $0x80  }
0x36: {  	[sflag:s11] =	ssyncset.done $0x0  }
.LBB2_5:
0x37: {  	s19 =	sadd.s32 $0x1, s19  }
0x38: {  	[sflag:s11] =	ssyncadd.s32 $0xFFFFFF80;
	p2 =	sne.s32 s19, s9  }
.Ltmp3:
0x39: {  	[bflag:$0x0] =	sbarrier.arrive $0xFFFF;
	(pc) =	sbr.rel @p2 .LBB2_1-.Ltmp3, $4  }
0x3a: {  	[hbm:s8@s17], [sflag:s15] =	dma.strided [spmem:s16@s18], $0x50, s11, $0x10   }
0x3b: {  	_ =	swait.ge [sflag:s11], $0x50  }
0x3c: {  	[sflag:s11] =	ssyncset.done $0x0  }
0x3d: {  	[sflag:s11] =	ssyncadd.s32 $0xFFFFFFB0  }
0x3e: {  	_ =	sfence.sel $0x180000  }
0x3f: {  	[bflag:$0x0] =	sbarrier.arrive $0xFFFF  }
0x40: {  	p0 =	sne.s32 s1, $0x0;
	_ =	strace $0x90000047  }
0x41: {  	s0 =	sadd.s32 @!p0 $0x100000, s0;
	[bflag:$0x2] =	sbarrier.arrive $0xFFFF  }
0x42: {  	[sflag:s0] =	ssyncadd.tile.s32 @!p0 $0x1;
	_ =	shalt  }
.Lfunc_end2:
_tile_overlayer_lowered:
.L_overlay_start_2:
0x43: {  	(tag) =	ssettag $0x2  }
0x44: {  	s0 =	rddreg [dreg:$0x0];
	s2 =	stileid.u32  }
0x45: {  	s1 =	rddreg [dreg:$0x1];
	p0 =	sne.s32 s2, $0x0  }
0x46: {  	s3 =	rddreg [dreg:$0x2];
	[bflag:$0x3] =	sbarrier.arrive $0xFFFF;
	s2 =	simm.s32 @!p0 $0x1C01  }
0x47: {  	[timem:s3], [sflag:s2] =	dma.local @!p0 [hbm:s0], s1  }
0x48: {  	s0 =	simm.s32 @!p0 $0x1  }
0x49: {  	_ =	swait.ge @!p0 [sflag:s0], s1  }
0x4a: {  	s1 =	ssub.s32 @!p0 $0x0, s1;
	[sflag:s0] =	ssyncset.done @!p0 $0x0  }
0x4b: {  	[sflag:s0] =	ssyncadd.s32 @!p0 s1  }
0x4c: {  	[bflag:$0x3] =	sbarrier.arrive $0xFFFF  }
0x4d: {  	_ =	shalt  }

</sc_bundles>
